<compile_context>
chip_gen: v7x
topology: tpu7x:2x2x1
jax: 0.10.2.dev20260603
libtpu: 0.0.44.dev20260713+nightly
codegen_flags: <defaults>
</compile_context>

<pallas_src>
import functools

import jax
import jax.numpy as jnp
from jax import lax
from jax.experimental import pallas as pl
from jax.experimental.pallas import tpu as pltpu
from jax.experimental.pallas import tpu_sc as plsc

N = 2048
E = 65536
D = 256
H = 8
HD = D // H
EB = 2048
NB = E // EB

_F32 = jnp.float32
_BF16 = jnp.bfloat16


def _bn(x, w, b, eps=1e-5):
    mean = jnp.mean(x, axis=0, keepdims=True)
    xc = x - mean
    var = jnp.mean(xc * xc, axis=0, keepdims=True)
    return xc / jnp.sqrt(var + eps) * w + b


def _node_mlp(x, n1w, n1b, n2w, n2b):
    xh = jax.nn.silu(jnp.dot(x, n1w, preferred_element_type=_F32) + n1b)
    return jnp.dot(xh, n2w, preferred_element_type=_F32) + n2b


def _prep_kernel(row_ref, col_ref, x_ref, pos_ref,
                 n1w_ref, n1b_ref, n2w_ref, n2b_ref,
                 e1w1_ref, e1b1_ref, e2w1_ref, e2b1_ref,
                 e1w2_ref, e1b2_ref, e2w2_ref, e2b2_ref,
                 e1_ref, e2_ref, xt1_ref, cnt_ref, cnt_s):
    i = pl.program_id(0)

    @pl.when(i == 0)
    def _init():
        xt1_ref[...] = _node_mlp(x_ref[...], n1w_ref[...], n1b_ref[...],
                                 n2w_ref[...], n2b_ref[...])
        cnt_s[...] = jnp.zeros_like(cnt_s)

    row = row_ref[...]
    col = col_ref[...]
    iota = jax.lax.broadcasted_iota(jnp.int32, (EB, N), 1)
    rowoh = (row == iota).astype(_BF16)
    coloh = (col == iota).astype(_BF16)
    cnt_s[0:1, :] += jnp.sum(coloh.astype(_F32), axis=0, keepdims=True)

    rel = jnp.dot(rowoh - coloh, pos_ref[...],
                  preferred_element_type=_F32)
    relT = jax.lax.transpose(rel[:, 0:8], (1, 0))
    rx, ry, rz = relT[0:1, :], relT[1:2, :], relT[2:3, :]
    s = rx * rx + ry * ry + rz * rz
    el = jnp.sqrt(s + 1e-12)
    scale = 1.0 / (jnp.sqrt(s) + 1e-10 * el)
    dx, dy, dz = rx * scale, ry * scale, rz * scale

    sphT = jnp.concatenate([
        jnp.full_like(dx, 0.28209479177387814),
        0.4886025119029199 * dx, 0.4886025119029199 * dy,
        0.4886025119029199 * dz,
        1.0925484305920792 * dx * dy,
        1.0925484305920792 * dy * dz,
        0.31539156525252005 * (3.0 * dz * dz - 1.0),
        1.0925484305920792 * dx * dz,
        0.5462742152960396 * (dx * dx - dy * dy),
        jnp.zeros((7, EB), _F32)], axis=0)

    for e1w, e1b, e2w, e2b, e_ref in (
            (e1w1_ref, e1b1_ref, e2w1_ref, e2b1_ref, e1_ref),
            (e1w2_ref, e1b2_ref, e2w2_ref, e2b2_ref, e2_ref)):
        h1 = jax.lax.dot_general(sphT, e1w[...], (((0,), (0,)), ((), ())),
                                 preferred_element_type=_F32) + e1b[...]
        h1 = jax.nn.silu(h1).astype(_BF16)
        e_ref[...] = (jnp.dot(h1, e2w[...], preferred_element_type=_F32)
                      + e2b[...])

    @pl.when(i == NB - 1)
    def _fin():
        cnt_ref[...] = cnt_s[0:1, :]


def _conv_kernel(with_xt2, row_ref, col_ref, e_ref, xin_ref, xt_ref,
                 cnt_ref,
                 oaw_ref, oxw_ref, o1b_ref, o2w_ref, o2b_ref,
                 bnw_ref, bnb_ref, nw_ref, nb_ref,
                 *rest):
    if with_xt2:
        (n1w_ref, n1b_ref, n2w_ref, n2b_ref,
         h_ref, xt2_ref, xtb_s, agg_s) = rest
    else:
        h_ref, xtb_s, agg_s = rest
    i = pl.program_id(0)

    @pl.when(i == 0)
    def _init():
        xtb_s[...] = xt_ref[...].astype(_BF16)
        agg_s[...] = jnp.zeros_like(agg_s)

    row = row_ref[...]
    col = col_ref[...]
    iota = jax.lax.broadcasted_iota(jnp.int32, (EB, N), 1)
    rowoh = (row == iota).astype(_BF16)
    coloh = (col == iota).astype(_BF16)

    xtg = jnp.dot(rowoh, xtb_s[...], preferred_element_type=_F32)
    msgs = (xtg * e_ref[...]).astype(_BF16)
    agg_s[...] += jax.lax.dot_general(
        coloh, msgs, (((0,), (0,)), ((), ())), preferred_element_type=_F32)

    @pl.when(i == NB - 1)
    def _finalize():
        cnt = jnp.maximum(cnt_ref[...], 1.0)
        agg = agg_s[...] / cnt
        g1 = jax.nn.silu(
            jnp.dot(agg, oaw_ref[...], preferred_element_type=_F32)
            + jnp.dot(xin_ref[...], oxw_ref[...], preferred_element_type=_F32)
            + o1b_ref[...])
        out = (jnp.dot(g1, o2w_ref[...], preferred_element_type=_F32)
               + o2b_ref[...])
        out = _bn(out, bnw_ref[...], bnb_ref[...])
        h = jax.nn.silu(_bn(out, nw_ref[...], nb_ref[...]))
        h_ref[...] = h
        if with_xt2:
            xt2_ref[...] = _node_mlp(h, n1w_ref[...], n1b_ref[...],
                                     n2w_ref[...], n2b_ref[...])


SC_NC = 2
SC_NS = 16
SC_L = 16
SC_C = 512


def _sc_conv_kernel(row_hbm, col_hbm, xt_hbm, e_hbm, out_hbm,
                    row_v, col_v, e_v, xts_v, agg_v):
    c = lax.axis_index("c")
    s = lax.axis_index("s")
    eph = E // SC_NC
    nch = eph // SC_C

    pltpu.sync_copy(xt_hbm.at[s], xts_v)
    zero = jnp.zeros((SC_L,), _F32)

    def zrow(r, carry):
        agg_v[r, :] = zero
        return carry
    lax.fori_loop(0, N, zrow, 0)

    def chunk(j, carry):
        ebase = c * eph + j * SC_C
        pltpu.sync_copy(row_hbm.at[pl.ds(ebase, SC_C)], row_v)
        pltpu.sync_copy(col_hbm.at[pl.ds(ebase, SC_C)], col_v)
        pltpu.sync_copy(e_hbm.at[s, pl.ds(ebase, SC_C)], e_v)

        def grp(g, carry2):
            row16 = row_v[pl.ds(g * 16, 16)]
            col16 = col_v[pl.ds(g * 16, 16)]
            for j16 in range(16):
                r = row16[j16]
                cc = col16[j16]
                msg = xts_v[r, :] * e_v[g * 16 + j16, :]
                agg_v[cc, :] = agg_v[cc, :] + msg
            return carry2
        lax.fori_loop(0, SC_C // 16, grp, 0)
        return carry
    lax.fori_loop(0, nch, chunk, 0)

    pltpu.sync_copy(agg_v, out_hbm.at[c, s])


def _sc_conv_call(row_f, col_f, xt16, e16):
    return pl.kernel(
        _sc_conv_kernel,
        mesh=plsc.VectorSubcoreMesh(core_axis_name="c", subcore_axis_name="s"),
        compiler_params=pltpu.CompilerParams(use_tc_tiling_on_sc=False),
        out_type=pltpu.HBM((SC_NC, SC_NS, N, SC_L), _F32),
        scratch_types=[
            pltpu.VMEM((SC_C,), jnp.int32),
            pltpu.VMEM((SC_C,), jnp.int32),
            pltpu.VMEM((SC_C, SC_L), _F32),
            pltpu.VMEM((N, SC_L), _F32),
            pltpu.VMEM((N, SC_L), _F32),
        ],
    )(row_f, col_f, xt16, e16)


def _fin_kernel(with_xt2, a0_ref, a1_ref, xin_ref, cnt_ref,
                oaw_ref, oxw_ref, o1b_ref, o2w_ref, o2b_ref,
                bnw_ref, bnb_ref, nw_ref, nb_ref, *rest):
    if with_xt2:
        (n1w_ref, n1b_ref, n2w_ref, n2b_ref, h_ref, xt2_ref) = rest
    else:
        (h_ref,) = rest
    cnt = jnp.maximum(cnt_ref[...], 1.0)
    agg = (a0_ref[...] + a1_ref[...]) / cnt
    g1 = jax.nn.silu(
        jnp.dot(agg, oaw_ref[...], preferred_element_type=_F32)
        + jnp.dot(xin_ref[...], oxw_ref[...], preferred_element_type=_F32)
        + o1b_ref[...])
    out = (jnp.dot(g1, o2w_ref[...], preferred_element_type=_F32)
           + o2b_ref[...])
    out = _bn(out, bnw_ref[...], bnb_ref[...])
    h = jax.nn.silu(_bn(out, nw_ref[...], nb_ref[...]))
    h_ref[...] = h
    if with_xt2:
        xt2_ref[...] = _node_mlp(h, n1w_ref[...], n1b_ref[...],
                                 n2w_ref[...], n2b_ref[...])


def _fin_call(aggp, xin, cnt_col, w, node_w):
    with_xt2 = node_w is not None
    allw = list(w) + (list(node_w) if with_xt2 else [])
    nout = 2 if with_xt2 else 1
    out_specs = [_full((N, D))] * nout
    out_shape = [jax.ShapeDtypeStruct((N, D), _F32)] * nout
    a0 = aggp[0].transpose(1, 0, 2).reshape(N, D)
    a1 = aggp[1].transpose(1, 0, 2).reshape(N, D)
    return pl.pallas_call(
        functools.partial(_fin_kernel, with_xt2),
        grid=(1,),
        in_specs=([_full((N, D)), _full((N, D)), _full((N, D)),
                   _full((N, 1))] + [_full(a.shape) for a in allw]),
        out_specs=out_specs if with_xt2 else out_specs[0],
        out_shape=out_shape if with_xt2 else out_shape[0],
    )(a0, a1, xin, cnt_col, *allw)


def _attn_kernel(h_ref, wq_ref, bq_ref, wk_ref, bk_ref, wv_ref, bv_ref,
                 wo_ref, bo_ref, out_ref):
    i = pl.program_id(0)
    h = h_ref[...].astype(_BF16)
    q = jnp.dot(h, wq_ref[0], preferred_element_type=_F32) + bq_ref[0]
    k = jnp.dot(h, wk_ref[0], preferred_element_type=_F32) + bk_ref[0]
    v = jnp.dot(h, wv_ref[0], preferred_element_type=_F32) + bv_ref[0]
    s = jax.lax.dot_general(q.astype(_BF16), k.astype(_BF16),
                            (((1,), (1,)), ((), ())),
                            preferred_element_type=_F32) * (HD ** -0.5)
    p = jax.nn.softmax(s, axis=-1)
    o = jnp.dot(p.astype(_BF16), v.astype(_BF16),
                preferred_element_type=_F32)
    contrib = jnp.dot(o.astype(_BF16), wo_ref[0], preferred_element_type=_F32)

    @pl.when(i == 0)
    def _first():
        out_ref[...] = contrib + bo_ref[...]

    @pl.when(i > 0)
    def _rest():
        out_ref[...] += contrib


def _full(shape):
    return pl.BlockSpec(shape, lambda i: (0,) * len(shape))


def _eblk():
    return pl.BlockSpec((EB, 1), lambda i: (i, 0))


def _erow():
    return pl.BlockSpec((EB, D), lambda i: (i, 0))


def _prep_call(row, col, x, pos_p, w):
    in_specs = [_eblk(), _eblk(), _full((N, D)), _full((N, 128))]
    in_specs += [_full(a.shape) for a in w]
    return pl.pallas_call(
        _prep_kernel,
        grid=(NB,),
        in_specs=in_specs,
        out_specs=[_erow(), _erow(), _full((N, D)), _full((1, N))],
        out_shape=[jax.ShapeDtypeStruct((E, D), _F32),
                   jax.ShapeDtypeStruct((E, D), _F32),
                   jax.ShapeDtypeStruct((N, D), _F32),
                   jax.ShapeDtypeStruct((1, N), _F32)],
        scratch_shapes=[pltpu.VMEM((8, N), _F32)],
    )(row, col, x, pos_p, *w)


def _conv_call(row, col, e_all, xin, xt, cnt_col, w, node_w):
    with_xt2 = node_w is not None
    allw = list(w) + (list(node_w) if with_xt2 else [])
    in_specs = ([_eblk(), _eblk(), _erow(), _full((N, D)), _full((N, D)),
                 _full((N, 1))] + [_full(a.shape) for a in allw])
    out_specs = [_full((N, D))] * (2 if with_xt2 else 1)
    out_shape = [jax.ShapeDtypeStruct((N, D), _F32)] * (2 if with_xt2 else 1)
    res = pl.pallas_call(
        functools.partial(_conv_kernel, with_xt2),
        grid=(NB,),
        in_specs=in_specs,
        out_specs=out_specs if with_xt2 else out_specs[0],
        out_shape=out_shape if with_xt2 else out_shape[0],
        scratch_shapes=[pltpu.VMEM((N, D), _BF16),
                        pltpu.VMEM((N, D), _F32)],
    )(row, col, e_all, xin, xt, cnt_col, *allw)
    return res


def _attn_call(h, p):
    wq = p["attn_q_w"].reshape(D, H, HD).transpose(1, 0, 2).astype(_BF16)
    wk = p["attn_k_w"].reshape(D, H, HD).transpose(1, 0, 2).astype(_BF16)
    wv = p["attn_v_w"].reshape(D, H, HD).transpose(1, 0, 2).astype(_BF16)
    bq = p["attn_q_b"].reshape(H, 1, HD)
    bk = p["attn_k_b"].reshape(H, 1, HD)
    bv = p["attn_v_b"].reshape(H, 1, HD)
    wo = p["attn_o_w"].reshape(H, HD, D).astype(_BF16)
    bo = p["attn_o_b"].reshape(1, D)
    hw = pl.BlockSpec((1, D, HD), lambda i: (i, 0, 0))
    hb = pl.BlockSpec((1, 1, HD), lambda i: (i, 0, 0))
    ho = pl.BlockSpec((1, HD, D), lambda i: (i, 0, 0))
    return pl.pallas_call(
        _attn_kernel,
        grid=(H,),
        in_specs=[_full((N, D)), hw, hb, hw, hb, hw, hb, ho, _full((1, D))],
        out_specs=_full((N, D)),
        out_shape=jax.ShapeDtypeStruct((N, D), _F32),
    )(h, wq, bq, wk, bk, wv, bv, wo, bo)


def _pad16(w):
    return jnp.pad(w, ((0, 16 - w.shape[0]), (0, 0)))


def kernel(x, edge_index, edge_attr, pos, params):
    p = params
    b = lambda name: p[name + "_b"].reshape(1, D)
    row = edge_index[0].reshape(E, 1)
    col = edge_index[1].reshape(E, 1)
    pos_p = jnp.pad(pos, ((0, 0), (0, 128 - pos.shape[1]))).astype(_BF16)

    prep_w = (p["conv1_node1_w"], b("conv1_node1"),
              p["conv1_node2_w"], b("conv1_node2"),
              _pad16(p["conv1_edge1_w"]), b("conv1_edge1"),
              p["conv1_edge2_w"].astype(_BF16), b("conv1_edge2"),
              _pad16(p["conv2_edge1_w"]), b("conv2_edge1"),
              p["conv2_edge2_w"].astype(_BF16), b("conv2_edge2"))
    e1_all, e2_all, xt1, cnt = _prep_call(row, col, x, pos_p, prep_w)
    cnt_col = cnt.reshape(N, 1)

    def conv_w(prefix):
        o1w = p[prefix + "_out1_w"]
        return (o1w[:D], o1w[D:], b(prefix + "_out1"),
                p[prefix + "_out2_w"], b(prefix + "_out2"),
                p[prefix + "_bn_w"].reshape(1, D), p[prefix + "_bn_b"].reshape(1, D))

    bn1 = (p["norm1_w"].reshape(1, D), p["norm1_b"].reshape(1, D))
    bn2 = (p["norm2_w"].reshape(1, D), p["norm2_b"].reshape(1, D))
    node2_w = (p["conv2_node1_w"], b("conv2_node1"),
               p["conv2_node2_w"], b("conv2_node2"))

    row_f = edge_index[0].reshape(E)
    col_f = edge_index[1].reshape(E)

    def col_major(a, n):
        return a.reshape(n, SC_NS, SC_L).transpose(1, 0, 2)

    aggp1 = _sc_conv_call(row_f, col_f, col_major(xt1, N),
                          col_major(e1_all, E))
    h1, xt2 = _fin_call(aggp1, x, cnt_col, conv_w("conv1") + bn1, node2_w)
    aggp2 = _sc_conv_call(row_f, col_f, col_major(xt2, N),
                          col_major(e2_all, E))
    h2 = _fin_call(aggp2, h1, cnt_col, conv_w("conv2") + bn2, None)
    return _attn_call(h2, p)

# --- scband reference (transcript-rebuilt; emitter-appended) ---
"""Pipeline reference for scband-equivariant-block-34041910788189 (READ-ONLY COPY).

The authoritative reference and input builder live on the scoring server;
editing this copy changes nothing except your own understanding.
"""

import jax, jax.numpy as jnp
import numpy as np

N = 2048
E = 65536
D_IN = 256
D_OUT = 256
H = 8

def _linear_init(key, fan_in, fan_out):
    k1, k2 = jax.random.split(key)
    lim = 1.0 / np.sqrt(fan_in)
    w = jax.random.uniform(k1, (fan_in, fan_out), minval=-lim, maxval=lim, dtype=jnp.float32)
    b = jax.random.uniform(k2, (fan_out,), minval=-lim, maxval=lim, dtype=jnp.float32)
    return w, b

def _make_params(key):
    p = {}
    specs = []
    for cv, din in (("conv1", D_IN), ("conv2", D_OUT)):
        specs += [(cv + "_node1", din, D_OUT), (cv + "_node2", D_OUT, D_OUT),
                  (cv + "_edge1", 9, D_OUT), (cv + "_edge2", D_OUT, D_OUT),
                  (cv + "_out1", D_OUT + din, D_OUT), (cv + "_out2", D_OUT, D_OUT)]
    specs += [("attn_q", D_OUT, D_OUT), ("attn_k", D_OUT, D_OUT), ("attn_v", D_OUT, D_OUT), ("attn_o", D_OUT, D_OUT)]
    for i, (name, fi, fo) in enumerate(specs):
        w, b = _linear_init(jax.random.fold_in(key, i), fi, fo)
        p[name + "_w"] = w
        p[name + "_b"] = b
    for bn in ("conv1_bn", "conv2_bn", "norm1", "norm2"):
        p[bn + "_w"] = jnp.ones((D_OUT,), jnp.float32)
        p[bn + "_b"] = jnp.zeros((D_OUT,), jnp.float32)
    return p

def _dense(p, name, x):
    return x @ p[name + "_w"] + p[name + "_b"]

def _mlp(p, prefix, x):
    return _dense(p, prefix + "2", jax.nn.silu(_dense(p, prefix + "1", x)))

def _sph_harm(d):
    x, y, z = d[:, 0], d[:, 1], d[:, 2]
    return jnp.stack([
        jnp.full_like(x, 0.28209479177387814),
        0.4886025119029199 * x, 0.4886025119029199 * y, 0.4886025119029199 * z,
        1.0925484305920792 * x * y,
        1.0925484305920792 * y * z,
        0.31539156525252005 * (3.0 * z * z - 1.0),
        1.0925484305920792 * x * z,
        0.5462742152960396 * (x * x - y * y)], axis=1)

def _batch_norm(x, w, b, eps=1e-5):
    mean = jnp.mean(x, axis=0, keepdims=True)
    xc = x - mean
    var = jnp.mean(xc * xc, axis=0, keepdims=True)
    return xc / jnp.sqrt(var + eps) * w + b

def _conv(p, prefix, x, edge_index, edge_attr, pos):
    row, col = edge_index[0], edge_index[1]
    rel = pos[row] - pos[col]
    el = jnp.sqrt(jnp.sum(rel * rel, axis=1, keepdims=True) + 1e-12)
    zmask = el < 1e-10
    d = rel / jnp.where(zmask, jnp.ones_like(el), el)
    fixed = jnp.array([[1.0, 0.0, 0.0]], dtype=d.dtype)
    d = jnp.where(jnp.broadcast_to(zmask, d.shape), jnp.broadcast_to(fixed, d.shape), d)
    d = d / (jnp.linalg.norm(d, axis=1, keepdims=True) + 1e-10)
    d = jnp.nan_to_num(d, nan=0.0, posinf=0.0, neginf=0.0)
    ef = jnp.concatenate([_sph_harm(d), edge_attr], axis=1)
    xt = _mlp(p, prefix + "_node", x)
    e = _mlp(p, prefix + "_edge", ef)
    msgs = xt[row] * e
    n = x.shape[0]
    agg = jax.ops.segment_sum(msgs, col, num_segments=n)
    cnt = jax.ops.segment_sum(jnp.ones((msgs.shape[0],), msgs.dtype), col, num_segments=n)
    agg = agg / jnp.clip(cnt, 1.0, None)[:, None]
    out = _mlp(p, prefix + "_out", jnp.concatenate([agg, x], axis=1))
    return _batch_norm(out, p[prefix + "_bn_w"], p[prefix + "_bn_b"])

def _attention(p, x3):
    b, s, _ = x3.shape
    hd = D_OUT // H
    q = _dense(p, "attn_q", x3).reshape(b, s, H, hd).transpose(0, 2, 1, 3)
    k = _dense(p, "attn_k", x3).reshape(b, s, H, hd).transpose(0, 2, 1, 3)
    v = _dense(p, "attn_v", x3).reshape(b, s, H, hd).transpose(0, 2, 1, 3)
    attn = jax.nn.softmax(jnp.einsum("bhqd,bhkd->bhqk", q, k) * (hd ** -0.5), axis=-1)
    o = jnp.einsum("bhqk,bhkd->bhqd", attn, v).transpose(0, 2, 1, 3).reshape(b, s, D_OUT)
    return _dense(p, "attn_o", o)

def _forward(params, x, edge_attr, pos, edge_index):
    h = _conv(params, "conv1", x, edge_index, edge_attr, pos)
    h = jax.nn.silu(_batch_norm(h, params["norm1_w"], params["norm1_b"]))
    h = _conv(params, "conv2", h, edge_index, edge_attr, pos)
    h = jax.nn.silu(_batch_norm(h, params["norm2_w"], params["norm2_b"]))
    return _attention(params, h[None])[0]

def setup_inputs(seed: int = 0):
    key = jax.random.key(seed)
    ks = jax.random.split(key, 5)
    x = jax.random.normal(ks[0], (N, D_IN), dtype=jnp.float32)
    edge_index = jax.random.randint(ks[1], (2, E), 0, N, dtype=jnp.int32)
    edge_attr = jax.random.normal(ks[2], (E, 0), dtype=jnp.float32)
    pos = jax.random.normal(ks[3], (N, 3), dtype=jnp.float32)
    params = _make_params(ks[4])
    return {"x": x, "edge_index": edge_index, "edge_attr": edge_attr, "pos": pos, "params": params}

def reference(x, edge_index, edge_attr, pos, params):
    return _forward(params, x, edge_attr, pos, edge_index)

if __name__ == "__main__":
    import jax
    _d = setup_inputs()
    print(jax.jit(kernel)(*tuple(_d.values())))

</pallas_src>

<mosaic_0001>
#map = affine_map<(d0, d1) -> (0)>
#map1 = affine_map<(d0, d1) -> (0, 0, 0)>
#map2 = affine_map<(d0, d1) -> (0, 0, 0, 0)>
module attributes {stable_mosaic.version = 14 : i64} {
  func.func @_sc_conv_kernel(%arg0: i32, %arg1: i32, %arg2: memref<65536xi32, #tpu.memory_space<hbm>>, %arg3: memref<65536xi32, #tpu.memory_space<hbm>>, %arg4: memref<16x2048x16xf32, #tpu.memory_space<hbm>>, %arg5: memref<16x65536x16xf32, #tpu.memory_space<hbm>>, %arg6: memref<2x16x2048x16xf32, #tpu.memory_space<hbm>>, %arg7: memref<512xi32, #tpu.memory_space<vmem>>, %arg8: memref<512xi32, #tpu.memory_space<vmem>>, %arg9: memref<512x16xf32, #tpu.memory_space<vmem>>, %arg10: memref<2048x16xf32, #tpu.memory_space<vmem>>, %arg11: memref<2048x16xf32, #tpu.memory_space<vmem>>) attributes {dimension_semantics = [#tpu.dimension_semantics<core_parallel>, #tpu.dimension_semantics<subcore_parallel>], iteration_bounds = array<i64: 2, 16>, scalar_prefetch = 0 : i64, scratch_operands = 5 : i64, tpu.core_type = #tpu.core_type<sc_vector_subcore>, window_params = [{transform_indices = #map}, {transform_indices = #map}, {transform_indices = #map1}, {transform_indices = #map1}, {transform_indices = #map2}]} {
    "tpu.region"() ({
      %run_scoped3A = tpu.sem_alloc : memref<!tpu.dma_semaphore, #tpu.memory_space<semaphore_mem>>
      %dma_start3A = arith.constant 0 : i32
      %dma_start3A_12 = arith.constant 0 : i32
      %dma_start3A_13 = tpu.memref_slice %arg4[%arg1, %dma_start3A, %dma_start3A_12] : memref<16x2048x16xf32, #tpu.memory_space<hbm>> -> memref<1x2048x16xf32, #tpu.memory_space<hbm>>
      %dma_start3A_14 = tpu.memref_squeeze %dma_start3A_13 : memref<1x2048x16xf32, #tpu.memory_space<hbm>> -> memref<2048x16xf32, #tpu.memory_space<hbm>>
      %dma_start3A_15 = arith.constant 0 : i32
      %dma_start3A_16 = arith.constant 0 : i32
      %dma_start3A_17 = tpu.memref_slice %arg4[%arg1, %dma_start3A_15, %dma_start3A_16] : memref<16x2048x16xf32, #tpu.memory_space<hbm>> -> memref<1x2048x16xf32, #tpu.memory_space<hbm>>
      %dma_start3A_18 = tpu.memref_squeeze %dma_start3A_17 : memref<1x2048x16xf32, #tpu.memory_space<hbm>> -> memref<2048x16xf32, #tpu.memory_space<hbm>>
      tpu.enqueue_dma source(%dma_start3A_18 : memref<2048x16xf32, #tpu.memory_space<hbm>>) target(%arg10 : memref<2048x16xf32, #tpu.memory_space<vmem>>) target_semaphore(%run_scoped3A : memref<!tpu.dma_semaphore, #tpu.memory_space<semaphore_mem>>)
      %dma_wait3A = arith.constant 0 : i32
      %dma_wait3A_19 = arith.constant 0 : i32
      %dma_wait3A_20 = tpu.memref_slice %arg4[%arg1, %dma_wait3A, %dma_wait3A_19] : memref<16x2048x16xf32, #tpu.memory_space<hbm>> -> memref<1x2048x16xf32, #tpu.memory_space<hbm>>
      %dma_wait3A_21 = tpu.memref_squeeze %dma_wait3A_20 : memref<1x2048x16xf32, #tpu.memory_space<hbm>> -> memref<2048x16xf32, #tpu.memory_space<hbm>>
      %dma_wait3A_22 = arith.constant 0 : i32
      %dma_wait3A_23 = arith.constant 0 : i32
      %dma_wait3A_24 = tpu.memref_slice %arg4[%arg1, %dma_wait3A_22, %dma_wait3A_23] : memref<16x2048x16xf32, #tpu.memory_space<hbm>> -> memref<1x2048x16xf32, #tpu.memory_space<hbm>>
      %dma_wait3A_25 = tpu.memref_squeeze %dma_wait3A_24 : memref<1x2048x16xf32, #tpu.memory_space<hbm>> -> memref<2048x16xf32, #tpu.memory_space<hbm>>
      tpu.wait_dma2 semaphore(%run_scoped3A : memref<!tpu.dma_semaphore, #tpu.memory_space<semaphore_mem>>) src(%dma_wait3A_25 : memref<2048x16xf32, #tpu.memory_space<hbm>>) dst(%arg10 : memref<2048x16xf32, #tpu.memory_space<vmem>>)
      tpu.yield
    }) : () -> ()
    %broadcast_in_dim3A = arith.constant 0.000000e+00 : f32
    %broadcast_in_dim3A_0 = vector.broadcast %broadcast_in_dim3A : f32 to vector<16xf32>
    %scan3A = arith.constant 0 : i32
    %scan3A_1 = arith.constant 0 : i32
    %scan3A_2 = arith.constant 2048 : i32
    %scan3A_3 = arith.addi %scan3A_1, %scan3A_2 : i32
    %scan3A_4 = arith.constant 1 : i32
    scf.for %scan3A_12 = %scan3A_1 to %scan3A_3 step %scan3A_4  : i32 {
      %swap3A = arith.index_cast %scan3A_12 : i32 to index
      %swap3A_13 = arith.constant 0 : index
      %swap3A_14 = tpu.vector_load %arg11[%swap3A, %swap3A_13] {strides = array<i32>} : memref<2048x16xf32, #tpu.memory_space<vmem>>, vector<1x16xf32>,
      %swap3A_15 = vector.shape_cast %swap3A_14 : vector<1x16xf32> to vector<16xf32>
      %swap3A_16 = vector.shape_cast %broadcast_in_dim3A_0 : vector<16xf32> to vector<1x16xf32>
      tpu.vector_store %arg11[%swap3A, %swap3A_13], %swap3A_16 {strides = array<i32>} : memref<2048x16xf32, #tpu.memory_space<vmem>>, vector<1x16xf32>,
    }
    %scan3A_5 = arith.constant 2048 : i32
    %scan3A_6 = arith.constant 0 : i32
    %scan3A_7 = arith.constant 0 : i32
    %scan3A_8 = arith.constant 64 : i32
    %scan3A_9 = arith.addi %scan3A_7, %scan3A_8 : i32
    %scan3A_10 = arith.constant 1 : i32
    scf.for %scan3A_12 = %scan3A_7 to %scan3A_9 step %scan3A_10  : i32 {
      %mul3A = arith.constant 32768 : i32
      %mul3A_13 = arith.muli %arg0, %mul3A : i32
      %mul3A_14 = arith.constant 512 : i32
      %mul3A_15 = arith.muli %scan3A_12, %mul3A_14 : i32
      %add3A = arith.addi %mul3A_13, %mul3A_15 : i32
      "tpu.region"() ({
        %run_scoped3A = tpu.sem_alloc : memref<!tpu.dma_semaphore, #tpu.memory_space<semaphore_mem>>
        %dma_start3A = tpu.memref_slice %arg2[%add3A] : memref<65536xi32, #tpu.memory_space<hbm>> -> memref<512xi32, #tpu.memory_space<hbm>>
        %dma_start3A_22 = tpu.memref_slice %arg2[%add3A] : memref<65536xi32, #tpu.memory_space<hbm>> -> memref<512xi32, #tpu.memory_space<hbm>>
        tpu.enqueue_dma source(%dma_start3A_22 : memref<512xi32, #tpu.memory_space<hbm>>) target(%arg7 : memref<512xi32, #tpu.memory_space<vmem>>) target_semaphore(%run_scoped3A : memref<!tpu.dma_semaphore, #tpu.memory_space<semaphore_mem>>)
        %dma_wait3A = tpu.memref_slice %arg2[%add3A] : memref<65536xi32, #tpu.memory_space<hbm>> -> memref<512xi32, #tpu.memory_space<hbm>>
        %dma_wait3A_23 = tpu.memref_slice %arg2[%add3A] : memref<65536xi32, #tpu.memory_space<hbm>> -> memref<512xi32, #tpu.memory_space<hbm>>
        tpu.wait_dma2 semaphore(%run_scoped3A : memref<!tpu.dma_semaphore, #tpu.memory_space<semaphore_mem>>) src(%dma_wait3A_23 : memref<512xi32, #tpu.memory_space<hbm>>) dst(%arg7 : memref<512xi32, #tpu.memory_space<vmem>>)
        tpu.yield
      }) : () -> ()
      "tpu.region"() ({
        %run_scoped3A = tpu.sem_alloc : memref<!tpu.dma_semaphore, #tpu.memory_space<semaphore_mem>>
        %dma_start3A = tpu.memref_slice %arg3[%add3A] : memref<65536xi32, #tpu.memory_space<hbm>> -> memref<512xi32, #tpu.memory_space<hbm>>
        %dma_start3A_22 = tpu.memref_slice %arg3[%add3A] : memref<65536xi32, #tpu.memory_space<hbm>> -> memref<512xi32, #tpu.memory_space<hbm>>
        tpu.enqueue_dma source(%dma_start3A_22 : memref<512xi32, #tpu.memory_space<hbm>>) target(%arg8 : memref<512xi32, #tpu.memory_space<vmem>>) target_semaphore(%run_scoped3A : memref<!tpu.dma_semaphore, #tpu.memory_space<semaphore_mem>>)
        %dma_wait3A = tpu.memref_slice %arg3[%add3A] : memref<65536xi32, #tpu.memory_space<hbm>> -> memref<512xi32, #tpu.memory_space<hbm>>
        %dma_wait3A_23 = tpu.memref_slice %arg3[%add3A] : memref<65536xi32, #tpu.memory_space<hbm>> -> memref<512xi32, #tpu.memory_space<hbm>>
        tpu.wait_dma2 semaphore(%run_scoped3A : memref<!tpu.dma_semaphore, #tpu.memory_space<semaphore_mem>>) src(%dma_wait3A_23 : memref<512xi32, #tpu.memory_space<hbm>>) dst(%arg8 : memref<512xi32, #tpu.memory_space<vmem>>)
        tpu.yield
      }) : () -> ()
      "tpu.region"() ({
        %run_scoped3A = tpu.sem_alloc : memref<!tpu.dma_semaphore, #tpu.memory_space<semaphore_mem>>
        %dma_start3A = arith.constant 0 : i32
        %dma_start3A_22 = tpu.memref_slice %arg5[%arg1, %add3A, %dma_start3A] : memref<16x65536x16xf32, #tpu.memory_space<hbm>> -> memref<1x512x16xf32, #tpu.memory_space<hbm>>
        %dma_start3A_23 = tpu.memref_squeeze %dma_start3A_22 : memref<1x512x16xf32, #tpu.memory_space<hbm>> -> memref<512x16xf32, #tpu.memory_space<hbm>>
        %dma_start3A_24 = arith.constant 0 : i32
        %dma_start3A_25 = tpu.memref_slice %arg5[%arg1, %add3A, %dma_start3A_24] : memref<16x65536x16xf32, #tpu.memory_space<hbm>> -> memref<1x512x16xf32, #tpu.memory_space<hbm>>
        %dma_start3A_26 = tpu.memref_squeeze %dma_start3A_25 : memref<1x512x16xf32, #tpu.memory_space<hbm>> -> memref<512x16xf32, #tpu.memory_space<hbm>>
        tpu.enqueue_dma source(%dma_start3A_26 : memref<512x16xf32, #tpu.memory_space<hbm>>) target(%arg9 : memref<512x16xf32, #tpu.memory_space<vmem>>) target_semaphore(%run_scoped3A : memref<!tpu.dma_semaphore, #tpu.memory_space<semaphore_mem>>)
        %dma_wait3A = arith.constant 0 : i32
        %dma_wait3A_27 = tpu.memref_slice %arg5[%arg1, %add3A, %dma_wait3A] : memref<16x65536x16xf32, #tpu.memory_space<hbm>> -> memref<1x512x16xf32, #tpu.memory_space<hbm>>
        %dma_wait3A_28 = tpu.memref_squeeze %dma_wait3A_27 : memref<1x512x16xf32, #tpu.memory_space<hbm>> -> memref<512x16xf32, #tpu.memory_space<hbm>>
        %dma_wait3A_29 = arith.constant 0 : i32
        %dma_wait3A_30 = tpu.memref_slice %arg5[%arg1, %add3A, %dma_wait3A_29] : memref<16x65536x16xf32, #tpu.memory_space<hbm>> -> memref<1x512x16xf32, #tpu.memory_space<hbm>>
        %dma_wait3A_31 = tpu.memref_squeeze %dma_wait3A_30 : memref<1x512x16xf32, #tpu.memory_space<hbm>> -> memref<512x16xf32, #tpu.memory_space<hbm>>
        tpu.wait_dma2 semaphore(%run_scoped3A : memref<!tpu.dma_semaphore, #tpu.memory_space<semaphore_mem>>) src(%dma_wait3A_31 : memref<512x16xf32, #tpu.memory_space<hbm>>) dst(%arg9 : memref<512x16xf32, #tpu.memory_space<vmem>>)
        tpu.yield
      }) : () -> ()
      %scan3A_16 = arith.constant 0 : i32
      %scan3A_17 = arith.constant 0 : i32
      %scan3A_18 = arith.constant 32 : i32
      %scan3A_19 = arith.addi %scan3A_17, %scan3A_18 : i32
      %scan3A_20 = arith.constant 1 : i32
      scf.for %scan3A_22 = %scan3A_17 to %scan3A_19 step %scan3A_20  : i32 {
        %mul3A_23 = arith.constant 16 : i32
        %mul3A_24 = arith.muli %scan3A_22, %mul3A_23 : i32
        %get3A = arith.index_cast %mul3A_24 : i32 to index
        %get3A_25 = tpu.vector_load %arg7[%get3A] {strides = array<i32>} : memref<512xi32, #tpu.memory_space<vmem>>, vector<16xi32>,
        %get3A_26 = vector.shape_cast %get3A_25 : vector<16xi32> to vector<16xi32>
        %mul3A_27 = arith.constant 16 : i32
        %mul3A_28 = arith.muli %scan3A_22, %mul3A_27 : i32
        %get3A_29 = arith.index_cast %mul3A_28 : i32 to index
        %get3A_30 = tpu.vector_load %arg8[%get3A_29] {strides = array<i32>} : memref<512xi32, #tpu.memory_space<vmem>>, vector<16xi32>,
        %get3A_31 = vector.shape_cast %get3A_30 : vector<16xi32> to vector<16xi32>
        %slice3A = vector.extract_strided_slice %get3A_26 {offsets = [0], sizes = [1], strides = [1]} : vector<16xi32> to vector<1xi32>
        %squeeze3A = vector.extract %slice3A[0] : i32 from vector<1xi32>
        %slice3A_32 = vector.extract_strided_slice %get3A_31 {offsets = [0], sizes = [1], strides = [1]} : vector<16xi32> to vector<1xi32>
        %squeeze3A_33 = vector.extract %slice3A_32[0] : i32 from vector<1xi32>
        %get3A_34 = arith.index_cast %squeeze3A : i32 to index
        %get3A_35 = arith.constant 0 : index
        %get3A_36 = tpu.vector_load %arg10[%get3A_34, %get3A_35] {strides = array<i32>} : memref<2048x16xf32, #tpu.memory_space<vmem>>, vector<1x16xf32>,
        %get3A_37 = vector.shape_cast %get3A_36 : vector<1x16xf32> to vector<16xf32>
        %mul3A_38 = arith.constant 16 : i32
        %mul3A_39 = arith.muli %scan3A_22, %mul3A_38 : i32
        %add3A_40 = arith.constant 0 : i32
        %add3A_41 = arith.addi %mul3A_39, %add3A_40 : i32
        %get3A_42 = arith.index_cast %add3A_41 : i32 to index
        %get3A_43 = arith.constant 0 : index
        %get3A_44 = tpu.vector_load %arg9[%get3A_42, %get3A_43] {strides = array<i32>} : memref<512x16xf32, #tpu.memory_space<vmem>>, vector<1x16xf32>,
        %get3A_45 = vector.shape_cast %get3A_44 : vector<1x16xf32> to vector<16xf32>
        %mul3A_46 = arith.mulf %get3A_37, %get3A_45 : vector<16xf32>
        %get3A_47 = arith.index_cast %squeeze3A_33 : i32 to index
        %get3A_48 = arith.constant 0 : index
        %get3A_49 = tpu.vector_load %arg11[%get3A_47, %get3A_48] {strides = array<i32>} : memref<2048x16xf32, #tpu.memory_space<vmem>>, vector<1x16xf32>,
        %get3A_50 = vector.shape_cast %get3A_49 : vector<1x16xf32> to vector<16xf32>
        %add3A_51 = arith.addf %get3A_50, %mul3A_46 : vector<16xf32>
        %swap3A = arith.index_cast %squeeze3A_33 : i32 to index
        %swap3A_52 = arith.constant 0 : index
        %swap3A_53 = tpu.vector_load %arg11[%swap3A, %swap3A_52] {strides = array<i32>} : memref<2048x16xf32, #tpu.memory_space<vmem>>, vector<1x16xf32>,
        %swap3A_54 = vector.shape_cast %swap3A_53 : vector<1x16xf32> to vector<16xf32>
        %swap3A_55 = vector.shape_cast %add3A_51 : vector<16xf32> to vector<1x16xf32>
        tpu.vector_store %arg11[%swap3A, %swap3A_52], %swap3A_55 {strides = array<i32>} : memref<2048x16xf32, #tpu.memory_space<vmem>>, vector<1x16xf32>,
        %slice3A_56 = vector.extract_strided_slice %get3A_26 {offsets = [1], sizes = [1], strides = [1]} : vector<16xi32> to vector<1xi32>
        %squeeze3A_57 = vector.extract %slice3A_56[0] : i32 from vector<1xi32>
        %slice3A_58 = vector.extract_strided_slice %get3A_31 {offsets = [1], sizes = [1], strides = [1]} : vector<16xi32> to vector<1xi32>
        %squeeze3A_59 = vector.extract %slice3A_58[0] : i32 from vector<1xi32>
        %get3A_60 = arith.index_cast %squeeze3A_57 : i32 to index
        %get3A_61 = arith.constant 0 : index
        %get3A_62 = tpu.vector_load %arg10[%get3A_60, %get3A_61] {strides = array<i32>} : memref<2048x16xf32, #tpu.memory_space<vmem>>, vector<1x16xf32>,
        %get3A_63 = vector.shape_cast %get3A_62 : vector<1x16xf32> to vector<16xf32>
        %mul3A_64 = arith.constant 16 : i32
        %mul3A_65 = arith.muli %scan3A_22, %mul3A_64 : i32
        %add3A_66 = arith.constant 1 : i32
        %add3A_67 = arith.addi %mul3A_65, %add3A_66 : i32
        %get3A_68 = arith.index_cast %add3A_67 : i32 to index
        %get3A_69 = arith.constant 0 : index
        %get3A_70 = tpu.vector_load %arg9[%get3A_68, %get3A_69] {strides = array<i32>} : memref<512x16xf32, #tpu.memory_space<vmem>>, vector<1x16xf32>,
        %get3A_71 = vector.shape_cast %get3A_70 : vector<1x16xf32> to vector<16xf32>
        %mul3A_72 = arith.mulf %get3A_63, %get3A_71 : vector<16xf32>
        %get3A_73 = arith.index_cast %squeeze3A_59 : i32 to index
        %get3A_74 = arith.constant 0 : index
        %get3A_75 = tpu.vector_load %arg11[%get3A_73, %get3A_74] {strides = array<i32>} : memref<2048x16xf32, #tpu.memory_space<vmem>>, vector<1x16xf32>,
        %get3A_76 = vector.shape_cast %get3A_75 : vector<1x16xf32> to vector<16xf32>
        %add3A_77 = arith.addf %get3A_76, %mul3A_72 : vector<16xf32>
        %swap3A_78 = arith.index_cast %squeeze3A_59 : i32 to index
        %swap3A_79 = arith.constant 0 : index
        %swap3A_80 = tpu.vector_load %arg11[%swap3A_78, %swap3A_79] {strides = array<i32>} : memref<2048x16xf32, #tpu.memory_space<vmem>>, vector<1x16xf32>,
        %swap3A_81 = vector.shape_cast %swap3A_80 : vector<1x16xf32> to vector<16xf32>
        %swap3A_82 = vector.shape_cast %add3A_77 : vector<16xf32> to vector<1x16xf32>
        tpu.vector_store %arg11[%swap3A_78, %swap3A_79], %swap3A_82 {strides = array<i32>} : memref<2048x16xf32, #tpu.memory_space<vmem>>, vector<1x16xf32>,
        %slice3A_83 = vector.extract_strided_slice %get3A_26 {offsets = [2], sizes = [1], strides = [1]} : vector<16xi32> to vector<1xi32>
        %squeeze3A_84 = vector.extract %slice3A_83[0] : i32 from vector<1xi32>
        %slice3A_85 = vector.extract_strided_slice %get3A_31 {offsets = [2], sizes = [1], strides = [1]} : vector<16xi32> to vector<1xi32>
        %squeeze3A_86 = vector.extract %slice3A_85[0] : i32 from vector<1xi32>
        %get3A_87 = arith.index_cast %squeeze3A_84 : i32 to index
        %get3A_88 = arith.constant 0 : index
        %get3A_89 = tpu.vector_load %arg10[%get3A_87, %get3A_88] {strides = array<i32>} : memref<2048x16xf32, #tpu.memory_space<vmem>>, vector<1x16xf32>,
        %get3A_90 = vector.shape_cast %get3A_89 : vector<1x16xf32> to vector<16xf32>
        %mul3A_91 = arith.constant 16 : i32
        %mul3A_92 = arith.muli %scan3A_22, %mul3A_91 : i32
        %add3A_93 = arith.constant 2 : i32
        %add3A_94 = arith.addi %mul3A_92, %add3A_93 : i32
        %get3A_95 = arith.index_cast %add3A_94 : i32 to index
        %get3A_96 = arith.constant 0 : index
        %get3A_97 = tpu.vector_load %arg9[%get3A_95, %get3A_96] {strides = array<i32>} : memref<512x16xf32, #tpu.memory_space<vmem>>, vector<1x16xf32>,
        %get3A_98 = vector.shape_cast %get3A_97 : vector<1x16xf32> to vector<16xf32>
        %mul3A_99 = arith.mulf %get3A_90, %get3A_98 : vector<16xf32>
        %get3A_100 = arith.index_cast %squeeze3A_86 : i32 to index
        %get3A_101 = arith.constant 0 : index
        %get3A_102 = tpu.vector_load %arg11[%get3A_100, %get3A_101] {strides = array<i32>} : memref<2048x16xf32, #tpu.memory_space<vmem>>, vector<1x16xf32>,
        %get3A_103 = vector.shape_cast %get3A_102 : vector<1x16xf32> to vector<16xf32>
        %add3A_104 = arith.addf %get3A_103, %mul3A_99 : vector<16xf32>
        %swap3A_105 = arith.index_cast %squeeze3A_86 : i32 to index
        %swap3A_106 = arith.constant 0 : index
        %swap3A_107 = tpu.vector_load %arg11[%swap3A_105, %swap3A_106] {strides = array<i32>} : memref<2048x16xf32, #tpu.memory_space<vmem>>, vector<1x16xf32>,
        %swap3A_108 = vector.shape_cast %swap3A_107 : vector<1x16xf32> to vector<16xf32>
        %swap3A_109 = vector.shape_cast %add3A_104 : vector<16xf32> to vector<1x16xf32>
        tpu.vector_store %arg11[%swap3A_105, %swap3A_106], %swap3A_109 {strides = array<i32>} : memref<2048x16xf32, #tpu.memory_space<vmem>>, vector<1x16xf32>,
        %slice3A_110 = vector.extract_strided_slice %get3A_26 {offsets = [3], sizes = [1], strides = [1]} : vector<16xi32> to vector<1xi32>
        %squeeze3A_111 = vector.extract %slice3A_110[0] : i32 from vector<1xi32>
        %slice3A_112 = vector.extract_strided_slice %get3A_31 {offsets = [3], sizes = [1], strides = [1]} : vector<16xi32> to vector<1xi32>
        %squeeze3A_113 = vector.extract %slice3A_112[0] : i32 from vector<1xi32>
        %get3A_114 = arith.index_cast %squeeze3A_111 : i32 to index
        %get3A_115 = arith.constant 0 : index
        %get3A_116 = tpu.vector_load %arg10[%get3A_114, %get3A_115] {strides = array<i32>} : memref<2048x16xf32, #tpu.memory_space<vmem>>, vector<1x16xf32>,
        %get3A_117 = vector.shape_cast %get3A_116 : vector<1x16xf32> to vector<16xf32>
        %mul3A_118 = arith.constant 16 : i32
        %mul3A_119 = arith.muli %scan3A_22, %mul3A_118 : i32
        %add3A_120 = arith.constant 3 : i32
        %add3A_121 = arith.addi %mul3A_119, %add3A_120 : i32
        %get3A_122 = arith.index_cast %add3A_121 : i32 to index
        %get3A_123 = arith.constant 0 : index
        %get3A_124 = tpu.vector_load %arg9[%get3A_122, %get3A_123] {strides = array<i32>} : memref<512x16xf32, #tpu.memory_space<vmem>>, vector<1x16xf32>,
        %get3A_125 = vector.shape_cast %get3A_124 : vector<1x16xf32> to vector<16xf32>
        %mul3A_126 = arith.mulf %get3A_117, %get3A_125 : vector<16xf32>
        %get3A_127 = arith.index_cast %squeeze3A_113 : i32 to index
        %get3A_128 = arith.constant 0 : index
        %get3A_129 = tpu.vector_load %arg11[%get3A_127, %get3A_128] {strides = array<i32>} : memref<2048x16xf32, #tpu.memory_space<vmem>>, vector<1x16xf32>,
        %get3A_130 = vector.shape_cast %get3A_129 : vector<1x16xf32> to vector<16xf32>
        %add3A_131 = arith.addf %get3A_130, %mul3A_126 : vector<16xf32>
        %swap3A_132 = arith.index_cast %squeeze3A_113 : i32 to index
        %swap3A_133 = arith.constant 0 : index
        %swap3A_134 = tpu.vector_load %arg11[%swap3A_132, %swap3A_133] {strides = array<i32>} : memref<2048x16xf32, #tpu.memory_space<vmem>>, vector<1x16xf32>,
        %swap3A_135 = vector.shape_cast %swap3A_134 : vector<1x16xf32> to vector<16xf32>
        %swap3A_136 = vector.shape_cast %add3A_131 : vector<16xf32> to vector<1x16xf32>
        tpu.vector_store %arg11[%swap3A_132, %swap3A_133], %swap3A_136 {strides = array<i32>} : memref<2048x16xf32, #tpu.memory_space<vmem>>, vector<1x16xf32>,
        %slice3A_137 = vector.extract_strided_slice %get3A_26 {offsets = [4], sizes = [1], strides = [1]} : vector<16xi32> to vector<1xi32>
        %squeeze3A_138 = vector.extract %slice3A_137[0] : i32 from vector<1xi32>
        %slice3A_139 = vector.extract_strided_slice %get3A_31 {offsets = [4], sizes = [1], strides = [1]} : vector<16xi32> to vector<1xi32>
        %squeeze3A_140 = vector.extract %slice3A_139[0] : i32 from vector<1xi32>
        %get3A_141 = arith.index_cast %squeeze3A_138 : i32 to index
        %get3A_142 = arith.constant 0 : index
        %get3A_143 = tpu.vector_load %arg10[%get3A_141, %get3A_142] {strides = array<i32>} : memref<2048x16xf32, #tpu.memory_space<vmem>>, vector<1x16xf32>,
        %get3A_144 = vector.shape_cast %get3A_143 : vector<1x16xf32> to vector<16xf32>
        %mul3A_145 = arith.constant 16 : i32
        %mul3A_146 = arith.muli %scan3A_22, %mul3A_145 : i32
        %add3A_147 = arith.constant 4 : i32
        %add3A_148 = arith.addi %mul3A_146, %add3A_147 : i32
        %get3A_149 = arith.index_cast %add3A_148 : i32 to index
        %get3A_150 = arith.constant 0 : index
        %get3A_151 = tpu.vector_load %arg9[%get3A_149, %get3A_150] {strides = array<i32>} : memref<512x16xf32, #tpu.memory_space<vmem>>, vector<1x16xf32>,
        %get3A_152 = vector.shape_cast %get3A_151 : vector<1x16xf32> to vector<16xf32>
        %mul3A_153 = arith.mulf %get3A_144, %get3A_152 : vector<16xf32>
        %get3A_154 = arith.index_cast %squeeze3A_140 : i32 to index
        %get3A_155 = arith.constant 0 : index
        %get3A_156 = tpu.vector_load %arg11[%get3A_154, %get3A_155] {strides = array<i32>} : memref<2048x16xf32, #tpu.memory_space<vmem>>, vector<1x16xf32>,
        %get3A_157 = vector.shape_cast %get3A_156 : vector<1x16xf32> to vector<16xf32>
        %add3A_158 = arith.addf %get3A_157, %mul3A_153 : vector<16xf32>
        %swap3A_159 = arith.index_cast %squeeze3A_140 : i32 to index
        %swap3A_160 = arith.constant 0 : index
        %swap3A_161 = tpu.vector_load %arg11[%swap3A_159, %swap3A_160] {strides = array<i32>} : memref<2048x16xf32, #tpu.memory_space<vmem>>, vector<1x16xf32>,
        %swap3A_162 = vector.shape_cast %swap3A_161 : vector<1x16xf32> to vector<16xf32>
        %swap3A_163 = vector.shape_cast %add3A_158 : vector<16xf32> to vector<1x16xf32>
        tpu.vector_store %arg11[%swap3A_159, %swap3A_160], %swap3A_163 {strides = array<i32>} : memref<2048x16xf32, #tpu.memory_space<vmem>>, vector<1x16xf32>,
        %slice3A_164 = vector.extract_strided_slice %get3A_26 {offsets = [5], sizes = [1], strides = [1]} : vector<16xi32> to vector<1xi32>
        %squeeze3A_165 = vector.extract %slice3A_164[0] : i32 from vector<1xi32>
        %slice3A_166 = vector.extract_strided_slice %get3A_31 {offsets = [5], sizes = [1], strides = [1]} : vector<16xi32> to vector<1xi32>
        %squeeze3A_167 = vector.extract %slice3A_166[0] : i32 from vector<1xi32>
        %get3A_168 = arith.index_cast %squeeze3A_165 : i32 to index
        %get3A_169 = arith.constant 0 : index
        %get3A_170 = tpu.vector_load %arg10[%get3A_168, %get3A_169] {strides = array<i32>} : memref<2048x16xf32, #tpu.memory_space<vmem>>, vector<1x16xf32>,
        %get3A_171 = vector.shape_cast %get3A_170 : vector<1x16xf32> to vector<16xf32>
        %mul3A_172 = arith.constant 16 : i32
        %mul3A_173 = arith.muli %scan3A_22, %mul3A_172 : i32
        %add3A_174 = arith.constant 5 : i32
        %add3A_175 = arith.addi %mul3A_173, %add3A_174 : i32
        %get3A_176 = arith.index_cast %add3A_175 : i32 to index
        %get3A_177 = arith.constant 0 : index
        %get3A_178 = tpu.vector_load %arg9[%get3A_176, %get3A_177] {strides = array<i32>} : memref<512x16xf32, #tpu.memory_space<vmem>>, vector<1x16xf32>,
        %get3A_179 = vector.shape_cast %get3A_178 : vector<1x16xf32> to vector<16xf32>
        %mul3A_180 = arith.mulf %get3A_171, %get3A_179 : vector<16xf32>
        %get3A_181 = arith.index_cast %squeeze3A_167 : i32 to index
        %get3A_182 = arith.constant 0 : index
        %get3A_183 = tpu.vector_load %arg11[%get3A_181, %get3A_182] {strides = array<i32>} : memref<2048x16xf32, #tpu.memory_space<vmem>>, vector<1x16xf32>,
        %get3A_184 = vector.shape_cast %get3A_183 : vector<1x16xf32> to vector<16xf32>
        %add3A_185 = arith.addf %get3A_184, %mul3A_180 : vector<16xf32>
        %swap3A_186 = arith.index_cast %squeeze3A_167 : i32 to index
        %swap3A_187 = arith.constant 0 : index
        %swap3A_188 = tpu.vector_load %arg11[%swap3A_186, %swap3A_187] {strides = array<i32>} : memref<2048x16xf32, #tpu.memory_space<vmem>>, vector<1x16xf32>,
        %swap3A_189 = vector.shape_cast %swap3A_188 : vector<1x16xf32> to vector<16xf32>
        %swap3A_190 = vector.shape_cast %add3A_185 : vector<16xf32> to vector<1x16xf32>
        tpu.vector_store %arg11[%swap3A_186, %swap3A_187], %swap3A_190 {strides = array<i32>} : memref<2048x16xf32, #tpu.memory_space<vmem>>, vector<1x16xf32>,
        %slice3A_191 = vector.extract_strided_slice %get3A_26 {offsets = [6], sizes = [1], strides = [1]} : vector<16xi32> to vector<1xi32>
        %squeeze3A_192 = vector.extract %slice3A_191[0] : i32 from vector<1xi32>
        %slice3A_193 = vector.extract_strided_slice %get3A_31 {offsets = [6], sizes = [1], strides = [1]} : vector<16xi32> to vector<1xi32>
        %squeeze3A_194 = vector.extract %slice3A_193[0] : i32 from vector<1xi32>
        %get3A_195 = arith.index_cast %squeeze3A_192 : i32 to index
        %get3A_196 = arith.constant 0 : index
        %get3A_197 = tpu.vector_load %arg10[%get3A_195, %get3A_196] {strides = array<i32>} : memref<2048x16xf32, #tpu.memory_space<vmem>>, vector<1x16xf32>,
        %get3A_198 = vector.shape_cast %get3A_197 : vector<1x16xf32> to vector<16xf32>
        %mul3A_199 = arith.constant 16 : i32
        %mul3A_200 = arith.muli %scan3A_22, %mul3A_199 : i32
        %add3A_201 = arith.constant 6 : i32
        %add3A_202 = arith.addi %mul3A_200, %add3A_201 : i32
        %get3A_203 = arith.index_cast %add3A_202 : i32 to index
        %get3A_204 = arith.constant 0 : index
        %get3A_205 = tpu.vector_load %arg9[%get3A_203, %get3A_204] {strides = array<i32>} : memref<512x16xf32, #tpu.memory_space<vmem>>, vector<1x16xf32>,
        %get3A_206 = vector.shape_cast %get3A_205 : vector<1x16xf32> to vector<16xf32>
        %mul3A_207 = arith.mulf %get3A_198, %get3A_206 : vector<16xf32>
        %get3A_208 = arith.index_cast %squeeze3A_194 : i32 to index
        %get3A_209 = arith.constant 0 : index
        %get3A_210 = tpu.vector_load %arg11[%get3A_208, %get3A_209] {strides = array<i32>} : memref<2048x16xf32, #tpu.memory_space<vmem>>, vector<1x16xf32>,
        %get3A_211 = vector.shape_cast %get3A_210 : vector<1x16xf32> to vector<16xf32>
        %add3A_212 = arith.addf %get3A_211, %mul3A_207 : vector<16xf32>
        %swap3A_213 = arith.index_cast %squeeze3A_194 : i32 to index
        %swap3A_214 = arith.constant 0 : index
        %swap3A_215 = tpu.vector_load %arg11[%swap3A_213, %swap3A_214] {strides = array<i32>} : memref<2048x16xf32, #tpu.memory_space<vmem>>, vector<1x16xf32>,
        %swap3A_216 = vector.shape_cast %swap3A_215 : vector<1x16xf32> to vector<16xf32>
        %swap3A_217 = vector.shape_cast %add3A_212 : vector<16xf32> to vector<1x16xf32>
        tpu.vector_store %arg11[%swap3A_213, %swap3A_214], %swap3A_217 {strides = array<i32>} : memref<2048x16xf32, #tpu.memory_space<vmem>>, vector<1x16xf32>,
        %slice3A_218 = vector.extract_strided_slice %get3A_26 {offsets = [7], sizes = [1], strides = [1]} : vector<16xi32> to vector<1xi32>
        %squeeze3A_219 = vector.extract %slice3A_218[0] : i32 from vector<1xi32>
        %slice3A_220 = vector.extract_strided_slice %get3A_31 {offsets = [7], sizes = [1], strides = [1]} : vector<16xi32> to vector<1xi32>
        %squeeze3A_221 = vector.extract %slice3A_220[0] : i32 from vector<1xi32>
        %get3A_222 = arith.index_cast %squeeze3A_219 : i32 to index
        %get3A_223 = arith.constant 0 : index
        %get3A_224 = tpu.vector_load %arg10[%get3A_222, %get3A_223] {strides = array<i32>} : memref<2048x16xf32, #tpu.memory_space<vmem>>, vector<1x16xf32>,
        %get3A_225 = vector.shape_cast %get3A_224 : vector<1x16xf32> to vector<16xf32>
        %mul3A_226 = arith.constant 16 : i32
        %mul3A_227 = arith.muli %scan3A_22, %mul3A_226 : i32
        %add3A_228 = arith.constant 7 : i32
        %add3A_229 = arith.addi %mul3A_227, %add3A_228 : i32
        %get3A_230 = arith.index_cast %add3A_229 : i32 to index
        %get3A_231 = arith.constant 0 : index
        %get3A_232 = tpu.vector_load %arg9[%get3A_230, %get3A_231] {strides = array<i32>} : memref<512x16xf32, #tpu.memory_space<vmem>>, vector<1x16xf32>,
        %get3A_233 = vector.shape_cast %get3A_232 : vector<1x16xf32> to vector<16xf32>
        %mul3A_234 = arith.mulf %get3A_225, %get3A_233 : vector<16xf32>
        %get3A_235 = arith.index_cast %squeeze3A_221 : i32 to index
        %get3A_236 = arith.constant 0 : index
        %get3A_237 = tpu.vector_load %arg11[%get3A_235, %get3A_236] {strides = array<i32>} : memref<2048x16xf32, #tpu.memory_space<vmem>>, vector<1x16xf32>,
        %get3A_238 = vector.shape_cast %get3A_237 : vector<1x16xf32> to vector<16xf32>
        %add3A_239 = arith.addf %get3A_238, %mul3A_234 : vector<16xf32>
        %swap3A_240 = arith.index_cast %squeeze3A_221 : i32 to index
        %swap3A_241 = arith.constant 0 : index
        %swap3A_242 = tpu.vector_load %arg11[%swap3A_240, %swap3A_241] {strides = array<i32>} : memref<2048x16xf32, #tpu.memory_space<vmem>>, vector<1x16xf32>,
        %swap3A_243 = vector.shape_cast %swap3A_242 : vector<1x16xf32> to vector<16xf32>
        %swap3A_244 = vector.shape_cast %add3A_239 : vector<16xf32> to vector<1x16xf32>
        tpu.vector_store %arg11[%swap3A_240, %swap3A_241], %swap3A_244 {strides = array<i32>} : memref<2048x16xf32, #tpu.memory_space<vmem>>, vector<1x16xf32>,
        %slice3A_245 = vector.extract_strided_slice %get3A_26 {offsets = [8], sizes = [1], strides = [1]} : vector<16xi32> to vector<1xi32>
        %squeeze3A_246 = vector.extract %slice3A_245[0] : i32 from vector<1xi32>
        %slice3A_247 = vector.extract_strided_slice %get3A_31 {offsets = [8], sizes = [1], strides = [1]} : vector<16xi32> to vector<1xi32>
        %squeeze3A_248 = vector.extract %slice3A_247[0] : i32 from vector<1xi32>
        %get3A_249 = arith.index_cast %squeeze3A_246 : i32 to index
        %get3A_250 = arith.constant 0 : index
        %get3A_251 = tpu.vector_load %arg10[%get3A_249, %get3A_250] {strides = array<i32>} : memref<2048x16xf32, #tpu.memory_space<vmem>>, vector<1x16xf32>,
        %get3A_252 = vector.shape_cast %get3A_251 : vector<1x16xf32> to vector<16xf32>
        %mul3A_253 = arith.constant 16 : i32
        %mul3A_254 = arith.muli %scan3A_22, %mul3A_253 : i32
        %add3A_255 = arith.constant 8 : i32
        %add3A_256 = arith.addi %mul3A_254, %add3A_255 : i32
        %get3A_257 = arith.index_cast %add3A_256 : i32 to index
        %get3A_258 = arith.constant 0 : index
        %get3A_259 = tpu.vector_load %arg9[%get3A_257, %get3A_258] {strides = array<i32>} : memref<512x16xf32, #tpu.memory_space<vmem>>, vector<1x16xf32>,
        %get3A_260 = vector.shape_cast %get3A_259 : vector<1x16xf32> to vector<16xf32>
        %mul3A_261 = arith.mulf %get3A_252, %get3A_260 : vector<16xf32>
        %get3A_262 = arith.index_cast %squeeze3A_248 : i32 to index
        %get3A_263 = arith.constant 0 : index
        %get3A_264 = tpu.vector_load %arg11[%get3A_262, %get3A_263] {strides = array<i32>} : memref<2048x16xf32, #tpu.memory_space<vmem>>, vector<1x16xf32>,
        %get3A_265 = vector.shape_cast %get3A_264 : vector<1x16xf32> to vector<16xf32>
        %add3A_266 = arith.addf %get3A_265, %mul3A_261 : vector<16xf32>
        %swap3A_267 = arith.index_cast %squeeze3A_248 : i32 to index
        %swap3A_268 = arith.constant 0 : index
        %swap3A_269 = tpu.vector_load %arg11[%swap3A_267, %swap3A_268] {strides = array<i32>} : memref<2048x16xf32, #tpu.memory_space<vmem>>, vector<1x16xf32>,
        %swap3A_270 = vector.shape_cast %swap3A_269 : vector<1x16xf32> to vector<16xf32>
        %swap3A_271 = vector.shape_cast %add3A_266 : vector<16xf32> to vector<1x16xf32>
        tpu.vector_store %arg11[%swap3A_267, %swap3A_268], %swap3A_271 {strides = array<i32>} : memref<2048x16xf32, #tpu.memory_space<vmem>>, vector<1x16xf32>,
        %slice3A_272 = vector.extract_strided_slice %get3A_26 {offsets = [9], sizes = [1], strides = [1]} : vector<16xi32> to vector<1xi32>
        %squeeze3A_273 = vector.extract %slice3A_272[0] : i32 from vector<1xi32>
        %slice3A_274 = vector.extract_strided_slice %get3A_31 {offsets = [9], sizes = [1], strides = [1]} : vector<16xi32> to vector<1xi32>
        %squeeze3A_275 = vector.extract %slice3A_274[0] : i32 from vector<1xi32>
        %get3A_276 = arith.index_cast %squeeze3A_273 : i32 to index
        %get3A_277 = arith.constant 0 : index
        %get3A_278 = tpu.vector_load %arg10[%get3A_276, %get3A_277] {strides = array<i32>} : memref<2048x16xf32, #tpu.memory_space<vmem>>, vector<1x16xf32>,
        %get3A_279 = vector.shape_cast %get3A_278 : vector<1x16xf32> to vector<16xf32>
        %mul3A_280 = arith.constant 16 : i32
        %mul3A_281 = arith.muli %scan3A_22, %mul3A_280 : i32
        %add3A_282 = arith.constant 9 : i32
        %add3A_283 = arith.addi %mul3A_281, %add3A_282 : i32
        %get3A_284 = arith.index_cast %add3A_283 : i32 to index
        %get3A_285 = arith.constant 0 : index
        %get3A_286 = tpu.vector_load %arg9[%get3A_284, %get3A_285] {strides = array<i32>} : memref<512x16xf32, #tpu.memory_space<vmem>>, vector<1x16xf32>,
        %get3A_287 = vector.shape_cast %get3A_286 : vector<1x16xf32> to vector<16xf32>
        %mul3A_288 = arith.mulf %get3A_279, %get3A_287 : vector<16xf32>
        %get3A_289 = arith.index_cast %squeeze3A_275 : i32 to index
        %get3A_290 = arith.constant 0 : index
        %get3A_291 = tpu.vector_load %arg11[%get3A_289, %get3A_290] {strides = array<i32>} : memref<2048x16xf32, #tpu.memory_space<vmem>>, vector<1x16xf32>,
        %get3A_292 = vector.shape_cast %get3A_291 : vector<1x16xf32> to vector<16xf32>
        %add3A_293 = arith.addf %get3A_292, %mul3A_288 : vector<16xf32>
        %swap3A_294 = arith.index_cast %squeeze3A_275 : i32 to index
        %swap3A_295 = arith.constant 0 : index
        %swap3A_296 = tpu.vector_load %arg11[%swap3A_294, %swap3A_295] {strides = array<i32>} : memref<2048x16xf32, #tpu.memory_space<vmem>>, vector<1x16xf32>,
        %swap3A_297 = vector.shape_cast %swap3A_296 : vector<1x16xf32> to vector<16xf32>
        %swap3A_298 = vector.shape_cast %add3A_293 : vector<16xf32> to vector<1x16xf32>
        tpu.vector_store %arg11[%swap3A_294, %swap3A_295], %swap3A_298 {strides = array<i32>} : memref<2048x16xf32, #tpu.memory_space<vmem>>, vector<1x16xf32>,
        %slice3A_299 = vector.extract_strided_slice %get3A_26 {offsets = [10], sizes = [1], strides = [1]} : vector<16xi32> to vector<1xi32>
        %squeeze3A_300 = vector.extract %slice3A_299[0] : i32 from vector<1xi32>
        %slice3A_301 = vector.extract_strided_slice %get3A_31 {offsets = [10], sizes = [1], strides = [1]} : vector<16xi32> to vector<1xi32>
        %squeeze3A_302 = vector.extract %slice3A_301[0] : i32 from vector<1xi32>
        %get3A_303 = arith.index_cast %squeeze3A_300 : i32 to index
        %get3A_304 = arith.constant 0 : index
        %get3A_305 = tpu.vector_load %arg10[%get3A_303, %get3A_304] {strides = array<i32>} : memref<2048x16xf32, #tpu.memory_space<vmem>>, vector<1x16xf32>,
        %get3A_306 = vector.shape_cast %get3A_305 : vector<1x16xf32> to vector<16xf32>
        %mul3A_307 = arith.constant 16 : i32
        %mul3A_308 = arith.muli %scan3A_22, %mul3A_307 : i32
        %add3A_309 = arith.constant 10 : i32
        %add3A_310 = arith.addi %mul3A_308, %add3A_309 : i32
        %get3A_311 = arith.index_cast %add3A_310 : i32 to index
        %get3A_312 = arith.constant 0 : index
        %get3A_313 = tpu.vector_load %arg9[%get3A_311, %get3A_312] {strides = array<i32>} : memref<512x16xf32, #tpu.memory_space<vmem>>, vector<1x16xf32>,
        %get3A_314 = vector.shape_cast %get3A_313 : vector<1x16xf32> to vector<16xf32>
        %mul3A_315 = arith.mulf %get3A_306, %get3A_314 : vector<16xf32>
        %get3A_316 = arith.index_cast %squeeze3A_302 : i32 to index
        %get3A_317 = arith.constant 0 : index
        %get3A_318 = tpu.vector_load %arg11[%get3A_316, %get3A_317] {strides = array<i32>} : memref<2048x16xf32, #tpu.memory_space<vmem>>, vector<1x16xf32>,
        %get3A_319 = vector.shape_cast %get3A_318 : vector<1x16xf32> to vector<16xf32>
        %add3A_320 = arith.addf %get3A_319, %mul3A_315 : vector<16xf32>
        %swap3A_321 = arith.index_cast %squeeze3A_302 : i32 to index
        %swap3A_322 = arith.constant 0 : index
        %swap3A_323 = tpu.vector_load %arg11[%swap3A_321, %swap3A_322] {strides = array<i32>} : memref<2048x16xf32, #tpu.memory_space<vmem>>, vector<1x16xf32>,
        %swap3A_324 = vector.shape_cast %swap3A_323 : vector<1x16xf32> to vector<16xf32>
        %swap3A_325 = vector.shape_cast %add3A_320 : vector<16xf32> to vector<1x16xf32>
        tpu.vector_store %arg11[%swap3A_321, %swap3A_322], %swap3A_325 {strides = array<i32>} : memref<2048x16xf32, #tpu.memory_space<vmem>>, vector<1x16xf32>,
        %slice3A_326 = vector.extract_strided_slice %get3A_26 {offsets = [11], sizes = [1], strides = [1]} : vector<16xi32> to vector<1xi32>
        %squeeze3A_327 = vector.extract %slice3A_326[0] : i32 from vector<1xi32>
        %slice3A_328 = vector.extract_strided_slice %get3A_31 {offsets = [11], sizes = [1], strides = [1]} : vector<16xi32> to vector<1xi32>
        %squeeze3A_329 = vector.extract %slice3A_328[0] : i32 from vector<1xi32>
        %get3A_330 = arith.index_cast %squeeze3A_327 : i32 to index
        %get3A_331 = arith.constant 0 : index
        %get3A_332 = tpu.vector_load %arg10[%get3A_330, %get3A_331] {strides = array<i32>} : memref<2048x16xf32, #tpu.memory_space<vmem>>, vector<1x16xf32>,
        %get3A_333 = vector.shape_cast %get3A_332 : vector<1x16xf32> to vector<16xf32>
        %mul3A_334 = arith.constant 16 : i32
        %mul3A_335 = arith.muli %scan3A_22, %mul3A_334 : i32
        %add3A_336 = arith.constant 11 : i32
        %add3A_337 = arith.addi %mul3A_335, %add3A_336 : i32
        %get3A_338 = arith.index_cast %add3A_337 : i32 to index
        %get3A_339 = arith.constant 0 : index
        %get3A_340 = tpu.vector_load %arg9[%get3A_338, %get3A_339] {strides = array<i32>} : memref<512x16xf32, #tpu.memory_space<vmem>>, vector<1x16xf32>,
        %get3A_341 = vector.shape_cast %get3A_340 : vector<1x16xf32> to vector<16xf32>
        %mul3A_342 = arith.mulf %get3A_333, %get3A_341 : vector<16xf32>
        %get3A_343 = arith.index_cast %squeeze3A_329 : i32 to index
        %get3A_344 = arith.constant 0 : index
        %get3A_345 = tpu.vector_load %arg11[%get3A_343, %get3A_344] {strides = array<i32>} : memref<2048x16xf32, #tpu.memory_space<vmem>>, vector<1x16xf32>,
        %get3A_346 = vector.shape_cast %get3A_345 : vector<1x16xf32> to vector<16xf32>
        %add3A_347 = arith.addf %get3A_346, %mul3A_342 : vector<16xf32>
        %swap3A_348 = arith.index_cast %squeeze3A_329 : i32 to index
        %swap3A_349 = arith.constant 0 : index
        %swap3A_350 = tpu.vector_load %arg11[%swap3A_348, %swap3A_349] {strides = array<i32>} : memref<2048x16xf32, #tpu.memory_space<vmem>>, vector<1x16xf32>,
        %swap3A_351 = vector.shape_cast %swap3A_350 : vector<1x16xf32> to vector<16xf32>
        %swap3A_352 = vector.shape_cast %add3A_347 : vector<16xf32> to vector<1x16xf32>
        tpu.vector_store %arg11[%swap3A_348, %swap3A_349], %swap3A_352 {strides = array<i32>} : memref<2048x16xf32, #tpu.memory_space<vmem>>, vector<1x16xf32>,
        %slice3A_353 = vector.extract_strided_slice %get3A_26 {offsets = [12], sizes = [1], strides = [1]} : vector<16xi32> to vector<1xi32>
        %squeeze3A_354 = vector.extract %slice3A_353[0] : i32 from vector<1xi32>
        %slice3A_355 = vector.extract_strided_slice %get3A_31 {offsets = [12], sizes = [1], strides = [1]} : vector<16xi32> to vector<1xi32>
        %squeeze3A_356 = vector.extract %slice3A_355[0] : i32 from vector<1xi32>
        %get3A_357 = arith.index_cast %squeeze3A_354 : i32 to index
        %get3A_358 = arith.constant 0 : index
        %get3A_359 = tpu.vector_load %arg10[%get3A_357, %get3A_358] {strides = array<i32>} : memref<2048x16xf32, #tpu.memory_space<vmem>>, vector<1x16xf32>,
        %get3A_360 = vector.shape_cast %get3A_359 : vector<1x16xf32> to vector<16xf32>
        %mul3A_361 = arith.constant 16 : i32
        %mul3A_362 = arith.muli %scan3A_22, %mul3A_361 : i32
        %add3A_363 = arith.constant 12 : i32
        %add3A_364 = arith.addi %mul3A_362, %add3A_363 : i32
        %get3A_365 = arith.index_cast %add3A_364 : i32 to index
        %get3A_366 = arith.constant 0 : index
        %get3A_367 = tpu.vector_load %arg9[%get3A_365, %get3A_366] {strides = array<i32>} : memref<512x16xf32, #tpu.memory_space<vmem>>, vector<1x16xf32>,
        %get3A_368 = vector.shape_cast %get3A_367 : vector<1x16xf32> to vector<16xf32>
        %mul3A_369 = arith.mulf %get3A_360, %get3A_368 : vector<16xf32>
        %get3A_370 = arith.index_cast %squeeze3A_356 : i32 to index
        %get3A_371 = arith.constant 0 : index
        %get3A_372 = tpu.vector_load %arg11[%get3A_370, %get3A_371] {strides = array<i32>} : memref<2048x16xf32, #tpu.memory_space<vmem>>, vector<1x16xf32>,
        %get3A_373 = vector.shape_cast %get3A_372 : vector<1x16xf32> to vector<16xf32>
        %add3A_374 = arith.addf %get3A_373, %mul3A_369 : vector<16xf32>
        %swap3A_375 = arith.index_cast %squeeze3A_356 : i32 to index
        %swap3A_376 = arith.constant 0 : index
        %swap3A_377 = tpu.vector_load %arg11[%swap3A_375, %swap3A_376] {strides = array<i32>} : memref<2048x16xf32, #tpu.memory_space<vmem>>, vector<1x16xf32>,
        %swap3A_378 = vector.shape_cast %swap3A_377 : vector<1x16xf32> to vector<16xf32>
        %swap3A_379 = vector.shape_cast %add3A_374 : vector<16xf32> to vector<1x16xf32>
        tpu.vector_store %arg11[%swap3A_375, %swap3A_376], %swap3A_379 {strides = array<i32>} : memref<2048x16xf32, #tpu.memory_space<vmem>>, vector<1x16xf32>,
        %slice3A_380 = vector.extract_strided_slice %get3A_26 {offsets = [13], sizes = [1], strides = [1]} : vector<16xi32> to vector<1xi32>
        %squeeze3A_381 = vector.extract %slice3A_380[0] : i32 from vector<1xi32>
        %slice3A_382 = vector.extract_strided_slice %get3A_31 {offsets = [13], sizes = [1], strides = [1]} : vector<16xi32> to vector<1xi32>
        %squeeze3A_383 = vector.extract %slice3A_382[0] : i32 from vector<1xi32>
        %get3A_384 = arith.index_cast %squeeze3A_381 : i32 to index
        %get3A_385 = arith.constant 0 : index
        %get3A_386 = tpu.vector_load %arg10[%get3A_384, %get3A_385] {strides = array<i32>} : memref<2048x16xf32, #tpu.memory_space<vmem>>, vector<1x16xf32>,
        %get3A_387 = vector.shape_cast %get3A_386 : vector<1x16xf32> to vector<16xf32>
        %mul3A_388 = arith.constant 16 : i32
        %mul3A_389 = arith.muli %scan3A_22, %mul3A_388 : i32
        %add3A_390 = arith.constant 13 : i32
        %add3A_391 = arith.addi %mul3A_389, %add3A_390 : i32
        %get3A_392 = arith.index_cast %add3A_391 : i32 to index
        %get3A_393 = arith.constant 0 : index
        %get3A_394 = tpu.vector_load %arg9[%get3A_392, %get3A_393] {strides = array<i32>} : memref<512x16xf32, #tpu.memory_space<vmem>>, vector<1x16xf32>,
        %get3A_395 = vector.shape_cast %get3A_394 : vector<1x16xf32> to vector<16xf32>
        %mul3A_396 = arith.mulf %get3A_387, %get3A_395 : vector<16xf32>
        %get3A_397 = arith.index_cast %squeeze3A_383 : i32 to index
        %get3A_398 = arith.constant 0 : index
        %get3A_399 = tpu.vector_load %arg11[%get3A_397, %get3A_398] {strides = array<i32>} : memref<2048x16xf32, #tpu.memory_space<vmem>>, vector<1x16xf32>,
        %get3A_400 = vector.shape_cast %get3A_399 : vector<1x16xf32> to vector<16xf32>
        %add3A_401 = arith.addf %get3A_400, %mul3A_396 : vector<16xf32>
        %swap3A_402 = arith.index_cast %squeeze3A_383 : i32 to index
        %swap3A_403 = arith.constant 0 : index
        %swap3A_404 = tpu.vector_load %arg11[%swap3A_402, %swap3A_403] {strides = array<i32>} : memref<2048x16xf32, #tpu.memory_space<vmem>>, vector<1x16xf32>,
        %swap3A_405 = vector.shape_cast %swap3A_404 : vector<1x16xf32> to vector<16xf32>
        %swap3A_406 = vector.shape_cast %add3A_401 : vector<16xf32> to vector<1x16xf32>
        tpu.vector_store %arg11[%swap3A_402, %swap3A_403], %swap3A_406 {strides = array<i32>} : memref<2048x16xf32, #tpu.memory_space<vmem>>, vector<1x16xf32>,
        %slice3A_407 = vector.extract_strided_slice %get3A_26 {offsets = [14], sizes = [1], strides = [1]} : vector<16xi32> to vector<1xi32>
        %squeeze3A_408 = vector.extract %slice3A_407[0] : i32 from vector<1xi32>
        %slice3A_409 = vector.extract_strided_slice %get3A_31 {offsets = [14], sizes = [1], strides = [1]} : vector<16xi32> to vector<1xi32>
        %squeeze3A_410 = vector.extract %slice3A_409[0] : i32 from vector<1xi32>
        %get3A_411 = arith.index_cast %squeeze3A_408 : i32 to index
        %get3A_412 = arith.constant 0 : index
        %get3A_413 = tpu.vector_load %arg10[%get3A_411, %get3A_412] {strides = array<i32>} : memref<2048x16xf32, #tpu.memory_space<vmem>>, vector<1x16xf32>,
        %get3A_414 = vector.shape_cast %get3A_413 : vector<1x16xf32> to vector<16xf32>
        %mul3A_415 = arith.constant 16 : i32
        %mul3A_416 = arith.muli %scan3A_22, %mul3A_415 : i32
        %add3A_417 = arith.constant 14 : i32
        %add3A_418 = arith.addi %mul3A_416, %add3A_417 : i32
        %get3A_419 = arith.index_cast %add3A_418 : i32 to index
        %get3A_420 = arith.constant 0 : index
        %get3A_421 = tpu.vector_load %arg9[%get3A_419, %get3A_420] {strides = array<i32>} : memref<512x16xf32, #tpu.memory_space<vmem>>, vector<1x16xf32>,
        %get3A_422 = vector.shape_cast %get3A_421 : vector<1x16xf32> to vector<16xf32>
        %mul3A_423 = arith.mulf %get3A_414, %get3A_422 : vector<16xf32>
        %get3A_424 = arith.index_cast %squeeze3A_410 : i32 to index
        %get3A_425 = arith.constant 0 : index
        %get3A_426 = tpu.vector_load %arg11[%get3A_424, %get3A_425] {strides = array<i32>} : memref<2048x16xf32, #tpu.memory_space<vmem>>, vector<1x16xf32>,
        %get3A_427 = vector.shape_cast %get3A_426 : vector<1x16xf32> to vector<16xf32>
        %add3A_428 = arith.addf %get3A_427, %mul3A_423 : vector<16xf32>
        %swap3A_429 = arith.index_cast %squeeze3A_410 : i32 to index
        %swap3A_430 = arith.constant 0 : index
        %swap3A_431 = tpu.vector_load %arg11[%swap3A_429, %swap3A_430] {strides = array<i32>} : memref<2048x16xf32, #tpu.memory_space<vmem>>, vector<1x16xf32>,
        %swap3A_432 = vector.shape_cast %swap3A_431 : vector<1x16xf32> to vector<16xf32>
        %swap3A_433 = vector.shape_cast %add3A_428 : vector<16xf32> to vector<1x16xf32>
        tpu.vector_store %arg11[%swap3A_429, %swap3A_430], %swap3A_433 {strides = array<i32>} : memref<2048x16xf32, #tpu.memory_space<vmem>>, vector<1x16xf32>,
        %slice3A_434 = vector.extract_strided_slice %get3A_26 {offsets = [15], sizes = [1], strides = [1]} : vector<16xi32> to vector<1xi32>
        %squeeze3A_435 = vector.extract %slice3A_434[0] : i32 from vector<1xi32>
        %slice3A_436 = vector.extract_strided_slice %get3A_31 {offsets = [15], sizes = [1], strides = [1]} : vector<16xi32> to vector<1xi32>
        %squeeze3A_437 = vector.extract %slice3A_436[0] : i32 from vector<1xi32>
        %get3A_438 = arith.index_cast %squeeze3A_435 : i32 to index
        %get3A_439 = arith.constant 0 : index
        %get3A_440 = tpu.vector_load %arg10[%get3A_438, %get3A_439] {strides = array<i32>} : memref<2048x16xf32, #tpu.memory_space<vmem>>, vector<1x16xf32>,
        %get3A_441 = vector.shape_cast %get3A_440 : vector<1x16xf32> to vector<16xf32>
        %mul3A_442 = arith.constant 16 : i32
        %mul3A_443 = arith.muli %scan3A_22, %mul3A_442 : i32
        %add3A_444 = arith.constant 15 : i32
        %add3A_445 = arith.addi %mul3A_443, %add3A_444 : i32
        %get3A_446 = arith.index_cast %add3A_445 : i32 to index
        %get3A_447 = arith.constant 0 : index
        %get3A_448 = tpu.vector_load %arg9[%get3A_446, %get3A_447] {strides = array<i32>} : memref<512x16xf32, #tpu.memory_space<vmem>>, vector<1x16xf32>,
        %get3A_449 = vector.shape_cast %get3A_448 : vector<1x16xf32> to vector<16xf32>
        %mul3A_450 = arith.mulf %get3A_441, %get3A_449 : vector<16xf32>
        %get3A_451 = arith.index_cast %squeeze3A_437 : i32 to index
        %get3A_452 = arith.constant 0 : index
        %get3A_453 = tpu.vector_load %arg11[%get3A_451, %get3A_452] {strides = array<i32>} : memref<2048x16xf32, #tpu.memory_space<vmem>>, vector<1x16xf32>,
        %get3A_454 = vector.shape_cast %get3A_453 : vector<1x16xf32> to vector<16xf32>
        %add3A_455 = arith.addf %get3A_454, %mul3A_450 : vector<16xf32>
        %swap3A_456 = arith.index_cast %squeeze3A_437 : i32 to index
        %swap3A_457 = arith.constant 0 : index
        %swap3A_458 = tpu.vector_load %arg11[%swap3A_456, %swap3A_457] {strides = array<i32>} : memref<2048x16xf32, #tpu.memory_space<vmem>>, vector<1x16xf32>,
        %swap3A_459 = vector.shape_cast %swap3A_458 : vector<1x16xf32> to vector<16xf32>
        %swap3A_460 = vector.shape_cast %add3A_455 : vector<16xf32> to vector<1x16xf32>
        tpu.vector_store %arg11[%swap3A_456, %swap3A_457], %swap3A_460 {strides = array<i32>} : memref<2048x16xf32, #tpu.memory_space<vmem>>, vector<1x16xf32>,
      }
      %scan3A_21 = arith.constant 32 : i32
    }
    %scan3A_11 = arith.constant 64 : i32
    "tpu.region"() ({
      %run_scoped3A = tpu.sem_alloc : memref<!tpu.dma_semaphore, #tpu.memory_space<semaphore_mem>>
      %dma_start3A = arith.constant 0 : i32
      %dma_start3A_12 = arith.constant 0 : i32
      %dma_start3A_13 = tpu.memref_slice %arg6[%arg0, %arg1, %dma_start3A, %dma_start3A_12] : memref<2x16x2048x16xf32, #tpu.memory_space<hbm>> -> memref<1x1x2048x16xf32, #tpu.memory_space<hbm>>
      %dma_start3A_14 = tpu.memref_squeeze %dma_start3A_13 : memref<1x1x2048x16xf32, #tpu.memory_space<hbm>> -> memref<2048x16xf32, #tpu.memory_space<hbm>>
      %dma_start3A_15 = arith.constant 0 : i32
      %dma_start3A_16 = arith.constant 0 : i32
      %dma_start3A_17 = tpu.memref_slice %arg6[%arg0, %arg1, %dma_start3A_15, %dma_start3A_16] : memref<2x16x2048x16xf32, #tpu.memory_space<hbm>> -> memref<1x1x2048x16xf32, #tpu.memory_space<hbm>>
      %dma_start3A_18 = tpu.memref_squeeze %dma_start3A_17 : memref<1x1x2048x16xf32, #tpu.memory_space<hbm>> -> memref<2048x16xf32, #tpu.memory_space<hbm>>
      tpu.enqueue_dma source(%arg11 : memref<2048x16xf32, #tpu.memory_space<vmem>>) target(%dma_start3A_18 : memref<2048x16xf32, #tpu.memory_space<hbm>>) target_semaphore(%run_scoped3A : memref<!tpu.dma_semaphore, #tpu.memory_space<semaphore_mem>>)
      %dma_wait3A = arith.constant 0 : i32
      %dma_wait3A_19 = arith.constant 0 : i32
      %dma_wait3A_20 = tpu.memref_slice %arg6[%arg0, %arg1, %dma_wait3A, %dma_wait3A_19] : memref<2x16x2048x16xf32, #tpu.memory_space<hbm>> -> memref<1x1x2048x16xf32, #tpu.memory_space<hbm>>
      %dma_wait3A_21 = tpu.memref_squeeze %dma_wait3A_20 : memref<1x1x2048x16xf32, #tpu.memory_space<hbm>> -> memref<2048x16xf32, #tpu.memory_space<hbm>>
      %dma_wait3A_22 = arith.constant 0 : i32
      %dma_wait3A_23 = arith.constant 0 : i32
      %dma_wait3A_24 = tpu.memref_slice %arg6[%arg0, %arg1, %dma_wait3A_22, %dma_wait3A_23] : memref<2x16x2048x16xf32, #tpu.memory_space<hbm>> -> memref<1x1x2048x16xf32, #tpu.memory_space<hbm>>
      %dma_wait3A_25 = tpu.memref_squeeze %dma_wait3A_24 : memref<1x1x2048x16xf32, #tpu.memory_space<hbm>> -> memref<2048x16xf32, #tpu.memory_space<hbm>>
      tpu.wait_dma2 semaphore(%run_scoped3A : memref<!tpu.dma_semaphore, #tpu.memory_space<semaphore_mem>>) src(%arg11 : memref<2048x16xf32, #tpu.memory_space<vmem>>) dst(%dma_wait3A_25 : memref<2048x16xf32, #tpu.memory_space<hbm>>)
      tpu.yield
    }) : () -> ()
    return
  }
}

#map = affine_map<(d0, d1) -> (0)>
#map1 = affine_map<(d0, d1) -> (0, 0, 0)>
#map2 = affine_map<(d0, d1) -> (0, 0, 0, 0)>
module attributes {stable_mosaic.version = 14 : i64} {
  func.func @_sc_conv_kernel(%arg0: i32, %arg1: i32, %arg2: memref<65536xi32, #tpu.memory_space<hbm>>, %arg3: memref<65536xi32, #tpu.memory_space<hbm>>, %arg4: memref<16x2048x16xf32, #tpu.memory_space<hbm>>, %arg5: memref<16x65536x16xf32, #tpu.memory_space<hbm>>, %arg6: memref<2x16x2048x16xf32, #tpu.memory_space<hbm>>, %arg7: memref<512xi32, #tpu.memory_space<vmem>>, %arg8: memref<512xi32, #tpu.memory_space<vmem>>, %arg9: memref<512x16xf32, #tpu.memory_space<vmem>>, %arg10: memref<2048x16xf32, #tpu.memory_space<vmem>>, %arg11: memref<2048x16xf32, #tpu.memory_space<vmem>>) attributes {dimension_semantics = [#tpu.dimension_semantics<core_parallel>, #tpu.dimension_semantics<subcore_parallel>], iteration_bounds = array<i64: 2, 16>, scalar_prefetch = 0 : i64, scratch_operands = 5 : i64, tpu.core_type = #tpu.core_type<sc_vector_subcore>, window_params = [{transform_indices = #map}, {transform_indices = #map}, {transform_indices = #map1}, {transform_indices = #map1}, {transform_indices = #map2}]} {
    "tpu.region"() ({
      %run_scoped3A = tpu.sem_alloc : memref<!tpu.dma_semaphore, #tpu.memory_space<semaphore_mem>>
      %dma_start3A = arith.constant 0 : i32
      %dma_start3A_12 = arith.constant 0 : i32
      %dma_start3A_13 = tpu.memref_slice %arg4[%arg1, %dma_start3A, %dma_start3A_12] : memref<16x2048x16xf32, #tpu.memory_space<hbm>> -> memref<1x2048x16xf32, #tpu.memory_space<hbm>>
      %dma_start3A_14 = tpu.memref_squeeze %dma_start3A_13 : memref<1x2048x16xf32, #tpu.memory_space<hbm>> -> memref<2048x16xf32, #tpu.memory_space<hbm>>
      %dma_start3A_15 = arith.constant 0 : i32
      %dma_start3A_16 = arith.constant 0 : i32
      %dma_start3A_17 = tpu.memref_slice %arg4[%arg1, %dma_start3A_15, %dma_start3A_16] : memref<16x2048x16xf32, #tpu.memory_space<hbm>> -> memref<1x2048x16xf32, #tpu.memory_space<hbm>>
      %dma_start3A_18 = tpu.memref_squeeze %dma_start3A_17 : memref<1x2048x16xf32, #tpu.memory_space<hbm>> -> memref<2048x16xf32, #tpu.memory_space<hbm>>
      tpu.enqueue_dma source(%dma_start3A_18 : memref<2048x16xf32, #tpu.memory_space<hbm>>) target(%arg10 : memref<2048x16xf32, #tpu.memory_space<vmem>>) target_semaphore(%run_scoped3A : memref<!tpu.dma_semaphore, #tpu.memory_space<semaphore_mem>>)
      %dma_wait3A = arith.constant 0 : i32
      %dma_wait3A_19 = arith.constant 0 : i32
      %dma_wait3A_20 = tpu.memref_slice %arg4[%arg1, %dma_wait3A, %dma_wait3A_19] : memref<16x2048x16xf32, #tpu.memory_space<hbm>> -> memref<1x2048x16xf32, #tpu.memory_space<hbm>>
      %dma_wait3A_21 = tpu.memref_squeeze %dma_wait3A_20 : memref<1x2048x16xf32, #tpu.memory_space<hbm>> -> memref<2048x16xf32, #tpu.memory_space<hbm>>
      %dma_wait3A_22 = arith.constant 0 : i32
      %dma_wait3A_23 = arith.constant 0 : i32
      %dma_wait3A_24 = tpu.memref_slice %arg4[%arg1, %dma_wait3A_22, %dma_wait3A_23] : memref<16x2048x16xf32, #tpu.memory_space<hbm>> -> memref<1x2048x16xf32, #tpu.memory_space<hbm>>
      %dma_wait3A_25 = tpu.memref_squeeze %dma_wait3A_24 : memref<1x2048x16xf32, #tpu.memory_space<hbm>> -> memref<2048x16xf32, #tpu.memory_space<hbm>>
      tpu.wait_dma2 semaphore(%run_scoped3A : memref<!tpu.dma_semaphore, #tpu.memory_space<semaphore_mem>>) src(%dma_wait3A_25 : memref<2048x16xf32, #tpu.memory_space<hbm>>) dst(%arg10 : memref<2048x16xf32, #tpu.memory_space<vmem>>)
      tpu.yield
    }) : () -> ()
    %broadcast_in_dim3A = arith.constant 0.000000e+00 : f32
    %broadcast_in_dim3A_0 = vector.broadcast %broadcast_in_dim3A : f32 to vector<16xf32>
    %scan3A = arith.constant 0 : i32
    %scan3A_1 = arith.constant 0 : i32
    %scan3A_2 = arith.constant 2048 : i32
    %scan3A_3 = arith.addi %scan3A_1, %scan3A_2 : i32
    %scan3A_4 = arith.constant 1 : i32
    scf.for %scan3A_12 = %scan3A_1 to %scan3A_3 step %scan3A_4  : i32 {
      %swap3A = arith.index_cast %scan3A_12 : i32 to index
      %swap3A_13 = arith.constant 0 : index
      %swap3A_14 = tpu.vector_load %arg11[%swap3A, %swap3A_13] {strides = array<i32>} : memref<2048x16xf32, #tpu.memory_space<vmem>>, vector<1x16xf32>,
      %swap3A_15 = vector.shape_cast %swap3A_14 : vector<1x16xf32> to vector<16xf32>
      %swap3A_16 = vector.shape_cast %broadcast_in_dim3A_0 : vector<16xf32> to vector<1x16xf32>
      tpu.vector_store %arg11[%swap3A, %swap3A_13], %swap3A_16 {strides = array<i32>} : memref<2048x16xf32, #tpu.memory_space<vmem>>, vector<1x16xf32>,
    }
    %scan3A_5 = arith.constant 2048 : i32
    %scan3A_6 = arith.constant 0 : i32
    %scan3A_7 = arith.constant 0 : i32
    %scan3A_8 = arith.constant 64 : i32
    %scan3A_9 = arith.addi %scan3A_7, %scan3A_8 : i32
    %scan3A_10 = arith.constant 1 : i32
    scf.for %scan3A_12 = %scan3A_7 to %scan3A_9 step %scan3A_10  : i32 {
      %mul3A = arith.constant 32768 : i32
      %mul3A_13 = arith.muli %arg0, %mul3A : i32
      %mul3A_14 = arith.constant 512 : i32
      %mul3A_15 = arith.muli %scan3A_12, %mul3A_14 : i32
      %add3A = arith.addi %mul3A_13, %mul3A_15 : i32
      "tpu.region"() ({
        %run_scoped3A = tpu.sem_alloc : memref<!tpu.dma_semaphore, #tpu.memory_space<semaphore_mem>>
        %dma_start3A = tpu.memref_slice %arg2[%add3A] : memref<65536xi32, #tpu.memory_space<hbm>> -> memref<512xi32, #tpu.memory_space<hbm>>
        %dma_start3A_22 = tpu.memref_slice %arg2[%add3A] : memref<65536xi32, #tpu.memory_space<hbm>> -> memref<512xi32, #tpu.memory_space<hbm>>
        tpu.enqueue_dma source(%dma_start3A_22 : memref<512xi32, #tpu.memory_space<hbm>>) target(%arg7 : memref<512xi32, #tpu.memory_space<vmem>>) target_semaphore(%run_scoped3A : memref<!tpu.dma_semaphore, #tpu.memory_space<semaphore_mem>>)
        %dma_wait3A = tpu.memref_slice %arg2[%add3A] : memref<65536xi32, #tpu.memory_space<hbm>> -> memref<512xi32, #tpu.memory_space<hbm>>
        %dma_wait3A_23 = tpu.memref_slice %arg2[%add3A] : memref<65536xi32, #tpu.memory_space<hbm>> -> memref<512xi32, #tpu.memory_space<hbm>>
        tpu.wait_dma2 semaphore(%run_scoped3A : memref<!tpu.dma_semaphore, #tpu.memory_space<semaphore_mem>>) src(%dma_wait3A_23 : memref<512xi32, #tpu.memory_space<hbm>>) dst(%arg7 : memref<512xi32, #tpu.memory_space<vmem>>)
        tpu.yield
      }) : () -> ()
      "tpu.region"() ({
        %run_scoped3A = tpu.sem_alloc : memref<!tpu.dma_semaphore, #tpu.memory_space<semaphore_mem>>
        %dma_start3A = tpu.memref_slice %arg3[%add3A] : memref<65536xi32, #tpu.memory_space<hbm>> -> memref<512xi32, #tpu.memory_space<hbm>>
        %dma_start3A_22 = tpu.memref_slice %arg3[%add3A] : memref<65536xi32, #tpu.memory_space<hbm>> -> memref<512xi32, #tpu.memory_space<hbm>>
        tpu.enqueue_dma source(%dma_start3A_22 : memref<512xi32, #tpu.memory_space<hbm>>) target(%arg8 : memref<512xi32, #tpu.memory_space<vmem>>) target_semaphore(%run_scoped3A : memref<!tpu.dma_semaphore, #tpu.memory_space<semaphore_mem>>)
        %dma_wait3A = tpu.memref_slice %arg3[%add3A] : memref<65536xi32, #tpu.memory_space<hbm>> -> memref<512xi32, #tpu.memory_space<hbm>>
        %dma_wait3A_23 = tpu.memref_slice %arg3[%add3A] : memref<65536xi32, #tpu.memory_space<hbm>> -> memref<512xi32, #tpu.memory_space<hbm>>
        tpu.wait_dma2 semaphore(%run_scoped3A : memref<!tpu.dma_semaphore, #tpu.memory_space<semaphore_mem>>) src(%dma_wait3A_23 : memref<512xi32, #tpu.memory_space<hbm>>) dst(%arg8 : memref<512xi32, #tpu.memory_space<vmem>>)
        tpu.yield
      }) : () -> ()
      "tpu.region"() ({
        %run_scoped3A = tpu.sem_alloc : memref<!tpu.dma_semaphore, #tpu.memory_space<semaphore_mem>>
        %dma_start3A = arith.constant 0 : i32
        %dma_start3A_22 = tpu.memref_slice %arg5[%arg1, %add3A, %dma_start3A] : memref<16x65536x16xf32, #tpu.memory_space<hbm>> -> memref<1x512x16xf32, #tpu.memory_space<hbm>>
        %dma_start3A_23 = tpu.memref_squeeze %dma_start3A_22 : memref<1x512x16xf32, #tpu.memory_space<hbm>> -> memref<512x16xf32, #tpu.memory_space<hbm>>
        %dma_start3A_24 = arith.constant 0 : i32
        %dma_start3A_25 = tpu.memref_slice %arg5[%arg1, %add3A, %dma_start3A_24] : memref<16x65536x16xf32, #tpu.memory_space<hbm>> -> memref<1x512x16xf32, #tpu.memory_space<hbm>>
        %dma_start3A_26 = tpu.memref_squeeze %dma_start3A_25 : memref<1x512x16xf32, #tpu.memory_space<hbm>> -> memref<512x16xf32, #tpu.memory_space<hbm>>
        tpu.enqueue_dma source(%dma_start3A_26 : memref<512x16xf32, #tpu.memory_space<hbm>>) target(%arg9 : memref<512x16xf32, #tpu.memory_space<vmem>>) target_semaphore(%run_scoped3A : memref<!tpu.dma_semaphore, #tpu.memory_space<semaphore_mem>>)
        %dma_wait3A = arith.constant 0 : i32
        %dma_wait3A_27 = tpu.memref_slice %arg5[%arg1, %add3A, %dma_wait3A] : memref<16x65536x16xf32, #tpu.memory_space<hbm>> -> memref<1x512x16xf32, #tpu.memory_space<hbm>>
        %dma_wait3A_28 = tpu.memref_squeeze %dma_wait3A_27 : memref<1x512x16xf32, #tpu.memory_space<hbm>> -> memref<512x16xf32, #tpu.memory_space<hbm>>
        %dma_wait3A_29 = arith.constant 0 : i32
        %dma_wait3A_30 = tpu.memref_slice %arg5[%arg1, %add3A, %dma_wait3A_29] : memref<16x65536x16xf32, #tpu.memory_space<hbm>> -> memref<1x512x16xf32, #tpu.memory_space<hbm>>
        %dma_wait3A_31 = tpu.memref_squeeze %dma_wait3A_30 : memref<1x512x16xf32, #tpu.memory_space<hbm>> -> memref<512x16xf32, #tpu.memory_space<hbm>>
        tpu.wait_dma2 semaphore(%run_scoped3A : memref<!tpu.dma_semaphore, #tpu.memory_space<semaphore_mem>>) src(%dma_wait3A_31 : memref<512x16xf32, #tpu.memory_space<hbm>>) dst(%arg9 : memref<512x16xf32, #tpu.memory_space<vmem>>)
        tpu.yield
      }) : () -> ()
      %scan3A_16 = arith.constant 0 : i32
      %scan3A_17 = arith.constant 0 : i32
      %scan3A_18 = arith.constant 32 : i32
      %scan3A_19 = arith.addi %scan3A_17, %scan3A_18 : i32
      %scan3A_20 = arith.constant 1 : i32
      scf.for %scan3A_22 = %scan3A_17 to %scan3A_19 step %scan3A_20  : i32 {
        %mul3A_23 = arith.constant 16 : i32
        %mul3A_24 = arith.muli %scan3A_22, %mul3A_23 : i32
        %get3A = arith.index_cast %mul3A_24 : i32 to index
        %get3A_25 = tpu.vector_load %arg7[%get3A] {strides = array<i32>} : memref<512xi32, #tpu.memory_space<vmem>>, vector<16xi32>,
        %get3A_26 = vector.shape_cast %get3A_25 : vector<16xi32> to vector<16xi32>
        %mul3A_27 = arith.constant 16 : i32
        %mul3A_28 = arith.muli %scan3A_22, %mul3A_27 : i32
        %get3A_29 = arith.index_cast %mul3A_28 : i32 to index
        %get3A_30 = tpu.vector_load %arg8[%get3A_29] {strides = array<i32>} : memref<512xi32, #tpu.memory_space<vmem>>, vector<16xi32>,
        %get3A_31 = vector.shape_cast %get3A_30 : vector<16xi32> to vector<16xi32>
        %slice3A = vector.extract_strided_slice %get3A_26 {offsets = [0], sizes = [1], strides = [1]} : vector<16xi32> to vector<1xi32>
        %squeeze3A = vector.extract %slice3A[0] : i32 from vector<1xi32>
        %slice3A_32 = vector.extract_strided_slice %get3A_31 {offsets = [0], sizes = [1], strides = [1]} : vector<16xi32> to vector<1xi32>
        %squeeze3A_33 = vector.extract %slice3A_32[0] : i32 from vector<1xi32>
        %get3A_34 = arith.index_cast %squeeze3A : i32 to index
        %get3A_35 = arith.constant 0 : index
        %get3A_36 = tpu.vector_load %arg10[%get3A_34, %get3A_35] {strides = array<i32>} : memref<2048x16xf32, #tpu.memory_space<vmem>>, vector<1x16xf32>,
        %get3A_37 = vector.shape_cast %get3A_36 : vector<1x16xf32> to vector<16xf32>
        %mul3A_38 = arith.constant 16 : i32
        %mul3A_39 = arith.muli %scan3A_22, %mul3A_38 : i32
        %add3A_40 = arith.constant 0 : i32
        %add3A_41 = arith.addi %mul3A_39, %add3A_40 : i32
        %get3A_42 = arith.index_cast %add3A_41 : i32 to index
        %get3A_43 = arith.constant 0 : index
        %get3A_44 = tpu.vector_load %arg9[%get3A_42, %get3A_43] {strides = array<i32>} : memref<512x16xf32, #tpu.memory_space<vmem>>, vector<1x16xf32>,
        %get3A_45 = vector.shape_cast %get3A_44 : vector<1x16xf32> to vector<16xf32>
        %mul3A_46 = arith.mulf %get3A_37, %get3A_45 : vector<16xf32>
        %get3A_47 = arith.index_cast %squeeze3A_33 : i32 to index
        %get3A_48 = arith.constant 0 : index
        %get3A_49 = tpu.vector_load %arg11[%get3A_47, %get3A_48] {strides = array<i32>} : memref<2048x16xf32, #tpu.memory_space<vmem>>, vector<1x16xf32>,
        %get3A_50 = vector.shape_cast %get3A_49 : vector<1x16xf32> to vector<16xf32>
        %add3A_51 = arith.addf %get3A_50, %mul3A_46 : vector<16xf32>
        %swap3A = arith.index_cast %squeeze3A_33 : i32 to index
        %swap3A_52 = arith.constant 0 : index
        %swap3A_53 = tpu.vector_load %arg11[%swap3A, %swap3A_52] {strides = array<i32>} : memref<2048x16xf32, #tpu.memory_space<vmem>>, vector<1x16xf32>,
        %swap3A_54 = vector.shape_cast %swap3A_53 : vector<1x16xf32> to vector<16xf32>
        %swap3A_55 = vector.shape_cast %add3A_51 : vector<16xf32> to vector<1x16xf32>
        tpu.vector_store %arg11[%swap3A, %swap3A_52], %swap3A_55 {strides = array<i32>} : memref<2048x16xf32, #tpu.memory_space<vmem>>, vector<1x16xf32>,
        %slice3A_56 = vector.extract_strided_slice %get3A_26 {offsets = [1], sizes = [1], strides = [1]} : vector<16xi32> to vector<1xi32>
        %squeeze3A_57 = vector.extract %slice3A_56[0] : i32 from vector<1xi32>
        %slice3A_58 = vector.extract_strided_slice %get3A_31 {offsets = [1], sizes = [1], strides = [1]} : vector<16xi32> to vector<1xi32>
        %squeeze3A_59 = vector.extract %slice3A_58[0] : i32 from vector<1xi32>
        %get3A_60 = arith.index_cast %squeeze3A_57 : i32 to index
        %get3A_61 = arith.constant 0 : index
        %get3A_62 = tpu.vector_load %arg10[%get3A_60, %get3A_61] {strides = array<i32>} : memref<2048x16xf32, #tpu.memory_space<vmem>>, vector<1x16xf32>,
        %get3A_63 = vector.shape_cast %get3A_62 : vector<1x16xf32> to vector<16xf32>
        %mul3A_64 = arith.constant 16 : i32
        %mul3A_65 = arith.muli %scan3A_22, %mul3A_64 : i32
        %add3A_66 = arith.constant 1 : i32
        %add3A_67 = arith.addi %mul3A_65, %add3A_66 : i32
        %get3A_68 = arith.index_cast %add3A_67 : i32 to index
        %get3A_69 = arith.constant 0 : index
        %get3A_70 = tpu.vector_load %arg9[%get3A_68, %get3A_69] {strides = array<i32>} : memref<512x16xf32, #tpu.memory_space<vmem>>, vector<1x16xf32>,
        %get3A_71 = vector.shape_cast %get3A_70 : vector<1x16xf32> to vector<16xf32>
        %mul3A_72 = arith.mulf %get3A_63, %get3A_71 : vector<16xf32>
        %get3A_73 = arith.index_cast %squeeze3A_59 : i32 to index
        %get3A_74 = arith.constant 0 : index
        %get3A_75 = tpu.vector_load %arg11[%get3A_73, %get3A_74] {strides = array<i32>} : memref<2048x16xf32, #tpu.memory_space<vmem>>, vector<1x16xf32>,
        %get3A_76 = vector.shape_cast %get3A_75 : vector<1x16xf32> to vector<16xf32>
        %add3A_77 = arith.addf %get3A_76, %mul3A_72 : vector<16xf32>
        %swap3A_78 = arith.index_cast %squeeze3A_59 : i32 to index
        %swap3A_79 = arith.constant 0 : index
        %swap3A_80 = tpu.vector_load %arg11[%swap3A_78, %swap3A_79] {strides = array<i32>} : memref<2048x16xf32, #tpu.memory_space<vmem>>, vector<1x16xf32>,
        %swap3A_81 = vector.shape_cast %swap3A_80 : vector<1x16xf32> to vector<16xf32>
        %swap3A_82 = vector.shape_cast %add3A_77 : vector<16xf32> to vector<1x16xf32>
        tpu.vector_store %arg11[%swap3A_78, %swap3A_79], %swap3A_82 {strides = array<i32>} : memref<2048x16xf32, #tpu.memory_space<vmem>>, vector<1x16xf32>,
        %slice3A_83 = vector.extract_strided_slice %get3A_26 {offsets = [2], sizes = [1], strides = [1]} : vector<16xi32> to vector<1xi32>
        %squeeze3A_84 = vector.extract %slice3A_83[0] : i32 from vector<1xi32>
        %slice3A_85 = vector.extract_strided_slice %get3A_31 {offsets = [2], sizes = [1], strides = [1]} : vector<16xi32> to vector<1xi32>
        %squeeze3A_86 = vector.extract %slice3A_85[0] : i32 from vector<1xi32>
        %get3A_87 = arith.index_cast %squeeze3A_84 : i32 to index
        %get3A_88 = arith.constant 0 : index
        %get3A_89 = tpu.vector_load %arg10[%get3A_87, %get3A_88] {strides = array<i32>} : memref<2048x16xf32, #tpu.memory_space<vmem>>, vector<1x16xf32>,
        %get3A_90 = vector.shape_cast %get3A_89 : vector<1x16xf32> to vector<16xf32>
        %mul3A_91 = arith.constant 16 : i32
        %mul3A_92 = arith.muli %scan3A_22, %mul3A_91 : i32
        %add3A_93 = arith.constant 2 : i32
        %add3A_94 = arith.addi %mul3A_92, %add3A_93 : i32
        %get3A_95 = arith.index_cast %add3A_94 : i32 to index
        %get3A_96 = arith.constant 0 : index
        %get3A_97 = tpu.vector_load %arg9[%get3A_95, %get3A_96] {strides = array<i32>} : memref<512x16xf32, #tpu.memory_space<vmem>>, vector<1x16xf32>,
        %get3A_98 = vector.shape_cast %get3A_97 : vector<1x16xf32> to vector<16xf32>
        %mul3A_99 = arith.mulf %get3A_90, %get3A_98 : vector<16xf32>
        %get3A_100 = arith.index_cast %squeeze3A_86 : i32 to index
        %get3A_101 = arith.constant 0 : index
        %get3A_102 = tpu.vector_load %arg11[%get3A_100, %get3A_101] {strides = array<i32>} : memref<2048x16xf32, #tpu.memory_space<vmem>>, vector<1x16xf32>,
        %get3A_103 = vector.shape_cast %get3A_102 : vector<1x16xf32> to vector<16xf32>
        %add3A_104 = arith.addf %get3A_103, %mul3A_99 : vector<16xf32>
        %swap3A_105 = arith.index_cast %squeeze3A_86 : i32 to index
        %swap3A_106 = arith.constant 0 : index
        %swap3A_107 = tpu.vector_load %arg11[%swap3A_105, %swap3A_106] {strides = array<i32>} : memref<2048x16xf32, #tpu.memory_space<vmem>>, vector<1x16xf32>,
        %swap3A_108 = vector.shape_cast %swap3A_107 : vector<1x16xf32> to vector<16xf32>
        %swap3A_109 = vector.shape_cast %add3A_104 : vector<16xf32> to vector<1x16xf32>
        tpu.vector_store %arg11[%swap3A_105, %swap3A_106], %swap3A_109 {strides = array<i32>} : memref<2048x16xf32, #tpu.memory_space<vmem>>, vector<1x16xf32>,
        %slice3A_110 = vector.extract_strided_slice %get3A_26 {offsets = [3], sizes = [1], strides = [1]} : vector<16xi32> to vector<1xi32>
        %squeeze3A_111 = vector.extract %slice3A_110[0] : i32 from vector<1xi32>
        %slice3A_112 = vector.extract_strided_slice %get3A_31 {offsets = [3], sizes = [1], strides = [1]} : vector<16xi32> to vector<1xi32>
        %squeeze3A_113 = vector.extract %slice3A_112[0] : i32 from vector<1xi32>
        %get3A_114 = arith.index_cast %squeeze3A_111 : i32 to index
        %get3A_115 = arith.constant 0 : index
        %get3A_116 = tpu.vector_load %arg10[%get3A_114, %get3A_115] {strides = array<i32>} : memref<2048x16xf32, #tpu.memory_space<vmem>>, vector<1x16xf32>,
        %get3A_117 = vector.shape_cast %get3A_116 : vector<1x16xf32> to vector<16xf32>
        %mul3A_118 = arith.constant 16 : i32
        %mul3A_119 = arith.muli %scan3A_22, %mul3A_118 : i32
        %add3A_120 = arith.constant 3 : i32
        %add3A_121 = arith.addi %mul3A_119, %add3A_120 : i32
        %get3A_122 = arith.index_cast %add3A_121 : i32 to index
        %get3A_123 = arith.constant 0 : index
        %get3A_124 = tpu.vector_load %arg9[%get3A_122, %get3A_123] {strides = array<i32>} : memref<512x16xf32, #tpu.memory_space<vmem>>, vector<1x16xf32>,
        %get3A_125 = vector.shape_cast %get3A_124 : vector<1x16xf32> to vector<16xf32>
        %mul3A_126 = arith.mulf %get3A_117, %get3A_125 : vector<16xf32>
        %get3A_127 = arith.index_cast %squeeze3A_113 : i32 to index
        %get3A_128 = arith.constant 0 : index
        %get3A_129 = tpu.vector_load %arg11[%get3A_127, %get3A_128] {strides = array<i32>} : memref<2048x16xf32, #tpu.memory_space<vmem>>, vector<1x16xf32>,
        %get3A_130 = vector.shape_cast %get3A_129 : vector<1x16xf32> to vector<16xf32>
        %add3A_131 = arith.addf %get3A_130, %mul3A_126 : vector<16xf32>
        %swap3A_132 = arith.index_cast %squeeze3A_113 : i32 to index
        %swap3A_133 = arith.constant 0 : index
        %swap3A_134 = tpu.vector_load %arg11[%swap3A_132, %swap3A_133] {strides = array<i32>} : memref<2048x16xf32, #tpu.memory_space<vmem>>, vector<1x16xf32>,
        %swap3A_135 = vector.shape_cast %swap3A_134 : vector<1x16xf32> to vector<16xf32>
        %swap3A_136 = vector.shape_cast %add3A_131 : vector<16xf32> to vector<1x16xf32>
        tpu.vector_store %arg11[%swap3A_132, %swap3A_133], %swap3A_136 {strides = array<i32>} : memref<2048x16xf32, #tpu.memory_space<vmem>>, vector<1x16xf32>,
        %slice3A_137 = vector.extract_strided_slice %get3A_26 {offsets = [4], sizes = [1], strides = [1]} : vector<16xi32> to vector<1xi32>
        %squeeze3A_138 = vector.extract %slice3A_137[0] : i32 from vector<1xi32>
        %slice3A_139 = vector.extract_strided_slice %get3A_31 {offsets = [4], sizes = [1], strides = [1]} : vector<16xi32> to vector<1xi32>
        %squeeze3A_140 = vector.extract %slice3A_139[0] : i32 from vector<1xi32>
        %get3A_141 = arith.index_cast %squeeze3A_138 : i32 to index
        %get3A_142 = arith.constant 0 : index
        %get3A_143 = tpu.vector_load %arg10[%get3A_141, %get3A_142] {strides = array<i32>} : memref<2048x16xf32, #tpu.memory_space<vmem>>, vector<1x16xf32>,
        %get3A_144 = vector.shape_cast %get3A_143 : vector<1x16xf32> to vector<16xf32>
        %mul3A_145 = arith.constant 16 : i32
        %mul3A_146 = arith.muli %scan3A_22, %mul3A_145 : i32
        %add3A_147 = arith.constant 4 : i32
        %add3A_148 = arith.addi %mul3A_146, %add3A_147 : i32
        %get3A_149 = arith.index_cast %add3A_148 : i32 to index
        %get3A_150 = arith.constant 0 : index
        %get3A_151 = tpu.vector_load %arg9[%get3A_149, %get3A_150] {strides = array<i32>} : memref<512x16xf32, #tpu.memory_space<vmem>>, vector<1x16xf32>,
        %get3A_152 = vector.shape_cast %get3A_151 : vector<1x16xf32> to vector<16xf32>
        %mul3A_153 = arith.mulf %get3A_144, %get3A_152 : vector<16xf32>
        %get3A_154 = arith.index_cast %squeeze3A_140 : i32 to index
        %get3A_155 = arith.constant 0 : index
        %get3A_156 = tpu.vector_load %arg11[%get3A_154, %get3A_155] {strides = array<i32>} : memref<2048x16xf32, #tpu.memory_space<vmem>>, vector<1x16xf32>,
        %get3A_157 = vector.shape_cast %get3A_156 : vector<1x16xf32> to vector<16xf32>
        %add3A_158 = arith.addf %get3A_157, %mul3A_153 : vector<16xf32>
        %swap3A_159 = arith.index_cast %squeeze3A_140 : i32 to index
        %swap3A_160 = arith.constant 0 : index
        %swap3A_161 = tpu.vector_load %arg11[%swap3A_159, %swap3A_160] {strides = array<i32>} : memref<2048x16xf32, #tpu.memory_space<vmem>>, vector<1x16xf32>,
        %swap3A_162 = vector.shape_cast %swap3A_161 : vector<1x16xf32> to vector<16xf32>
        %swap3A_163 = vector.shape_cast %add3A_158 : vector<16xf32> to vector<1x16xf32>
        tpu.vector_store %arg11[%swap3A_159, %swap3A_160], %swap3A_163 {strides = array<i32>} : memref<2048x16xf32, #tpu.memory_space<vmem>>, vector<1x16xf32>,
        %slice3A_164 = vector.extract_strided_slice %get3A_26 {offsets = [5], sizes = [1], strides = [1]} : vector<16xi32> to vector<1xi32>
        %squeeze3A_165 = vector.extract %slice3A_164[0] : i32 from vector<1xi32>
        %slice3A_166 = vector.extract_strided_slice %get3A_31 {offsets = [5], sizes = [1], strides = [1]} : vector<16xi32> to vector<1xi32>
        %squeeze3A_167 = vector.extract %slice3A_166[0] : i32 from vector<1xi32>
        %get3A_168 = arith.index_cast %squeeze3A_165 : i32 to index
        %get3A_169 = arith.constant 0 : index
        %get3A_170 = tpu.vector_load %arg10[%get3A_168, %get3A_169] {strides = array<i32>} : memref<2048x16xf32, #tpu.memory_space<vmem>>, vector<1x16xf32>,
        %get3A_171 = vector.shape_cast %get3A_170 : vector<1x16xf32> to vector<16xf32>
        %mul3A_172 = arith.constant 16 : i32
        %mul3A_173 = arith.muli %scan3A_22, %mul3A_172 : i32
        %add3A_174 = arith.constant 5 : i32
        %add3A_175 = arith.addi %mul3A_173, %add3A_174 : i32
        %get3A_176 = arith.index_cast %add3A_175 : i32 to index
        %get3A_177 = arith.constant 0 : index
        %get3A_178 = tpu.vector_load %arg9[%get3A_176, %get3A_177] {strides = array<i32>} : memref<512x16xf32, #tpu.memory_space<vmem>>, vector<1x16xf32>,
        %get3A_179 = vector.shape_cast %get3A_178 : vector<1x16xf32> to vector<16xf32>
        %mul3A_180 = arith.mulf %get3A_171, %get3A_179 : vector<16xf32>
        %get3A_181 = arith.index_cast %squeeze3A_167 : i32 to index
        %get3A_182 = arith.constant 0 : index
        %get3A_183 = tpu.vector_load %arg11[%get3A_181, %get3A_182] {strides = array<i32>} : memref<2048x16xf32, #tpu.memory_space<vmem>>, vector<1x16xf32>,
        %get3A_184 = vector.shape_cast %get3A_183 : vector<1x16xf32> to vector<16xf32>
        %add3A_185 = arith.addf %get3A_184, %mul3A_180 : vector<16xf32>
        %swap3A_186 = arith.index_cast %squeeze3A_167 : i32 to index
        %swap3A_187 = arith.constant 0 : index
        %swap3A_188 = tpu.vector_load %arg11[%swap3A_186, %swap3A_187] {strides = array<i32>} : memref<2048x16xf32, #tpu.memory_space<vmem>>, vector<1x16xf32>,
        %swap3A_189 = vector.shape_cast %swap3A_188 : vector<1x16xf32> to vector<16xf32>
        %swap3A_190 = vector.shape_cast %add3A_185 : vector<16xf32> to vector<1x16xf32>
        tpu.vector_store %arg11[%swap3A_186, %swap3A_187], %swap3A_190 {strides = array<i32>} : memref<2048x16xf32, #tpu.memory_space<vmem>>, vector<1x16xf32>,
        %slice3A_191 = vector.extract_strided_slice %get3A_26 {offsets = [6], sizes = [1], strides = [1]} : vector<16xi32> to vector<1xi32>
        %squeeze3A_192 = vector.extract %slice3A_191[0] : i32 from vector<1xi32>
        %slice3A_193 = vector.extract_strided_slice %get3A_31 {offsets = [6], sizes = [1], strides = [1]} : vector<16xi32> to vector<1xi32>
        %squeeze3A_194 = vector.extract %slice3A_193[0] : i32 from vector<1xi32>
        %get3A_195 = arith.index_cast %squeeze3A_192 : i32 to index
        %get3A_196 = arith.constant 0 : index
        %get3A_197 = tpu.vector_load %arg10[%get3A_195, %get3A_196] {strides = array<i32>} : memref<2048x16xf32, #tpu.memory_space<vmem>>, vector<1x16xf32>,
        %get3A_198 = vector.shape_cast %get3A_197 : vector<1x16xf32> to vector<16xf32>
        %mul3A_199 = arith.constant 16 : i32
        %mul3A_200 = arith.muli %scan3A_22, %mul3A_199 : i32
        %add3A_201 = arith.constant 6 : i32
        %add3A_202 = arith.addi %mul3A_200, %add3A_201 : i32
        %get3A_203 = arith.index_cast %add3A_202 : i32 to index
        %get3A_204 = arith.constant 0 : index
        %get3A_205 = tpu.vector_load %arg9[%get3A_203, %get3A_204] {strides = array<i32>} : memref<512x16xf32, #tpu.memory_space<vmem>>, vector<1x16xf32>,
        %get3A_206 = vector.shape_cast %get3A_205 : vector<1x16xf32> to vector<16xf32>
        %mul3A_207 = arith.mulf %get3A_198, %get3A_206 : vector<16xf32>
        %get3A_208 = arith.index_cast %squeeze3A_194 : i32 to index
        %get3A_209 = arith.constant 0 : index
        %get3A_210 = tpu.vector_load %arg11[%get3A_208, %get3A_209] {strides = array<i32>} : memref<2048x16xf32, #tpu.memory_space<vmem>>, vector<1x16xf32>,
        %get3A_211 = vector.shape_cast %get3A_210 : vector<1x16xf32> to vector<16xf32>
        %add3A_212 = arith.addf %get3A_211, %mul3A_207 : vector<16xf32>
        %swap3A_213 = arith.index_cast %squeeze3A_194 : i32 to index
        %swap3A_214 = arith.constant 0 : index
        %swap3A_215 = tpu.vector_load %arg11[%swap3A_213, %swap3A_214] {strides = array<i32>} : memref<2048x16xf32, #tpu.memory_space<vmem>>, vector<1x16xf32>,
        %swap3A_216 = vector.shape_cast %swap3A_215 : vector<1x16xf32> to vector<16xf32>
        %swap3A_217 = vector.shape_cast %add3A_212 : vector<16xf32> to vector<1x16xf32>
        tpu.vector_store %arg11[%swap3A_213, %swap3A_214], %swap3A_217 {strides = array<i32>} : memref<2048x16xf32, #tpu.memory_space<vmem>>, vector<1x16xf32>,
        %slice3A_218 = vector.extract_strided_slice %get3A_26 {offsets = [7], sizes = [1], strides = [1]} : vector<16xi32> to vector<1xi32>
        %squeeze3A_219 = vector.extract %slice3A_218[0] : i32 from vector<1xi32>
        %slice3A_220 = vector.extract_strided_slice %get3A_31 {offsets = [7], sizes = [1], strides = [1]} : vector<16xi32> to vector<1xi32>
        %squeeze3A_221 = vector.extract %slice3A_220[0] : i32 from vector<1xi32>
        %get3A_222 = arith.index_cast %squeeze3A_219 : i32 to index
        %get3A_223 = arith.constant 0 : index
        %get3A_224 = tpu.vector_load %arg10[%get3A_222, %get3A_223] {strides = array<i32>} : memref<2048x16xf32, #tpu.memory_space<vmem>>, vector<1x16xf32>,
        %get3A_225 = vector.shape_cast %get3A_224 : vector<1x16xf32> to vector<16xf32>
        %mul3A_226 = arith.constant 16 : i32
        %mul3A_227 = arith.muli %scan3A_22, %mul3A_226 : i32
        %add3A_228 = arith.constant 7 : i32
        %add3A_229 = arith.addi %mul3A_227, %add3A_228 : i32
        %get3A_230 = arith.index_cast %add3A_229 : i32 to index
        %get3A_231 = arith.constant 0 : index
        %get3A_232 = tpu.vector_load %arg9[%get3A_230, %get3A_231] {strides = array<i32>} : memref<512x16xf32, #tpu.memory_space<vmem>>, vector<1x16xf32>,
        %get3A_233 = vector.shape_cast %get3A_232 : vector<1x16xf32> to vector<16xf32>
        %mul3A_234 = arith.mulf %get3A_225, %get3A_233 : vector<16xf32>
        %get3A_235 = arith.index_cast %squeeze3A_221 : i32 to index
        %get3A_236 = arith.constant 0 : index
        %get3A_237 = tpu.vector_load %arg11[%get3A_235, %get3A_236] {strides = array<i32>} : memref<2048x16xf32, #tpu.memory_space<vmem>>, vector<1x16xf32>,
        %get3A_238 = vector.shape_cast %get3A_237 : vector<1x16xf32> to vector<16xf32>
        %add3A_239 = arith.addf %get3A_238, %mul3A_234 : vector<16xf32>
        %swap3A_240 = arith.index_cast %squeeze3A_221 : i32 to index
        %swap3A_241 = arith.constant 0 : index
        %swap3A_242 = tpu.vector_load %arg11[%swap3A_240, %swap3A_241] {strides = array<i32>} : memref<2048x16xf32, #tpu.memory_space<vmem>>, vector<1x16xf32>,
        %swap3A_243 = vector.shape_cast %swap3A_242 : vector<1x16xf32> to vector<16xf32>
        %swap3A_244 = vector.shape_cast %add3A_239 : vector<16xf32> to vector<1x16xf32>
        tpu.vector_store %arg11[%swap3A_240, %swap3A_241], %swap3A_244 {strides = array<i32>} : memref<2048x16xf32, #tpu.memory_space<vmem>>, vector<1x16xf32>,
        %slice3A_245 = vector.extract_strided_slice %get3A_26 {offsets = [8], sizes = [1], strides = [1]} : vector<16xi32> to vector<1xi32>
        %squeeze3A_246 = vector.extract %slice3A_245[0] : i32 from vector<1xi32>
        %slice3A_247 = vector.extract_strided_slice %get3A_31 {offsets = [8], sizes = [1], strides = [1]} : vector<16xi32> to vector<1xi32>
        %squeeze3A_248 = vector.extract %slice3A_247[0] : i32 from vector<1xi32>
        %get3A_249 = arith.index_cast %squeeze3A_246 : i32 to index
        %get3A_250 = arith.constant 0 : index
        %get3A_251 = tpu.vector_load %arg10[%get3A_249, %get3A_250] {strides = array<i32>} : memref<2048x16xf32, #tpu.memory_space<vmem>>, vector<1x16xf32>,
        %get3A_252 = vector.shape_cast %get3A_251 : vector<1x16xf32> to vector<16xf32>
        %mul3A_253 = arith.constant 16 : i32
        %mul3A_254 = arith.muli %scan3A_22, %mul3A_253 : i32
        %add3A_255 = arith.constant 8 : i32
        %add3A_256 = arith.addi %mul3A_254, %add3A_255 : i32
        %get3A_257 = arith.index_cast %add3A_256 : i32 to index
        %get3A_258 = arith.constant 0 : index
        %get3A_259 = tpu.vector_load %arg9[%get3A_257, %get3A_258] {strides = array<i32>} : memref<512x16xf32, #tpu.memory_space<vmem>>, vector<1x16xf32>,
        %get3A_260 = vector.shape_cast %get3A_259 : vector<1x16xf32> to vector<16xf32>
        %mul3A_261 = arith.mulf %get3A_252, %get3A_260 : vector<16xf32>
        %get3A_262 = arith.index_cast %squeeze3A_248 : i32 to index
        %get3A_263 = arith.constant 0 : index
        %get3A_264 = tpu.vector_load %arg11[%get3A_262, %get3A_263] {strides = array<i32>} : memref<2048x16xf32, #tpu.memory_space<vmem>>, vector<1x16xf32>,
        %get3A_265 = vector.shape_cast %get3A_264 : vector<1x16xf32> to vector<16xf32>
        %add3A_266 = arith.addf %get3A_265, %mul3A_261 : vector<16xf32>
        %swap3A_267 = arith.index_cast %squeeze3A_248 : i32 to index
        %swap3A_268 = arith.constant 0 : index
        %swap3A_269 = tpu.vector_load %arg11[%swap3A_267, %swap3A_268] {strides = array<i32>} : memref<2048x16xf32, #tpu.memory_space<vmem>>, vector<1x16xf32>,
        %swap3A_270 = vector.shape_cast %swap3A_269 : vector<1x16xf32> to vector<16xf32>
        %swap3A_271 = vector.shape_cast %add3A_266 : vector<16xf32> to vector<1x16xf32>
        tpu.vector_store %arg11[%swap3A_267, %swap3A_268], %swap3A_271 {strides = array<i32>} : memref<2048x16xf32, #tpu.memory_space<vmem>>, vector<1x16xf32>,
        %slice3A_272 = vector.extract_strided_slice %get3A_26 {offsets = [9], sizes = [1], strides = [1]} : vector<16xi32> to vector<1xi32>
        %squeeze3A_273 = vector.extract %slice3A_272[0] : i32 from vector<1xi32>
        %slice3A_274 = vector.extract_strided_slice %get3A_31 {offsets = [9], sizes = [1], strides = [1]} : vector<16xi32> to vector<1xi32>
        %squeeze3A_275 = vector.extract %slice3A_274[0] : i32 from vector<1xi32>
        %get3A_276 = arith.index_cast %squeeze3A_273 : i32 to index
        %get3A_277 = arith.constant 0 : index
        %get3A_278 = tpu.vector_load %arg10[%get3A_276, %get3A_277] {strides = array<i32>} : memref<2048x16xf32, #tpu.memory_space<vmem>>, vector<1x16xf32>,
        %get3A_279 = vector.shape_cast %get3A_278 : vector<1x16xf32> to vector<16xf32>
        %mul3A_280 = arith.constant 16 : i32
        %mul3A_281 = arith.muli %scan3A_22, %mul3A_280 : i32
        %add3A_282 = arith.constant 9 : i32
        %add3A_283 = arith.addi %mul3A_281, %add3A_282 : i32
        %get3A_284 = arith.index_cast %add3A_283 : i32 to index
        %get3A_285 = arith.constant 0 : index
        %get3A_286 = tpu.vector_load %arg9[%get3A_284, %get3A_285] {strides = array<i32>} : memref<512x16xf32, #tpu.memory_space<vmem>>, vector<1x16xf32>,
        %get3A_287 = vector.shape_cast %get3A_286 : vector<1x16xf32> to vector<16xf32>
        %mul3A_288 = arith.mulf %get3A_279, %get3A_287 : vector<16xf32>
        %get3A_289 = arith.index_cast %squeeze3A_275 : i32 to index
        %get3A_290 = arith.constant 0 : index
        %get3A_291 = tpu.vector_load %arg11[%get3A_289, %get3A_290] {strides = array<i32>} : memref<2048x16xf32, #tpu.memory_space<vmem>>, vector<1x16xf32>,
        %get3A_292 = vector.shape_cast %get3A_291 : vector<1x16xf32> to vector<16xf32>
        %add3A_293 = arith.addf %get3A_292, %mul3A_288 : vector<16xf32>
        %swap3A_294 = arith.index_cast %squeeze3A_275 : i32 to index
        %swap3A_295 = arith.constant 0 : index
        %swap3A_296 = tpu.vector_load %arg11[%swap3A_294, %swap3A_295] {strides = array<i32>} : memref<2048x16xf32, #tpu.memory_space<vmem>>, vector<1x16xf32>,
        %swap3A_297 = vector.shape_cast %swap3A_296 : vector<1x16xf32> to vector<16xf32>
        %swap3A_298 = vector.shape_cast %add3A_293 : vector<16xf32> to vector<1x16xf32>
        tpu.vector_store %arg11[%swap3A_294, %swap3A_295], %swap3A_298 {strides = array<i32>} : memref<2048x16xf32, #tpu.memory_space<vmem>>, vector<1x16xf32>,
        %slice3A_299 = vector.extract_strided_slice %get3A_26 {offsets = [10], sizes = [1], strides = [1]} : vector<16xi32> to vector<1xi32>
        %squeeze3A_300 = vector.extract %slice3A_299[0] : i32 from vector<1xi32>
        %slice3A_301 = vector.extract_strided_slice %get3A_31 {offsets = [10], sizes = [1], strides = [1]} : vector<16xi32> to vector<1xi32>
        %squeeze3A_302 = vector.extract %slice3A_301[0] : i32 from vector<1xi32>
        %get3A_303 = arith.index_cast %squeeze3A_300 : i32 to index
        %get3A_304 = arith.constant 0 : index
        %get3A_305 = tpu.vector_load %arg10[%get3A_303, %get3A_304] {strides = array<i32>} : memref<2048x16xf32, #tpu.memory_space<vmem>>, vector<1x16xf32>,
        %get3A_306 = vector.shape_cast %get3A_305 : vector<1x16xf32> to vector<16xf32>
        %mul3A_307 = arith.constant 16 : i32
        %mul3A_308 = arith.muli %scan3A_22, %mul3A_307 : i32
        %add3A_309 = arith.constant 10 : i32
        %add3A_310 = arith.addi %mul3A_308, %add3A_309 : i32
        %get3A_311 = arith.index_cast %add3A_310 : i32 to index
        %get3A_312 = arith.constant 0 : index
        %get3A_313 = tpu.vector_load %arg9[%get3A_311, %get3A_312] {strides = array<i32>} : memref<512x16xf32, #tpu.memory_space<vmem>>, vector<1x16xf32>,
        %get3A_314 = vector.shape_cast %get3A_313 : vector<1x16xf32> to vector<16xf32>
        %mul3A_315 = arith.mulf %get3A_306, %get3A_314 : vector<16xf32>
        %get3A_316 = arith.index_cast %squeeze3A_302 : i32 to index
        %get3A_317 = arith.constant 0 : index
        %get3A_318 = tpu.vector_load %arg11[%get3A_316, %get3A_317] {strides = array<i32>} : memref<2048x16xf32, #tpu.memory_space<vmem>>, vector<1x16xf32>,
        %get3A_319 = vector.shape_cast %get3A_318 : vector<1x16xf32> to vector<16xf32>
        %add3A_320 = arith.addf %get3A_319, %mul3A_315 : vector<16xf32>
        %swap3A_321 = arith.index_cast %squeeze3A_302 : i32 to index
        %swap3A_322 = arith.constant 0 : index
        %swap3A_323 = tpu.vector_load %arg11[%swap3A_321, %swap3A_322] {strides = array<i32>} : memref<2048x16xf32, #tpu.memory_space<vmem>>, vector<1x16xf32>,
        %swap3A_324 = vector.shape_cast %swap3A_323 : vector<1x16xf32> to vector<16xf32>
        %swap3A_325 = vector.shape_cast %add3A_320 : vector<16xf32> to vector<1x16xf32>
        tpu.vector_store %arg11[%swap3A_321, %swap3A_322], %swap3A_325 {strides = array<i32>} : memref<2048x16xf32, #tpu.memory_space<vmem>>, vector<1x16xf32>,
        %slice3A_326 = vector.extract_strided_slice %get3A_26 {offsets = [11], sizes = [1], strides = [1]} : vector<16xi32> to vector<1xi32>
        %squeeze3A_327 = vector.extract %slice3A_326[0] : i32 from vector<1xi32>
        %slice3A_328 = vector.extract_strided_slice %get3A_31 {offsets = [11], sizes = [1], strides = [1]} : vector<16xi32> to vector<1xi32>
        %squeeze3A_329 = vector.extract %slice3A_328[0] : i32 from vector<1xi32>
        %get3A_330 = arith.index_cast %squeeze3A_327 : i32 to index
        %get3A_331 = arith.constant 0 : index
        %get3A_332 = tpu.vector_load %arg10[%get3A_330, %get3A_331] {strides = array<i32>} : memref<2048x16xf32, #tpu.memory_space<vmem>>, vector<1x16xf32>,
        %get3A_333 = vector.shape_cast %get3A_332 : vector<1x16xf32> to vector<16xf32>
        %mul3A_334 = arith.constant 16 : i32
        %mul3A_335 = arith.muli %scan3A_22, %mul3A_334 : i32
        %add3A_336 = arith.constant 11 : i32
        %add3A_337 = arith.addi %mul3A_335, %add3A_336 : i32
        %get3A_338 = arith.index_cast %add3A_337 : i32 to index
        %get3A_339 = arith.constant 0 : index
        %get3A_340 = tpu.vector_load %arg9[%get3A_338, %get3A_339] {strides = array<i32>} : memref<512x16xf32, #tpu.memory_space<vmem>>, vector<1x16xf32>,
        %get3A_341 = vector.shape_cast %get3A_340 : vector<1x16xf32> to vector<16xf32>
        %mul3A_342 = arith.mulf %get3A_333, %get3A_341 : vector<16xf32>
        %get3A_343 = arith.index_cast %squeeze3A_329 : i32 to index
        %get3A_344 = arith.constant 0 : index
        %get3A_345 = tpu.vector_load %arg11[%get3A_343, %get3A_344] {strides = array<i32>} : memref<2048x16xf32, #tpu.memory_space<vmem>>, vector<1x16xf32>,
        %get3A_346 = vector.shape_cast %get3A_345 : vector<1x16xf32> to vector<16xf32>
        %add3A_347 = arith.addf %get3A_346, %mul3A_342 : vector<16xf32>
        %swap3A_348 = arith.index_cast %squeeze3A_329 : i32 to index
        %swap3A_349 = arith.constant 0 : index
        %swap3A_350 = tpu.vector_load %arg11[%swap3A_348, %swap3A_349] {strides = array<i32>} : memref<2048x16xf32, #tpu.memory_space<vmem>>, vector<1x16xf32>,
        %swap3A_351 = vector.shape_cast %swap3A_350 : vector<1x16xf32> to vector<16xf32>
        %swap3A_352 = vector.shape_cast %add3A_347 : vector<16xf32> to vector<1x16xf32>
        tpu.vector_store %arg11[%swap3A_348, %swap3A_349], %swap3A_352 {strides = array<i32>} : memref<2048x16xf32, #tpu.memory_space<vmem>>, vector<1x16xf32>,
        %slice3A_353 = vector.extract_strided_slice %get3A_26 {offsets = [12], sizes = [1], strides = [1]} : vector<16xi32> to vector<1xi32>
        %squeeze3A_354 = vector.extract %slice3A_353[0] : i32 from vector<1xi32>
        %slice3A_355 = vector.extract_strided_slice %get3A_31 {offsets = [12], sizes = [1], strides = [1]} : vector<16xi32> to vector<1xi32>
        %squeeze3A_356 = vector.extract %slice3A_355[0] : i32 from vector<1xi32>
        %get3A_357 = arith.index_cast %squeeze3A_354 : i32 to index
        %get3A_358 = arith.constant 0 : index
        %get3A_359 = tpu.vector_load %arg10[%get3A_357, %get3A_358] {strides = array<i32>} : memref<2048x16xf32, #tpu.memory_space<vmem>>, vector<1x16xf32>,
        %get3A_360 = vector.shape_cast %get3A_359 : vector<1x16xf32> to vector<16xf32>
        %mul3A_361 = arith.constant 16 : i32
        %mul3A_362 = arith.muli %scan3A_22, %mul3A_361 : i32
        %add3A_363 = arith.constant 12 : i32
        %add3A_364 = arith.addi %mul3A_362, %add3A_363 : i32
        %get3A_365 = arith.index_cast %add3A_364 : i32 to index
        %get3A_366 = arith.constant 0 : index
        %get3A_367 = tpu.vector_load %arg9[%get3A_365, %get3A_366] {strides = array<i32>} : memref<512x16xf32, #tpu.memory_space<vmem>>, vector<1x16xf32>,
        %get3A_368 = vector.shape_cast %get3A_367 : vector<1x16xf32> to vector<16xf32>
        %mul3A_369 = arith.mulf %get3A_360, %get3A_368 : vector<16xf32>
        %get3A_370 = arith.index_cast %squeeze3A_356 : i32 to index
        %get3A_371 = arith.constant 0 : index
        %get3A_372 = tpu.vector_load %arg11[%get3A_370, %get3A_371] {strides = array<i32>} : memref<2048x16xf32, #tpu.memory_space<vmem>>, vector<1x16xf32>,
        %get3A_373 = vector.shape_cast %get3A_372 : vector<1x16xf32> to vector<16xf32>
        %add3A_374 = arith.addf %get3A_373, %mul3A_369 : vector<16xf32>
        %swap3A_375 = arith.index_cast %squeeze3A_356 : i32 to index
        %swap3A_376 = arith.constant 0 : index
        %swap3A_377 = tpu.vector_load %arg11[%swap3A_375, %swap3A_376] {strides = array<i32>} : memref<2048x16xf32, #tpu.memory_space<vmem>>, vector<1x16xf32>,
        %swap3A_378 = vector.shape_cast %swap3A_377 : vector<1x16xf32> to vector<16xf32>
        %swap3A_379 = vector.shape_cast %add3A_374 : vector<16xf32> to vector<1x16xf32>
        tpu.vector_store %arg11[%swap3A_375, %swap3A_376], %swap3A_379 {strides = array<i32>} : memref<2048x16xf32, #tpu.memory_space<vmem>>, vector<1x16xf32>,
        %slice3A_380 = vector.extract_strided_slice %get3A_26 {offsets = [13], sizes = [1], strides = [1]} : vector<16xi32> to vector<1xi32>
        %squeeze3A_381 = vector.extract %slice3A_380[0] : i32 from vector<1xi32>
        %slice3A_382 = vector.extract_strided_slice %get3A_31 {offsets = [13], sizes = [1], strides = [1]} : vector<16xi32> to vector<1xi32>
        %squeeze3A_383 = vector.extract %slice3A_382[0] : i32 from vector<1xi32>
        %get3A_384 = arith.index_cast %squeeze3A_381 : i32 to index
        %get3A_385 = arith.constant 0 : index
        %get3A_386 = tpu.vector_load %arg10[%get3A_384, %get3A_385] {strides = array<i32>} : memref<2048x16xf32, #tpu.memory_space<vmem>>, vector<1x16xf32>,
        %get3A_387 = vector.shape_cast %get3A_386 : vector<1x16xf32> to vector<16xf32>
        %mul3A_388 = arith.constant 16 : i32
        %mul3A_389 = arith.muli %scan3A_22, %mul3A_388 : i32
        %add3A_390 = arith.constant 13 : i32
        %add3A_391 = arith.addi %mul3A_389, %add3A_390 : i32
        %get3A_392 = arith.index_cast %add3A_391 : i32 to index
        %get3A_393 = arith.constant 0 : index
        %get3A_394 = tpu.vector_load %arg9[%get3A_392, %get3A_393] {strides = array<i32>} : memref<512x16xf32, #tpu.memory_space<vmem>>, vector<1x16xf32>,
        %get3A_395 = vector.shape_cast %get3A_394 : vector<1x16xf32> to vector<16xf32>
        %mul3A_396 = arith.mulf %get3A_387, %get3A_395 : vector<16xf32>
        %get3A_397 = arith.index_cast %squeeze3A_383 : i32 to index
        %get3A_398 = arith.constant 0 : index
        %get3A_399 = tpu.vector_load %arg11[%get3A_397, %get3A_398] {strides = array<i32>} : memref<2048x16xf32, #tpu.memory_space<vmem>>, vector<1x16xf32>,
        %get3A_400 = vector.shape_cast %get3A_399 : vector<1x16xf32> to vector<16xf32>
        %add3A_401 = arith.addf %get3A_400, %mul3A_396 : vector<16xf32>
        %swap3A_402 = arith.index_cast %squeeze3A_383 : i32 to index
        %swap3A_403 = arith.constant 0 : index
        %swap3A_404 = tpu.vector_load %arg11[%swap3A_402, %swap3A_403] {strides = array<i32>} : memref<2048x16xf32, #tpu.memory_space<vmem>>, vector<1x16xf32>,
        %swap3A_405 = vector.shape_cast %swap3A_404 : vector<1x16xf32> to vector<16xf32>
        %swap3A_406 = vector.shape_cast %add3A_401 : vector<16xf32> to vector<1x16xf32>
        tpu.vector_store %arg11[%swap3A_402, %swap3A_403], %swap3A_406 {strides = array<i32>} : memref<2048x16xf32, #tpu.memory_space<vmem>>, vector<1x16xf32>,
        %slice3A_407 = vector.extract_strided_slice %get3A_26 {offsets = [14], sizes = [1], strides = [1]} : vector<16xi32> to vector<1xi32>
        %squeeze3A_408 = vector.extract %slice3A_407[0] : i32 from vector<1xi32>
        %slice3A_409 = vector.extract_strided_slice %get3A_31 {offsets = [14], sizes = [1], strides = [1]} : vector<16xi32> to vector<1xi32>
        %squeeze3A_410 = vector.extract %slice3A_409[0] : i32 from vector<1xi32>
        %get3A_411 = arith.index_cast %squeeze3A_408 : i32 to index
        %get3A_412 = arith.constant 0 : index
        %get3A_413 = tpu.vector_load %arg10[%get3A_411, %get3A_412] {strides = array<i32>} : memref<2048x16xf32, #tpu.memory_space<vmem>>, vector<1x16xf32>,
        %get3A_414 = vector.shape_cast %get3A_413 : vector<1x16xf32> to vector<16xf32>
        %mul3A_415 = arith.constant 16 : i32
        %mul3A_416 = arith.muli %scan3A_22, %mul3A_415 : i32
        %add3A_417 = arith.constant 14 : i32
        %add3A_418 = arith.addi %mul3A_416, %add3A_417 : i32
        %get3A_419 = arith.index_cast %add3A_418 : i32 to index
        %get3A_420 = arith.constant 0 : index
        %get3A_421 = tpu.vector_load %arg9[%get3A_419, %get3A_420] {strides = array<i32>} : memref<512x16xf32, #tpu.memory_space<vmem>>, vector<1x16xf32>,
        %get3A_422 = vector.shape_cast %get3A_421 : vector<1x16xf32> to vector<16xf32>
        %mul3A_423 = arith.mulf %get3A_414, %get3A_422 : vector<16xf32>
        %get3A_424 = arith.index_cast %squeeze3A_410 : i32 to index
        %get3A_425 = arith.constant 0 : index
        %get3A_426 = tpu.vector_load %arg11[%get3A_424, %get3A_425] {strides = array<i32>} : memref<2048x16xf32, #tpu.memory_space<vmem>>, vector<1x16xf32>,
        %get3A_427 = vector.shape_cast %get3A_426 : vector<1x16xf32> to vector<16xf32>
        %add3A_428 = arith.addf %get3A_427, %mul3A_423 : vector<16xf32>
        %swap3A_429 = arith.index_cast %squeeze3A_410 : i32 to index
        %swap3A_430 = arith.constant 0 : index
        %swap3A_431 = tpu.vector_load %arg11[%swap3A_429, %swap3A_430] {strides = array<i32>} : memref<2048x16xf32, #tpu.memory_space<vmem>>, vector<1x16xf32>,
        %swap3A_432 = vector.shape_cast %swap3A_431 : vector<1x16xf32> to vector<16xf32>
        %swap3A_433 = vector.shape_cast %add3A_428 : vector<16xf32> to vector<1x16xf32>
        tpu.vector_store %arg11[%swap3A_429, %swap3A_430], %swap3A_433 {strides = array<i32>} : memref<2048x16xf32, #tpu.memory_space<vmem>>, vector<1x16xf32>,
        %slice3A_434 = vector.extract_strided_slice %get3A_26 {offsets = [15], sizes = [1], strides = [1]} : vector<16xi32> to vector<1xi32>
        %squeeze3A_435 = vector.extract %slice3A_434[0] : i32 from vector<1xi32>
        %slice3A_436 = vector.extract_strided_slice %get3A_31 {offsets = [15], sizes = [1], strides = [1]} : vector<16xi32> to vector<1xi32>
        %squeeze3A_437 = vector.extract %slice3A_436[0] : i32 from vector<1xi32>
        %get3A_438 = arith.index_cast %squeeze3A_435 : i32 to index
        %get3A_439 = arith.constant 0 : index
        %get3A_440 = tpu.vector_load %arg10[%get3A_438, %get3A_439] {strides = array<i32>} : memref<2048x16xf32, #tpu.memory_space<vmem>>, vector<1x16xf32>,
        %get3A_441 = vector.shape_cast %get3A_440 : vector<1x16xf32> to vector<16xf32>
        %mul3A_442 = arith.constant 16 : i32
        %mul3A_443 = arith.muli %scan3A_22, %mul3A_442 : i32
        %add3A_444 = arith.constant 15 : i32
        %add3A_445 = arith.addi %mul3A_443, %add3A_444 : i32
        %get3A_446 = arith.index_cast %add3A_445 : i32 to index
        %get3A_447 = arith.constant 0 : index
        %get3A_448 = tpu.vector_load %arg9[%get3A_446, %get3A_447] {strides = array<i32>} : memref<512x16xf32, #tpu.memory_space<vmem>>, vector<1x16xf32>,
        %get3A_449 = vector.shape_cast %get3A_448 : vector<1x16xf32> to vector<16xf32>
        %mul3A_450 = arith.mulf %get3A_441, %get3A_449 : vector<16xf32>
        %get3A_451 = arith.index_cast %squeeze3A_437 : i32 to index
        %get3A_452 = arith.constant 0 : index
        %get3A_453 = tpu.vector_load %arg11[%get3A_451, %get3A_452] {strides = array<i32>} : memref<2048x16xf32, #tpu.memory_space<vmem>>, vector<1x16xf32>,
        %get3A_454 = vector.shape_cast %get3A_453 : vector<1x16xf32> to vector<16xf32>
        %add3A_455 = arith.addf %get3A_454, %mul3A_450 : vector<16xf32>
        %swap3A_456 = arith.index_cast %squeeze3A_437 : i32 to index
        %swap3A_457 = arith.constant 0 : index
        %swap3A_458 = tpu.vector_load %arg11[%swap3A_456, %swap3A_457] {strides = array<i32>} : memref<2048x16xf32, #tpu.memory_space<vmem>>, vector<1x16xf32>,
        %swap3A_459 = vector.shape_cast %swap3A_458 : vector<1x16xf32> to vector<16xf32>
        %swap3A_460 = vector.shape_cast %add3A_455 : vector<16xf32> to vector<1x16xf32>
        tpu.vector_store %arg11[%swap3A_456, %swap3A_457], %swap3A_460 {strides = array<i32>} : memref<2048x16xf32, #tpu.memory_space<vmem>>, vector<1x16xf32>,
      }
      %scan3A_21 = arith.constant 32 : i32
    }
    %scan3A_11 = arith.constant 64 : i32
    "tpu.region"() ({
      %run_scoped3A = tpu.sem_alloc : memref<!tpu.dma_semaphore, #tpu.memory_space<semaphore_mem>>
      %dma_start3A = arith.constant 0 : i32
      %dma_start3A_12 = arith.constant 0 : i32
      %dma_start3A_13 = tpu.memref_slice %arg6[%arg0, %arg1, %dma_start3A, %dma_start3A_12] : memref<2x16x2048x16xf32, #tpu.memory_space<hbm>> -> memref<1x1x2048x16xf32, #tpu.memory_space<hbm>>
      %dma_start3A_14 = tpu.memref_squeeze %dma_start3A_13 : memref<1x1x2048x16xf32, #tpu.memory_space<hbm>> -> memref<2048x16xf32, #tpu.memory_space<hbm>>
      %dma_start3A_15 = arith.constant 0 : i32
      %dma_start3A_16 = arith.constant 0 : i32
      %dma_start3A_17 = tpu.memref_slice %arg6[%arg0, %arg1, %dma_start3A_15, %dma_start3A_16] : memref<2x16x2048x16xf32, #tpu.memory_space<hbm>> -> memref<1x1x2048x16xf32, #tpu.memory_space<hbm>>
      %dma_start3A_18 = tpu.memref_squeeze %dma_start3A_17 : memref<1x1x2048x16xf32, #tpu.memory_space<hbm>> -> memref<2048x16xf32, #tpu.memory_space<hbm>>
      tpu.enqueue_dma source(%arg11 : memref<2048x16xf32, #tpu.memory_space<vmem>>) target(%dma_start3A_18 : memref<2048x16xf32, #tpu.memory_space<hbm>>) target_semaphore(%run_scoped3A : memref<!tpu.dma_semaphore, #tpu.memory_space<semaphore_mem>>)
      %dma_wait3A = arith.constant 0 : i32
      %dma_wait3A_19 = arith.constant 0 : i32
      %dma_wait3A_20 = tpu.memref_slice %arg6[%arg0, %arg1, %dma_wait3A, %dma_wait3A_19] : memref<2x16x2048x16xf32, #tpu.memory_space<hbm>> -> memref<1x1x2048x16xf32, #tpu.memory_space<hbm>>
      %dma_wait3A_21 = tpu.memref_squeeze %dma_wait3A_20 : memref<1x1x2048x16xf32, #tpu.memory_space<hbm>> -> memref<2048x16xf32, #tpu.memory_space<hbm>>
      %dma_wait3A_22 = arith.constant 0 : i32
      %dma_wait3A_23 = arith.constant 0 : i32
      %dma_wait3A_24 = tpu.memref_slice %arg6[%arg0, %arg1, %dma_wait3A_22, %dma_wait3A_23] : memref<2x16x2048x16xf32, #tpu.memory_space<hbm>> -> memref<1x1x2048x16xf32, #tpu.memory_space<hbm>>
      %dma_wait3A_25 = tpu.memref_squeeze %dma_wait3A_24 : memref<1x1x2048x16xf32, #tpu.memory_space<hbm>> -> memref<2048x16xf32, #tpu.memory_space<hbm>>
      tpu.wait_dma2 semaphore(%run_scoped3A : memref<!tpu.dma_semaphore, #tpu.memory_space<semaphore_mem>>) src(%arg11 : memref<2048x16xf32, #tpu.memory_space<vmem>>) dst(%dma_wait3A_25 : memref<2048x16xf32, #tpu.memory_space<hbm>>)
      tpu.yield
    }) : () -> ()
    return
  }
}

module attributes {stable_mosaic.version = 14 : i64} {
  func.func @_prep_kernel(%arg0: i32, %arg1: memref<2048x1xi32, #tpu.memory_space<vmem>>, %arg2: memref<2048x1xi32, #tpu.memory_space<vmem>>, %arg3: memref<2048x256xf32, #tpu.memory_space<vmem>>, %arg4: memref<2048x128xbf16, #tpu.memory_space<vmem>>, %arg5: memref<256x256xf32, #tpu.memory_space<vmem>>, %arg6: memref<1x256xf32, #tpu.memory_space<vmem>>, %arg7: memref<256x256xf32, #tpu.memory_space<vmem>>, %arg8: memref<1x256xf32, #tpu.memory_space<vmem>>, %arg9: memref<16x256xf32, #tpu.memory_space<vmem>>, %arg10: memref<1x256xf32, #tpu.memory_space<vmem>>, %arg11: memref<256x256xbf16, #tpu.memory_space<vmem>>, %arg12: memref<1x256xf32, #tpu.memory_space<vmem>>, %arg13: memref<16x256xf32, #tpu.memory_space<vmem>>, %arg14: memref<1x256xf32, #tpu.memory_space<vmem>>, %arg15: memref<256x256xbf16, #tpu.memory_space<vmem>>, %arg16: memref<1x256xf32, #tpu.memory_space<vmem>>, %arg17: memref<2048x256xf32, #tpu.memory_space<vmem>>, %arg18: memref<2048x256xf32, #tpu.memory_space<vmem>>, %arg19: memref<2048x256xf32, #tpu.memory_space<vmem>>, %arg20: memref<1x2048xf32, #tpu.memory_space<vmem>>, %arg21: memref<8x2048xf32, #tpu.memory_space<vmem>>) attributes {dimension_semantics = [#tpu.dimension_semantics<arbitrary>], iteration_bounds = array<i64: 32>, scalar_prefetch = 0 : i64, scratch_operands = 1 : i64, tpu.core_type = #tpu.core_type<tc>, window_params = [{transform_indices = @transform_0, window_bounds = array<i64: 2048, 1>}, {transform_indices = @transform_1, window_bounds = array<i64: 2048, 1>}, {pipeline_mode = #tpu.pipeline_mode<synchronous>, transform_indices = @transform_2, window_bounds = array<i64: 2048, 256>}, {pipeline_mode = #tpu.pipeline_mode<synchronous>, transform_indices = @transform_3, window_bounds = array<i64: 2048, 128>}, {pipeline_mode = #tpu.pipeline_mode<synchronous>, transform_indices = @transform_4, window_bounds = array<i64: 256, 256>}, {pipeline_mode = #tpu.pipeline_mode<synchronous>, transform_indices = @transform_5, window_bounds = array<i64: 1, 256>}, {pipeline_mode = #tpu.pipeline_mode<synchronous>, transform_indices = @transform_6, window_bounds = array<i64: 256, 256>}, {pipeline_mode = #tpu.pipeline_mode<synchronous>, transform_indices = @transform_7, window_bounds = array<i64: 1, 256>}, {pipeline_mode = #tpu.pipeline_mode<synchronous>, transform_indices = @transform_8, window_bounds = array<i64: 16, 256>}, {pipeline_mode = #tpu.pipeline_mode<synchronous>, transform_indices = @transform_9, window_bounds = array<i64: 1, 256>}, {pipeline_mode = #tpu.pipeline_mode<synchronous>, transform_indices = @transform_10, window_bounds = array<i64: 256, 256>}, {pipeline_mode = #tpu.pipeline_mode<synchronous>, transform_indices = @transform_11, window_bounds = array<i64: 1, 256>}, {pipeline_mode = #tpu.pipeline_mode<synchronous>, transform_indices = @transform_12, window_bounds = array<i64: 16, 256>}, {pipeline_mode = #tpu.pipeline_mode<synchronous>, transform_indices = @transform_13, window_bounds = array<i64: 1, 256>}, {pipeline_mode = #tpu.pipeline_mode<synchronous>, transform_indices = @transform_14, window_bounds = array<i64: 256, 256>}, {pipeline_mode = #tpu.pipeline_mode<synchronous>, transform_indices = @transform_15, window_bounds = array<i64: 1, 256>}, {transform_indices = @transform_16, window_bounds = array<i64: 2048, 256>}, {transform_indices = @transform_17, window_bounds = array<i64: 2048, 256>}, {pipeline_mode = #tpu.pipeline_mode<synchronous>, transform_indices = @transform_18, window_bounds = array<i64: 2048, 256>}, {pipeline_mode = #tpu.pipeline_mode<synchronous>, transform_indices = @transform_19, window_bounds = array<i64: 1, 2048>}]} {
    %eq3A = arith.constant 0 : i32
    %eq3A_0 = arith.cmpi eq, %arg0, %eq3A : i32
    %convert_element_type3A = arith.extui %eq3A_0 : i1 to i32
    %cond3A = arith.constant 0 : i32
    %cond3A_1 = arith.cmpi ne, %convert_element_type3A, %cond3A : i32
    scf.if %cond3A_1 {
      %get3A_155 = arith.constant 0 : index
      %get3A_156 = arith.constant 0 : index
      %get3A_157 = vector.load %arg3[%get3A_155, %get3A_156] : memref<2048x256xf32, #tpu.memory_space<vmem>>, vector<2048x256xf32>
      %get3A_158 = arith.constant 0 : index
      %get3A_159 = arith.constant 0 : index
      %get3A_160 = vector.load %arg5[%get3A_158, %get3A_159] : memref<256x256xf32, #tpu.memory_space<vmem>>, vector<256x256xf32>
      %get3A_161 = arith.constant 0 : index
      %get3A_162 = arith.constant 0 : index
      %get3A_163 = vector.load %arg6[%get3A_161, %get3A_162] : memref<1x256xf32, #tpu.memory_space<vmem>>, vector<1x256xf32>
      %get3A_164 = arith.constant 0 : index
      %get3A_165 = arith.constant 0 : index
      %get3A_166 = vector.load %arg7[%get3A_164, %get3A_165] : memref<256x256xf32, #tpu.memory_space<vmem>>, vector<256x256xf32>
      %get3A_167 = arith.constant 0 : index
      %get3A_168 = arith.constant 0 : index
      %get3A_169 = vector.load %arg8[%get3A_167, %get3A_168] : memref<1x256xf32, #tpu.memory_space<vmem>>, vector<1x256xf32>
      %dot_general3A_170 = arith.constant dense<0.000000e+00> : vector<2048x256xf32>
      %dot_general3A_171 = tpu.matmul %get3A_157, %get3A_160, %dot_general3A_170 {dimension_numbers = #tpu.dot_dimension_numbers<[1], [0], [0], [1], [0, 0, 1, 1], [], []>, transpose_lhs_hint = false} : vector<2048x256xf32>, vector<256x256xf32>, vector<2048x256xf32> -> vector<2048x256xf32>
      %add3A_172 = vector.broadcast %get3A_163 : vector<1x256xf32> to vector<2048x256xf32>
      %add3A_173 = arith.addf %dot_general3A_171, %add3A_172 : vector<2048x256xf32>
      %logistic3A_174 = arith.negf %add3A_173 : vector<2048x256xf32>
      %logistic3A_175 = math.exp %logistic3A_174 : vector<2048x256xf32>
      %logistic3A_176 = arith.constant 1.000000e+00 : f32
      %logistic3A_177 = vector.broadcast %logistic3A_176 : f32 to vector<2048x256xf32>
      %logistic3A_178 = arith.addf %logistic3A_177, %logistic3A_175 : vector<2048x256xf32>
      %logistic3A_179 = arith.divf %logistic3A_177, %logistic3A_178 : vector<2048x256xf32>
      %mul3A_180 = arith.mulf %add3A_173, %logistic3A_179 : vector<2048x256xf32>
      %dot_general3A_181 = arith.constant dense<0.000000e+00> : vector<2048x256xf32>
      %dot_general3A_182 = tpu.matmul %mul3A_180, %get3A_166, %dot_general3A_181 {dimension_numbers = #tpu.dot_dimension_numbers<[1], [0], [0], [1], [0, 0, 1, 1], [], []>, transpose_lhs_hint = false} : vector<2048x256xf32>, vector<256x256xf32>, vector<2048x256xf32> -> vector<2048x256xf32>
      %add3A_183 = vector.broadcast %get3A_169 : vector<1x256xf32> to vector<2048x256xf32>
      %add3A_184 = arith.addf %dot_general3A_182, %add3A_183 : vector<2048x256xf32>
      %swap3A_185 = arith.constant 0 : index
      %swap3A_186 = arith.constant 0 : index
      %swap3A_187 = vector.load %arg19[%swap3A_185, %swap3A_186] : memref<2048x256xf32, #tpu.memory_space<vmem>>, vector<2048x256xf32>
      tpu.vector_store %arg19[%swap3A_185, %swap3A_186], %add3A_184 {strides = array<i32>} : memref<2048x256xf32, #tpu.memory_space<vmem>>, vector<2048x256xf32>,
      %broadcast_in_dim3A_188 = arith.constant 0.000000e+00 : f32
      %broadcast_in_dim3A_189 = vector.broadcast %broadcast_in_dim3A_188 : f32 to vector<8x2048xf32>
      %swap3A_190 = arith.constant 0 : index
      %swap3A_191 = arith.constant 0 : index
      %swap3A_192 = vector.load %arg21[%swap3A_190, %swap3A_191] : memref<8x2048xf32, #tpu.memory_space<vmem>>, vector<8x2048xf32>
      tpu.vector_store %arg21[%swap3A_190, %swap3A_191], %broadcast_in_dim3A_189 {strides = array<i32>} : memref<8x2048xf32, #tpu.memory_space<vmem>>, vector<8x2048xf32>,
    } else {
    }
    %get3A = arith.constant 0 : index
    %get3A_2 = arith.constant 0 : index
    %get3A_3 = vector.load %arg1[%get3A, %get3A_2] : memref<2048x1xi32, #tpu.memory_space<vmem>>, vector<2048x1xi32>
    %get3A_4 = arith.constant 0 : index
    %get3A_5 = arith.constant 0 : index
    %get3A_6 = vector.load %arg2[%get3A_4, %get3A_5] : memref<2048x1xi32, #tpu.memory_space<vmem>>, vector<2048x1xi32>
    %iota3A = tpu.iota {dimensions = array<i32: 1>} : vector<2048x2048xi32>
    %eq3A_7 = vector.broadcast %get3A_3 : vector<2048x1xi32> to vector<2048x2048xi32>
    %eq3A_8 = arith.cmpi eq, %eq3A_7, %iota3A : vector<2048x2048xi32>
    %convert_element_type3A_9 = arith.extui %eq3A_8 : vector<2048x2048xi1> to vector<2048x2048xi32>
    %convert_element_type3A_10 = arith.sitofp %convert_element_type3A_9 : vector<2048x2048xi32> to vector<2048x2048xf32>
    %convert_element_type3A_11 = arith.truncf %convert_element_type3A_10 : vector<2048x2048xf32> to vector<2048x2048xbf16>
    %eq3A_12 = vector.broadcast %get3A_6 : vector<2048x1xi32> to vector<2048x2048xi32>
    %eq3A_13 = arith.cmpi eq, %eq3A_12, %iota3A : vector<2048x2048xi32>
    %convert_element_type3A_14 = arith.extui %eq3A_13 : vector<2048x2048xi1> to vector<2048x2048xi32>
    %convert_element_type3A_15 = arith.sitofp %convert_element_type3A_14 : vector<2048x2048xi32> to vector<2048x2048xf32>
    %convert_element_type3A_16 = arith.truncf %convert_element_type3A_15 : vector<2048x2048xf32> to vector<2048x2048xbf16>
    %get3A_17 = arith.constant 0 : index
    %get3A_18 = arith.constant 0 : index
    %get3A_19 = vector.load %arg21[%get3A_17, %get3A_18] : memref<8x2048xf32, #tpu.memory_space<vmem>>, vector<1x2048xf32>
    %convert_element_type3A_20 = arith.extf %convert_element_type3A_16 : vector<2048x2048xbf16> to vector<2048x2048xf32>
    %reduce_sum3A = arith.constant dense<0.000000e+00> : vector<2048xf32>
    %reduce_sum3A_21 = vector.multi_reduction <add>, %convert_element_type3A_20, %reduce_sum3A [0] : vector<2048x2048xf32> to vector<2048xf32>
    %broadcast_in_dim3A = vector.shape_cast %reduce_sum3A_21 : vector<2048xf32> to vector<1x2048xf32>
    %add3A = arith.addf %get3A_19, %broadcast_in_dim3A : vector<1x2048xf32>
    %swap3A = arith.constant 0 : index
    %swap3A_22 = arith.constant 0 : index
    %swap3A_23 = vector.load %arg21[%swap3A, %swap3A_22] : memref<8x2048xf32, #tpu.memory_space<vmem>>, vector<1x2048xf32>
    tpu.vector_store %arg21[%swap3A, %swap3A_22], %add3A {strides = array<i32>} : memref<8x2048xf32, #tpu.memory_space<vmem>>, vector<1x2048xf32>,
    %sub3A = arith.subf %convert_element_type3A_11, %convert_element_type3A_16 : vector<2048x2048xbf16>
    %get3A_24 = arith.constant 0 : index
    %get3A_25 = arith.constant 0 : index
    %get3A_26 = vector.load %arg4[%get3A_24, %get3A_25] : memref<2048x128xbf16, #tpu.memory_space<vmem>>, vector<2048x128xbf16>
    %dot_general3A = arith.constant dense<0.000000e+00> : vector<2048x128xf32>
    %dot_general3A_27 = tpu.matmul %sub3A, %get3A_26, %dot_general3A {dimension_numbers = #tpu.dot_dimension_numbers<[1], [0], [0], [1], [0, 0, 1, 1], [], []>, transpose_lhs_hint = false} : vector<2048x2048xbf16>, vector<2048x128xbf16>, vector<2048x128xf32> -> vector<2048x128xf32>
    %slice3A = vector.extract_strided_slice %dot_general3A_27 {offsets = [0, 0], sizes = [2048, 8], strides = [1, 1]} : vector<2048x128xf32> to vector<2048x8xf32>
    %transpose3A = tpu.transpose %slice3A, [1, 0] : vector<2048x8xf32> -> vector<8x2048xf32>
    %slice3A_28 = vector.extract_strided_slice %transpose3A {offsets = [0, 0], sizes = [1, 2048], strides = [1, 1]} : vector<8x2048xf32> to vector<1x2048xf32>
    %slice3A_29 = vector.extract_strided_slice %transpose3A {offsets = [1, 0], sizes = [1, 2048], strides = [1, 1]} : vector<8x2048xf32> to vector<1x2048xf32>
    %slice3A_30 = vector.extract_strided_slice %transpose3A {offsets = [2, 0], sizes = [1, 2048], strides = [1, 1]} : vector<8x2048xf32> to vector<1x2048xf32>
    %mul3A = arith.mulf %slice3A_28, %slice3A_28 : vector<1x2048xf32>
    %mul3A_31 = arith.mulf %slice3A_29, %slice3A_29 : vector<1x2048xf32>
    %add3A_32 = arith.addf %mul3A, %mul3A_31 : vector<1x2048xf32>
    %mul3A_33 = arith.mulf %slice3A_30, %slice3A_30 : vector<1x2048xf32>
    %add3A_34 = arith.addf %add3A_32, %mul3A_33 : vector<1x2048xf32>
    %add3A_35 = arith.constant 9.99999996E-13 : f32
    %add3A_36 = vector.broadcast %add3A_35 : f32 to vector<1x2048xf32>
    %add3A_37 = arith.addf %add3A_34, %add3A_36 : vector<1x2048xf32>
    %sqrt3A = math.sqrt %add3A_37 : vector<1x2048xf32>
    %sqrt3A_38 = math.sqrt %add3A_34 : vector<1x2048xf32>
    %mul3A_39 = arith.constant 1.000000e-10 : f32
    %mul3A_40 = vector.broadcast %mul3A_39 : f32 to vector<1x2048xf32>
    %mul3A_41 = arith.mulf %mul3A_40, %sqrt3A : vector<1x2048xf32>
    %add3A_42 = arith.addf %sqrt3A_38, %mul3A_41 : vector<1x2048xf32>
    %div3A = arith.constant 1.000000e+00 : f32
    %div3A_43 = vector.broadcast %div3A : f32 to vector<1x2048xf32>
    %div3A_44 = arith.divf %div3A_43, %add3A_42 : vector<1x2048xf32>
    %mul3A_45 = arith.mulf %slice3A_28, %div3A_44 : vector<1x2048xf32>
    %mul3A_46 = arith.mulf %slice3A_29, %div3A_44 : vector<1x2048xf32>
    %mul3A_47 = arith.mulf %slice3A_30, %div3A_44 : vector<1x2048xf32>
    %broadcast_in_dim3A_48 = arith.constant 0.282094806 : f32
    %broadcast_in_dim3A_49 = vector.broadcast %broadcast_in_dim3A_48 : f32 to vector<1x2048xf32>
    %mul3A_50 = arith.constant 0.488602519 : f32
    %mul3A_51 = vector.broadcast %mul3A_50 : f32 to vector<1x2048xf32>
    %mul3A_52 = arith.mulf %mul3A_51, %mul3A_45 : vector<1x2048xf32>
    %mul3A_53 = arith.constant 0.488602519 : f32
    %mul3A_54 = vector.broadcast %mul3A_53 : f32 to vector<1x2048xf32>
    %mul3A_55 = arith.mulf %mul3A_54, %mul3A_46 : vector<1x2048xf32>
    %mul3A_56 = arith.constant 0.488602519 : f32
    %mul3A_57 = vector.broadcast %mul3A_56 : f32 to vector<1x2048xf32>
    %mul3A_58 = arith.mulf %mul3A_57, %mul3A_47 : vector<1x2048xf32>
    %mul3A_59 = arith.constant 1.09254849 : f32
    %mul3A_60 = vector.broadcast %mul3A_59 : f32 to vector<1x2048xf32>
    %mul3A_61 = arith.mulf %mul3A_60, %mul3A_45 : vector<1x2048xf32>
    %mul3A_62 = arith.mulf %mul3A_61, %mul3A_46 : vector<1x2048xf32>
    %mul3A_63 = arith.constant 1.09254849 : f32
    %mul3A_64 = vector.broadcast %mul3A_63 : f32 to vector<1x2048xf32>
    %mul3A_65 = arith.mulf %mul3A_64, %mul3A_46 : vector<1x2048xf32>
    %mul3A_66 = arith.mulf %mul3A_65, %mul3A_47 : vector<1x2048xf32>
    %mul3A_67 = arith.constant 3.000000e+00 : f32
    %mul3A_68 = vector.broadcast %mul3A_67 : f32 to vector<1x2048xf32>
    %mul3A_69 = arith.mulf %mul3A_68, %mul3A_47 : vector<1x2048xf32>
    %mul3A_70 = arith.mulf %mul3A_69, %mul3A_47 : vector<1x2048xf32>
    %sub3A_71 = arith.constant 1.000000e+00 : f32
    %sub3A_72 = vector.broadcast %sub3A_71 : f32 to vector<1x2048xf32>
    %sub3A_73 = arith.subf %mul3A_70, %sub3A_72 : vector<1x2048xf32>
    %mul3A_74 = arith.constant 0.31539157 : f32
    %mul3A_75 = vector.broadcast %mul3A_74 : f32 to vector<1x2048xf32>
    %mul3A_76 = arith.mulf %mul3A_75, %sub3A_73 : vector<1x2048xf32>
    %mul3A_77 = arith.constant 1.09254849 : f32
    %mul3A_78 = vector.broadcast %mul3A_77 : f32 to vector<1x2048xf32>
    %mul3A_79 = arith.mulf %mul3A_78, %mul3A_45 : vector<1x2048xf32>
    %mul3A_80 = arith.mulf %mul3A_79, %mul3A_47 : vector<1x2048xf32>
    %mul3A_81 = arith.mulf %mul3A_45, %mul3A_45 : vector<1x2048xf32>
    %mul3A_82 = arith.mulf %mul3A_46, %mul3A_46 : vector<1x2048xf32>
    %sub3A_83 = arith.subf %mul3A_81, %mul3A_82 : vector<1x2048xf32>
    %mul3A_84 = arith.constant 0.546274245 : f32
    %mul3A_85 = vector.broadcast %mul3A_84 : f32 to vector<1x2048xf32>
    %mul3A_86 = arith.mulf %mul3A_85, %sub3A_83 : vector<1x2048xf32>
    %broadcast_in_dim3A_87 = arith.constant 0.000000e+00 : f32
    %broadcast_in_dim3A_88 = vector.broadcast %broadcast_in_dim3A_87 : f32 to vector<7x2048xf32>
    %concatenate3A = tpu.concatenate %broadcast_in_dim3A_49, %mul3A_52, %mul3A_55, %mul3A_58, %mul3A_62, %mul3A_66, %mul3A_76, %mul3A_80, %mul3A_86, %broadcast_in_dim3A_88 in 0 : vector<1x2048xf32>, vector<1x2048xf32>, vector<1x2048xf32>, vector<1x2048xf32>, vector<1x2048xf32>, vector<1x2048xf32>, vector<1x2048xf32>, vector<1x2048xf32>, vector<1x2048xf32>, vector<7x2048xf32> -> vector<16x2048xf32>
    %get3A_89 = arith.constant 0 : index
    %get3A_90 = arith.constant 0 : index
    %get3A_91 = vector.load %arg9[%get3A_89, %get3A_90] : memref<16x256xf32, #tpu.memory_space<vmem>>, vector<16x256xf32>
    %dot_general3A_92 = arith.constant dense<0.000000e+00> : vector<2048x256xf32>
    %dot_general3A_93 = tpu.matmul %concatenate3A, %get3A_91, %dot_general3A_92 {dimension_numbers = #tpu.dot_dimension_numbers<[0], [0], [1], [1], [0, 1, 1, 1], [], []>, transpose_lhs_hint = false} : vector<16x2048xf32>, vector<16x256xf32>, vector<2048x256xf32> -> vector<2048x256xf32>
    %get3A_94 = arith.constant 0 : index
    %get3A_95 = arith.constant 0 : index
    %get3A_96 = vector.load %arg10[%get3A_94, %get3A_95] : memref<1x256xf32, #tpu.memory_space<vmem>>, vector<1x256xf32>
    %add3A_97 = vector.broadcast %get3A_96 : vector<1x256xf32> to vector<2048x256xf32>
    %add3A_98 = arith.addf %dot_general3A_93, %add3A_97 : vector<2048x256xf32>
    %logistic3A = arith.negf %add3A_98 : vector<2048x256xf32>
    %logistic3A_99 = math.exp %logistic3A : vector<2048x256xf32>
    %logistic3A_100 = arith.constant 1.000000e+00 : f32
    %logistic3A_101 = vector.broadcast %logistic3A_100 : f32 to vector<2048x256xf32>
    %logistic3A_102 = arith.addf %logistic3A_101, %logistic3A_99 : vector<2048x256xf32>
    %logistic3A_103 = arith.divf %logistic3A_101, %logistic3A_102 : vector<2048x256xf32>
    %mul3A_104 = arith.mulf %add3A_98, %logistic3A_103 : vector<2048x256xf32>
    %convert_element_type3A_105 = arith.truncf %mul3A_104 : vector<2048x256xf32> to vector<2048x256xbf16>
    %get3A_106 = arith.constant 0 : index
    %get3A_107 = arith.constant 0 : index
    %get3A_108 = vector.load %arg11[%get3A_106, %get3A_107] : memref<256x256xbf16, #tpu.memory_space<vmem>>, vector<256x256xbf16>
    %dot_general3A_109 = arith.constant dense<0.000000e+00> : vector<2048x256xf32>
    %dot_general3A_110 = tpu.matmul %convert_element_type3A_105, %get3A_108, %dot_general3A_109 {dimension_numbers = #tpu.dot_dimension_numbers<[1], [0], [0], [1], [0, 0, 1, 1], [], []>, transpose_lhs_hint = false} : vector<2048x256xbf16>, vector<256x256xbf16>, vector<2048x256xf32> -> vector<2048x256xf32>
    %get3A_111 = arith.constant 0 : index
    %get3A_112 = arith.constant 0 : index
    %get3A_113 = vector.load %arg12[%get3A_111, %get3A_112] : memref<1x256xf32, #tpu.memory_space<vmem>>, vector<1x256xf32>
    %add3A_114 = vector.broadcast %get3A_113 : vector<1x256xf32> to vector<2048x256xf32>
    %add3A_115 = arith.addf %dot_general3A_110, %add3A_114 : vector<2048x256xf32>
    %swap3A_116 = arith.constant 0 : index
    %swap3A_117 = arith.constant 0 : index
    %swap3A_118 = vector.load %arg17[%swap3A_116, %swap3A_117] : memref<2048x256xf32, #tpu.memory_space<vmem>>, vector<2048x256xf32>
    tpu.vector_store %arg17[%swap3A_116, %swap3A_117], %add3A_115 {strides = array<i32>} : memref<2048x256xf32, #tpu.memory_space<vmem>>, vector<2048x256xf32>,
    %get3A_119 = arith.constant 0 : index
    %get3A_120 = arith.constant 0 : index
    %get3A_121 = vector.load %arg13[%get3A_119, %get3A_120] : memref<16x256xf32, #tpu.memory_space<vmem>>, vector<16x256xf32>
    %dot_general3A_122 = arith.constant dense<0.000000e+00> : vector<2048x256xf32>
    %dot_general3A_123 = tpu.matmul %concatenate3A, %get3A_121, %dot_general3A_122 {dimension_numbers = #tpu.dot_dimension_numbers<[0], [0], [1], [1], [0, 1, 1, 1], [], []>, transpose_lhs_hint = false} : vector<16x2048xf32>, vector<16x256xf32>, vector<2048x256xf32> -> vector<2048x256xf32>
    %get3A_124 = arith.constant 0 : index
    %get3A_125 = arith.constant 0 : index
    %get3A_126 = vector.load %arg14[%get3A_124, %get3A_125] : memref<1x256xf32, #tpu.memory_space<vmem>>, vector<1x256xf32>
    %add3A_127 = vector.broadcast %get3A_126 : vector<1x256xf32> to vector<2048x256xf32>
    %add3A_128 = arith.addf %dot_general3A_123, %add3A_127 : vector<2048x256xf32>
    %logistic3A_129 = arith.negf %add3A_128 : vector<2048x256xf32>
    %logistic3A_130 = math.exp %logistic3A_129 : vector<2048x256xf32>
    %logistic3A_131 = arith.constant 1.000000e+00 : f32
    %logistic3A_132 = vector.broadcast %logistic3A_131 : f32 to vector<2048x256xf32>
    %logistic3A_133 = arith.addf %logistic3A_132, %logistic3A_130 : vector<2048x256xf32>
    %logistic3A_134 = arith.divf %logistic3A_132, %logistic3A_133 : vector<2048x256xf32>
    %mul3A_135 = arith.mulf %add3A_128, %logistic3A_134 : vector<2048x256xf32>
    %convert_element_type3A_136 = arith.truncf %mul3A_135 : vector<2048x256xf32> to vector<2048x256xbf16>
    %get3A_137 = arith.constant 0 : index
    %get3A_138 = arith.constant 0 : index
    %get3A_139 = vector.load %arg15[%get3A_137, %get3A_138] : memref<256x256xbf16, #tpu.memory_space<vmem>>, vector<256x256xbf16>
    %dot_general3A_140 = arith.constant dense<0.000000e+00> : vector<2048x256xf32>
    %dot_general3A_141 = tpu.matmul %convert_element_type3A_136, %get3A_139, %dot_general3A_140 {dimension_numbers = #tpu.dot_dimension_numbers<[1], [0], [0], [1], [0, 0, 1, 1], [], []>, transpose_lhs_hint = false} : vector<2048x256xbf16>, vector<256x256xbf16>, vector<2048x256xf32> -> vector<2048x256xf32>
    %get3A_142 = arith.constant 0 : index
    %get3A_143 = arith.constant 0 : index
    %get3A_144 = vector.load %arg16[%get3A_142, %get3A_143] : memref<1x256xf32, #tpu.memory_space<vmem>>, vector<1x256xf32>
    %add3A_145 = vector.broadcast %get3A_144 : vector<1x256xf32> to vector<2048x256xf32>
    %add3A_146 = arith.addf %dot_general3A_141, %add3A_145 : vector<2048x256xf32>
    %swap3A_147 = arith.constant 0 : index
    %swap3A_148 = arith.constant 0 : index
    %swap3A_149 = vector.load %arg18[%swap3A_147, %swap3A_148] : memref<2048x256xf32, #tpu.memory_space<vmem>>, vector<2048x256xf32>
    tpu.vector_store %arg18[%swap3A_147, %swap3A_148], %add3A_146 {strides = array<i32>} : memref<2048x256xf32, #tpu.memory_space<vmem>>, vector<2048x256xf32>,
    %eq3A_150 = arith.constant 31 : i32
    %eq3A_151 = arith.cmpi eq, %arg0, %eq3A_150 : i32
    %convert_element_type3A_152 = arith.extui %eq3A_151 : i1 to i32
    %cond3A_153 = arith.constant 0 : i32
    %cond3A_154 = arith.cmpi ne, %convert_element_type3A_152, %cond3A_153 : i32
    scf.if %cond3A_154 {
      %get3A_155 = arith.constant 0 : index
      %get3A_156 = arith.constant 0 : index
      %get3A_157 = vector.load %arg21[%get3A_155, %get3A_156] : memref<8x2048xf32, #tpu.memory_space<vmem>>, vector<1x2048xf32>
      %swap3A_158 = arith.constant 0 : index
      %swap3A_159 = arith.constant 0 : index
      %swap3A_160 = vector.load %arg20[%swap3A_158, %swap3A_159] : memref<1x2048xf32, #tpu.memory_space<vmem>>, vector<1x2048xf32>
      tpu.vector_store %arg20[%swap3A_158, %swap3A_159], %get3A_157 {strides = array<i32>} : memref<1x2048xf32, #tpu.memory_space<vmem>>, vector<1x2048xf32>,
    } else {
    }
    return
  }
  func.func @transform_0(%arg0: i32) -> (i32, i32) {
    %c0_i32 = arith.constant 0 : i32
    %c0_i32_0 = arith.constant 0 : i32
    return %arg0, %c0_i32 : i32, i32
  }
  func.func @transform_1(%arg0: i32) -> (i32, i32) {
    %c0_i32 = arith.constant 0 : i32
    %c0_i32_0 = arith.constant 0 : i32
    return %arg0, %c0_i32 : i32, i32
  }
  func.func @transform_2(%arg0: i32) -> (i32, i32) {
    %c0_i32 = arith.constant 0 : i32
    %c0_i32_0 = arith.constant 0 : i32
    %c0_i32_1 = arith.constant 0 : i32
    return %c0_i32, %c0_i32_0 : i32, i32
  }
  func.func @transform_3(%arg0: i32) -> (i32, i32) {
    %c0_i32 = arith.constant 0 : i32
    %c0_i32_0 = arith.constant 0 : i32
    %c0_i32_1 = arith.constant 0 : i32
    return %c0_i32, %c0_i32_0 : i32, i32
  }
  func.func @transform_4(%arg0: i32) -> (i32, i32) {
    %c0_i32 = arith.constant 0 : i32
    %c0_i32_0 = arith.constant 0 : i32
    %c0_i32_1 = arith.constant 0 : i32
    return %c0_i32, %c0_i32_0 : i32, i32
  }
  func.func @transform_5(%arg0: i32) -> (i32, i32) {
    %c0_i32 = arith.constant 0 : i32
    %c0_i32_0 = arith.constant 0 : i32
    %c0_i32_1 = arith.constant 0 : i32
    return %c0_i32, %c0_i32_0 : i32, i32
  }
  func.func @transform_6(%arg0: i32) -> (i32, i32) {
    %c0_i32 = arith.constant 0 : i32
    %c0_i32_0 = arith.constant 0 : i32
    %c0_i32_1 = arith.constant 0 : i32
    return %c0_i32, %c0_i32_0 : i32, i32
  }
  func.func @transform_7(%arg0: i32) -> (i32, i32) {
    %c0_i32 = arith.constant 0 : i32
    %c0_i32_0 = arith.constant 0 : i32
    %c0_i32_1 = arith.constant 0 : i32
    return %c0_i32, %c0_i32_0 : i32, i32
  }
  func.func @transform_8(%arg0: i32) -> (i32, i32) {
    %c0_i32 = arith.constant 0 : i32
    %c0_i32_0 = arith.constant 0 : i32
    %c0_i32_1 = arith.constant 0 : i32
    return %c0_i32, %c0_i32_0 : i32, i32
  }
  func.func @transform_9(%arg0: i32) -> (i32, i32) {
    %c0_i32 = arith.constant 0 : i32
    %c0_i32_0 = arith.constant 0 : i32
    %c0_i32_1 = arith.constant 0 : i32
    return %c0_i32, %c0_i32_0 : i32, i32
  }
  func.func @transform_10(%arg0: i32) -> (i32, i32) {
    %c0_i32 = arith.constant 0 : i32
    %c0_i32_0 = arith.constant 0 : i32
    %c0_i32_1 = arith.constant 0 : i32
    return %c0_i32, %c0_i32_0 : i32, i32
  }
  func.func @transform_11(%arg0: i32) -> (i32, i32) {
    %c0_i32 = arith.constant 0 : i32
    %c0_i32_0 = arith.constant 0 : i32
    %c0_i32_1 = arith.constant 0 : i32
    return %c0_i32, %c0_i32_0 : i32, i32
  }
  func.func @transform_12(%arg0: i32) -> (i32, i32) {
    %c0_i32 = arith.constant 0 : i32
    %c0_i32_0 = arith.constant 0 : i32
    %c0_i32_1 = arith.constant 0 : i32
    return %c0_i32, %c0_i32_0 : i32, i32
  }
  func.func @transform_13(%arg0: i32) -> (i32, i32) {
    %c0_i32 = arith.constant 0 : i32
    %c0_i32_0 = arith.constant 0 : i32
    %c0_i32_1 = arith.constant 0 : i32
    return %c0_i32, %c0_i32_0 : i32, i32
  }
  func.func @transform_14(%arg0: i32) -> (i32, i32) {
    %c0_i32 = arith.constant 0 : i32
    %c0_i32_0 = arith.constant 0 : i32
    %c0_i32_1 = arith.constant 0 : i32
    return %c0_i32, %c0_i32_0 : i32, i32
  }
  func.func @transform_15(%arg0: i32) -> (i32, i32) {
    %c0_i32 = arith.constant 0 : i32
    %c0_i32_0 = arith.constant 0 : i32
    %c0_i32_1 = arith.constant 0 : i32
    return %c0_i32, %c0_i32_0 : i32, i32
  }
  func.func @transform_16(%arg0: i32) -> (i32, i32) {
    %c0_i32 = arith.constant 0 : i32
    %c0_i32_0 = arith.constant 0 : i32
    return %arg0, %c0_i32 : i32, i32
  }
  func.func @transform_17(%arg0: i32) -> (i32, i32) {
    %c0_i32 = arith.constant 0 : i32
    %c0_i32_0 = arith.constant 0 : i32
    return %arg0, %c0_i32 : i32, i32
  }
  func.func @transform_18(%arg0: i32) -> (i32, i32) {
    %c0_i32 = arith.constant 0 : i32
    %c0_i32_0 = arith.constant 0 : i32
    %c0_i32_1 = arith.constant 0 : i32
    return %c0_i32, %c0_i32_0 : i32, i32
  }
  func.func @transform_19(%arg0: i32) -> (i32, i32) {
    %c0_i32 = arith.constant 0 : i32
    %c0_i32_0 = arith.constant 0 : i32
    %c0_i32_1 = arith.constant 0 : i32
    return %c0_i32, %c0_i32_0 : i32, i32
  }
}

module attributes {stable_mosaic.version = 14 : i64} {
  func.func @_fin_kernel(%arg0: i32, %arg1: memref<2048x256xf32, #tpu.memory_space<vmem>>, %arg2: memref<2048x256xf32, #tpu.memory_space<vmem>>, %arg3: memref<2048x256xf32, #tpu.memory_space<vmem>>, %arg4: memref<2048x1xf32, #tpu.memory_space<vmem>>, %arg5: memref<256x256xf32, #tpu.memory_space<vmem>>, %arg6: memref<256x256xf32, #tpu.memory_space<vmem>>, %arg7: memref<1x256xf32, #tpu.memory_space<vmem>>, %arg8: memref<256x256xf32, #tpu.memory_space<vmem>>, %arg9: memref<1x256xf32, #tpu.memory_space<vmem>>, %arg10: memref<1x256xf32, #tpu.memory_space<vmem>>, %arg11: memref<1x256xf32, #tpu.memory_space<vmem>>, %arg12: memref<1x256xf32, #tpu.memory_space<vmem>>, %arg13: memref<1x256xf32, #tpu.memory_space<vmem>>, %arg14: memref<256x256xf32, #tpu.memory_space<vmem>>, %arg15: memref<1x256xf32, #tpu.memory_space<vmem>>, %arg16: memref<256x256xf32, #tpu.memory_space<vmem>>, %arg17: memref<1x256xf32, #tpu.memory_space<vmem>>, %arg18: memref<2048x256xf32, #tpu.memory_space<vmem>>, %arg19: memref<2048x256xf32, #tpu.memory_space<vmem>>) attributes {dimension_semantics = [#tpu.dimension_semantics<arbitrary>], iteration_bounds = array<i64: 1>, scalar_prefetch = 0 : i64, scratch_operands = 0 : i64, tpu.core_type = #tpu.core_type<tc>, window_params = [{pipeline_mode = #tpu.pipeline_mode<synchronous>, transform_indices = @transform_0, window_bounds = array<i64: 2048, 256>}, {pipeline_mode = #tpu.pipeline_mode<synchronous>, transform_indices = @transform_1, window_bounds = array<i64: 2048, 256>}, {pipeline_mode = #tpu.pipeline_mode<synchronous>, transform_indices = @transform_2, window_bounds = array<i64: 2048, 256>}, {pipeline_mode = #tpu.pipeline_mode<synchronous>, transform_indices = @transform_3, window_bounds = array<i64: 2048, 1>}, {pipeline_mode = #tpu.pipeline_mode<synchronous>, transform_indices = @transform_4, window_bounds = array<i64: 256, 256>}, {pipeline_mode = #tpu.pipeline_mode<synchronous>, transform_indices = @transform_5, window_bounds = array<i64: 256, 256>}, {pipeline_mode = #tpu.pipeline_mode<synchronous>, transform_indices = @transform_6, window_bounds = array<i64: 1, 256>}, {pipeline_mode = #tpu.pipeline_mode<synchronous>, transform_indices = @transform_7, window_bounds = array<i64: 256, 256>}, {pipeline_mode = #tpu.pipeline_mode<synchronous>, transform_indices = @transform_8, window_bounds = array<i64: 1, 256>}, {pipeline_mode = #tpu.pipeline_mode<synchronous>, transform_indices = @transform_9, window_bounds = array<i64: 1, 256>}, {pipeline_mode = #tpu.pipeline_mode<synchronous>, transform_indices = @transform_10, window_bounds = array<i64: 1, 256>}, {pipeline_mode = #tpu.pipeline_mode<synchronous>, transform_indices = @transform_11, window_bounds = array<i64: 1, 256>}, {pipeline_mode = #tpu.pipeline_mode<synchronous>, transform_indices = @transform_12, window_bounds = array<i64: 1, 256>}, {pipeline_mode = #tpu.pipeline_mode<synchronous>, transform_indices = @transform_13, window_bounds = array<i64: 256, 256>}, {pipeline_mode = #tpu.pipeline_mode<synchronous>, transform_indices = @transform_14, window_bounds = array<i64: 1, 256>}, {pipeline_mode = #tpu.pipeline_mode<synchronous>, transform_indices = @transform_15, window_bounds = array<i64: 256, 256>}, {pipeline_mode = #tpu.pipeline_mode<synchronous>, transform_indices = @transform_16, window_bounds = array<i64: 1, 256>}, {pipeline_mode = #tpu.pipeline_mode<synchronous>, transform_indices = @transform_17, window_bounds = array<i64: 2048, 256>}, {pipeline_mode = #tpu.pipeline_mode<synchronous>, transform_indices = @transform_18, window_bounds = array<i64: 2048, 256>}]} {
    %get3A = arith.constant 0 : index
    %get3A_0 = arith.constant 0 : index
    %get3A_1 = vector.load %arg4[%get3A, %get3A_0] : memref<2048x1xf32, #tpu.memory_space<vmem>>, vector<2048x1xf32>
    %max3A = arith.constant 1.000000e+00 : f32
    %max3A_2 = vector.broadcast %max3A : f32 to vector<2048x1xf32>
    %max3A_3 = arith.maximumf %get3A_1, %max3A_2 : vector<2048x1xf32>
    %get3A_4 = arith.constant 0 : index
    %get3A_5 = arith.constant 0 : index
    %get3A_6 = vector.load %arg1[%get3A_4, %get3A_5] : memref<2048x256xf32, #tpu.memory_space<vmem>>, vector<2048x256xf32>
    %get3A_7 = arith.constant 0 : index
    %get3A_8 = arith.constant 0 : index
    %get3A_9 = vector.load %arg2[%get3A_7, %get3A_8] : memref<2048x256xf32, #tpu.memory_space<vmem>>, vector<2048x256xf32>
    %add3A = arith.addf %get3A_6, %get3A_9 : vector<2048x256xf32>
    %div3A = vector.broadcast %max3A_3 : vector<2048x1xf32> to vector<2048x256xf32>
    %div3A_10 = arith.divf %add3A, %div3A : vector<2048x256xf32>
    %get3A_11 = arith.constant 0 : index
    %get3A_12 = arith.constant 0 : index
    %get3A_13 = vector.load %arg5[%get3A_11, %get3A_12] : memref<256x256xf32, #tpu.memory_space<vmem>>, vector<256x256xf32>
    %dot_general3A = arith.constant dense<0.000000e+00> : vector<2048x256xf32>
    %dot_general3A_14 = tpu.matmul %div3A_10, %get3A_13, %dot_general3A {dimension_numbers = #tpu.dot_dimension_numbers<[1], [0], [0], [1], [0, 0, 1, 1], [], []>, transpose_lhs_hint = false} : vector<2048x256xf32>, vector<256x256xf32>, vector<2048x256xf32> -> vector<2048x256xf32>
    %get3A_15 = arith.constant 0 : index
    %get3A_16 = arith.constant 0 : index
    %get3A_17 = vector.load %arg3[%get3A_15, %get3A_16] : memref<2048x256xf32, #tpu.memory_space<vmem>>, vector<2048x256xf32>
    %get3A_18 = arith.constant 0 : index
    %get3A_19 = arith.constant 0 : index
    %get3A_20 = vector.load %arg6[%get3A_18, %get3A_19] : memref<256x256xf32, #tpu.memory_space<vmem>>, vector<256x256xf32>
    %dot_general3A_21 = arith.constant dense<0.000000e+00> : vector<2048x256xf32>
    %dot_general3A_22 = tpu.matmul %get3A_17, %get3A_20, %dot_general3A_21 {dimension_numbers = #tpu.dot_dimension_numbers<[1], [0], [0], [1], [0, 0, 1, 1], [], []>, transpose_lhs_hint = false} : vector<2048x256xf32>, vector<256x256xf32>, vector<2048x256xf32> -> vector<2048x256xf32>
    %add3A_23 = arith.addf %dot_general3A_14, %dot_general3A_22 : vector<2048x256xf32>
    %get3A_24 = arith.constant 0 : index
    %get3A_25 = arith.constant 0 : index
    %get3A_26 = vector.load %arg7[%get3A_24, %get3A_25] : memref<1x256xf32, #tpu.memory_space<vmem>>, vector<1x256xf32>
    %add3A_27 = vector.broadcast %get3A_26 : vector<1x256xf32> to vector<2048x256xf32>
    %add3A_28 = arith.addf %add3A_23, %add3A_27 : vector<2048x256xf32>
    %logistic3A = arith.negf %add3A_28 : vector<2048x256xf32>
    %logistic3A_29 = math.exp %logistic3A : vector<2048x256xf32>
    %logistic3A_30 = arith.constant 1.000000e+00 : f32
    %logistic3A_31 = vector.broadcast %logistic3A_30 : f32 to vector<2048x256xf32>
    %logistic3A_32 = arith.addf %logistic3A_31, %logistic3A_29 : vector<2048x256xf32>
    %logistic3A_33 = arith.divf %logistic3A_31, %logistic3A_32 : vector<2048x256xf32>
    %mul3A = arith.mulf %add3A_28, %logistic3A_33 : vector<2048x256xf32>
    %get3A_34 = arith.constant 0 : index
    %get3A_35 = arith.constant 0 : index
    %get3A_36 = vector.load %arg8[%get3A_34, %get3A_35] : memref<256x256xf32, #tpu.memory_space<vmem>>, vector<256x256xf32>
    %dot_general3A_37 = arith.constant dense<0.000000e+00> : vector<2048x256xf32>
    %dot_general3A_38 = tpu.matmul %mul3A, %get3A_36, %dot_general3A_37 {dimension_numbers = #tpu.dot_dimension_numbers<[1], [0], [0], [1], [0, 0, 1, 1], [], []>, transpose_lhs_hint = false} : vector<2048x256xf32>, vector<256x256xf32>, vector<2048x256xf32> -> vector<2048x256xf32>
    %get3A_39 = arith.constant 0 : index
    %get3A_40 = arith.constant 0 : index
    %get3A_41 = vector.load %arg9[%get3A_39, %get3A_40] : memref<1x256xf32, #tpu.memory_space<vmem>>, vector<1x256xf32>
    %add3A_42 = vector.broadcast %get3A_41 : vector<1x256xf32> to vector<2048x256xf32>
    %add3A_43 = arith.addf %dot_general3A_38, %add3A_42 : vector<2048x256xf32>
    %get3A_44 = arith.constant 0 : index
    %get3A_45 = arith.constant 0 : index
    %get3A_46 = vector.load %arg10[%get3A_44, %get3A_45] : memref<1x256xf32, #tpu.memory_space<vmem>>, vector<1x256xf32>
    %get3A_47 = arith.constant 0 : index
    %get3A_48 = arith.constant 0 : index
    %get3A_49 = vector.load %arg11[%get3A_47, %get3A_48] : memref<1x256xf32, #tpu.memory_space<vmem>>, vector<1x256xf32>
    %reduce_sum3A = arith.constant dense<0.000000e+00> : vector<256xf32>
    %reduce_sum3A_50 = vector.multi_reduction <add>, %add3A_43, %reduce_sum3A [0] : vector<2048x256xf32> to vector<256xf32>
    %broadcast_in_dim3A = vector.shape_cast %reduce_sum3A_50 : vector<256xf32> to vector<1x256xf32>
    %div3A_51 = arith.constant 2.048000e+03 : f32
    %div3A_52 = vector.broadcast %div3A_51 : f32 to vector<1x256xf32>
    %div3A_53 = arith.divf %broadcast_in_dim3A, %div3A_52 : vector<1x256xf32>
    %sub3A = vector.broadcast %div3A_53 : vector<1x256xf32> to vector<2048x256xf32>
    %sub3A_54 = arith.subf %add3A_43, %sub3A : vector<2048x256xf32>
    %mul3A_55 = arith.mulf %sub3A_54, %sub3A_54 : vector<2048x256xf32>
    %reduce_sum3A_56 = arith.constant dense<0.000000e+00> : vector<256xf32>
    %reduce_sum3A_57 = vector.multi_reduction <add>, %mul3A_55, %reduce_sum3A_56 [0] : vector<2048x256xf32> to vector<256xf32>
    %broadcast_in_dim3A_58 = vector.shape_cast %reduce_sum3A_57 : vector<256xf32> to vector<1x256xf32>
    %div3A_59 = arith.constant 2.048000e+03 : f32
    %div3A_60 = vector.broadcast %div3A_59 : f32 to vector<1x256xf32>
    %div3A_61 = arith.divf %broadcast_in_dim3A_58, %div3A_60 : vector<1x256xf32>
    %add3A_62 = arith.constant 9.99999974E-6 : f32
    %add3A_63 = vector.broadcast %add3A_62 : f32 to vector<1x256xf32>
    %add3A_64 = arith.addf %div3A_61, %add3A_63 : vector<1x256xf32>
    %sqrt3A = math.sqrt %add3A_64 : vector<1x256xf32>
    %div3A_65 = vector.broadcast %sqrt3A : vector<1x256xf32> to vector<2048x256xf32>
    %div3A_66 = arith.divf %sub3A_54, %div3A_65 : vector<2048x256xf32>
    %mul3A_67 = vector.broadcast %get3A_46 : vector<1x256xf32> to vector<2048x256xf32>
    %mul3A_68 = arith.mulf %div3A_66, %mul3A_67 : vector<2048x256xf32>
    %add3A_69 = vector.broadcast %get3A_49 : vector<1x256xf32> to vector<2048x256xf32>
    %add3A_70 = arith.addf %mul3A_68, %add3A_69 : vector<2048x256xf32>
    %get3A_71 = arith.constant 0 : index
    %get3A_72 = arith.constant 0 : index
    %get3A_73 = vector.load %arg12[%get3A_71, %get3A_72] : memref<1x256xf32, #tpu.memory_space<vmem>>, vector<1x256xf32>
    %get3A_74 = arith.constant 0 : index
    %get3A_75 = arith.constant 0 : index
    %get3A_76 = vector.load %arg13[%get3A_74, %get3A_75] : memref<1x256xf32, #tpu.memory_space<vmem>>, vector<1x256xf32>
    %reduce_sum3A_77 = arith.constant dense<0.000000e+00> : vector<256xf32>
    %reduce_sum3A_78 = vector.multi_reduction <add>, %add3A_70, %reduce_sum3A_77 [0] : vector<2048x256xf32> to vector<256xf32>
    %broadcast_in_dim3A_79 = vector.shape_cast %reduce_sum3A_78 : vector<256xf32> to vector<1x256xf32>
    %div3A_80 = arith.constant 2.048000e+03 : f32
    %div3A_81 = vector.broadcast %div3A_80 : f32 to vector<1x256xf32>
    %div3A_82 = arith.divf %broadcast_in_dim3A_79, %div3A_81 : vector<1x256xf32>
    %sub3A_83 = vector.broadcast %div3A_82 : vector<1x256xf32> to vector<2048x256xf32>
    %sub3A_84 = arith.subf %add3A_70, %sub3A_83 : vector<2048x256xf32>
    %mul3A_85 = arith.mulf %sub3A_84, %sub3A_84 : vector<2048x256xf32>
    %reduce_sum3A_86 = arith.constant dense<0.000000e+00> : vector<256xf32>
    %reduce_sum3A_87 = vector.multi_reduction <add>, %mul3A_85, %reduce_sum3A_86 [0] : vector<2048x256xf32> to vector<256xf32>
    %broadcast_in_dim3A_88 = vector.shape_cast %reduce_sum3A_87 : vector<256xf32> to vector<1x256xf32>
    %div3A_89 = arith.constant 2.048000e+03 : f32
    %div3A_90 = vector.broadcast %div3A_89 : f32 to vector<1x256xf32>
    %div3A_91 = arith.divf %broadcast_in_dim3A_88, %div3A_90 : vector<1x256xf32>
    %add3A_92 = arith.constant 9.99999974E-6 : f32
    %add3A_93 = vector.broadcast %add3A_92 : f32 to vector<1x256xf32>
    %add3A_94 = arith.addf %div3A_91, %add3A_93 : vector<1x256xf32>
    %sqrt3A_95 = math.sqrt %add3A_94 : vector<1x256xf32>
    %div3A_96 = vector.broadcast %sqrt3A_95 : vector<1x256xf32> to vector<2048x256xf32>
    %div3A_97 = arith.divf %sub3A_84, %div3A_96 : vector<2048x256xf32>
    %mul3A_98 = vector.broadcast %get3A_73 : vector<1x256xf32> to vector<2048x256xf32>
    %mul3A_99 = arith.mulf %div3A_97, %mul3A_98 : vector<2048x256xf32>
    %add3A_100 = vector.broadcast %get3A_76 : vector<1x256xf32> to vector<2048x256xf32>
    %add3A_101 = arith.addf %mul3A_99, %add3A_100 : vector<2048x256xf32>
    %logistic3A_102 = arith.negf %add3A_101 : vector<2048x256xf32>
    %logistic3A_103 = math.exp %logistic3A_102 : vector<2048x256xf32>
    %logistic3A_104 = arith.constant 1.000000e+00 : f32
    %logistic3A_105 = vector.broadcast %logistic3A_104 : f32 to vector<2048x256xf32>
    %logistic3A_106 = arith.addf %logistic3A_105, %logistic3A_103 : vector<2048x256xf32>
    %logistic3A_107 = arith.divf %logistic3A_105, %logistic3A_106 : vector<2048x256xf32>
    %mul3A_108 = arith.mulf %add3A_101, %logistic3A_107 : vector<2048x256xf32>
    %swap3A = arith.constant 0 : index
    %swap3A_109 = arith.constant 0 : index
    %swap3A_110 = vector.load %arg18[%swap3A, %swap3A_109] : memref<2048x256xf32, #tpu.memory_space<vmem>>, vector<2048x256xf32>
    tpu.vector_store %arg18[%swap3A, %swap3A_109], %mul3A_108 {strides = array<i32>} : memref<2048x256xf32, #tpu.memory_space<vmem>>, vector<2048x256xf32>,
    %get3A_111 = arith.constant 0 : index
    %get3A_112 = arith.constant 0 : index
    %get3A_113 = vector.load %arg14[%get3A_111, %get3A_112] : memref<256x256xf32, #tpu.memory_space<vmem>>, vector<256x256xf32>
    %get3A_114 = arith.constant 0 : index
    %get3A_115 = arith.constant 0 : index
    %get3A_116 = vector.load %arg15[%get3A_114, %get3A_115] : memref<1x256xf32, #tpu.memory_space<vmem>>, vector<1x256xf32>
    %get3A_117 = arith.constant 0 : index
    %get3A_118 = arith.constant 0 : index
    %get3A_119 = vector.load %arg16[%get3A_117, %get3A_118] : memref<256x256xf32, #tpu.memory_space<vmem>>, vector<256x256xf32>
    %get3A_120 = arith.constant 0 : index
    %get3A_121 = arith.constant 0 : index
    %get3A_122 = vector.load %arg17[%get3A_120, %get3A_121] : memref<1x256xf32, #tpu.memory_space<vmem>>, vector<1x256xf32>
    %dot_general3A_123 = arith.constant dense<0.000000e+00> : vector<2048x256xf32>
    %dot_general3A_124 = tpu.matmul %mul3A_108, %get3A_113, %dot_general3A_123 {dimension_numbers = #tpu.dot_dimension_numbers<[1], [0], [0], [1], [0, 0, 1, 1], [], []>, transpose_lhs_hint = false} : vector<2048x256xf32>, vector<256x256xf32>, vector<2048x256xf32> -> vector<2048x256xf32>
    %add3A_125 = vector.broadcast %get3A_116 : vector<1x256xf32> to vector<2048x256xf32>
    %add3A_126 = arith.addf %dot_general3A_124, %add3A_125 : vector<2048x256xf32>
    %logistic3A_127 = arith.negf %add3A_126 : vector<2048x256xf32>
    %logistic3A_128 = math.exp %logistic3A_127 : vector<2048x256xf32>
    %logistic3A_129 = arith.constant 1.000000e+00 : f32
    %logistic3A_130 = vector.broadcast %logistic3A_129 : f32 to vector<2048x256xf32>
    %logistic3A_131 = arith.addf %logistic3A_130, %logistic3A_128 : vector<2048x256xf32>
    %logistic3A_132 = arith.divf %logistic3A_130, %logistic3A_131 : vector<2048x256xf32>
    %mul3A_133 = arith.mulf %add3A_126, %logistic3A_132 : vector<2048x256xf32>
    %dot_general3A_134 = arith.constant dense<0.000000e+00> : vector<2048x256xf32>
    %dot_general3A_135 = tpu.matmul %mul3A_133, %get3A_119, %dot_general3A_134 {dimension_numbers = #tpu.dot_dimension_numbers<[1], [0], [0], [1], [0, 0, 1, 1], [], []>, transpose_lhs_hint = false} : vector<2048x256xf32>, vector<256x256xf32>, vector<2048x256xf32> -> vector<2048x256xf32>
    %add3A_136 = vector.broadcast %get3A_122 : vector<1x256xf32> to vector<2048x256xf32>
    %add3A_137 = arith.addf %dot_general3A_135, %add3A_136 : vector<2048x256xf32>
    %swap3A_138 = arith.constant 0 : index
    %swap3A_139 = arith.constant 0 : index
    %swap3A_140 = vector.load %arg19[%swap3A_138, %swap3A_139] : memref<2048x256xf32, #tpu.memory_space<vmem>>, vector<2048x256xf32>
    tpu.vector_store %arg19[%swap3A_138, %swap3A_139], %add3A_137 {strides = array<i32>} : memref<2048x256xf32, #tpu.memory_space<vmem>>, vector<2048x256xf32>,
    return
  }
  func.func @transform_0(%arg0: i32) -> (i32, i32) {
    %c0_i32 = arith.constant 0 : i32
    %c0_i32_0 = arith.constant 0 : i32
    %c0_i32_1 = arith.constant 0 : i32
    return %c0_i32, %c0_i32_0 : i32, i32
  }
  func.func @transform_1(%arg0: i32) -> (i32, i32) {
    %c0_i32 = arith.constant 0 : i32
    %c0_i32_0 = arith.constant 0 : i32
    %c0_i32_1 = arith.constant 0 : i32
    return %c0_i32, %c0_i32_0 : i32, i32
  }
  func.func @transform_2(%arg0: i32) -> (i32, i32) {
    %c0_i32 = arith.constant 0 : i32
    %c0_i32_0 = arith.constant 0 : i32
    %c0_i32_1 = arith.constant 0 : i32
    return %c0_i32, %c0_i32_0 : i32, i32
  }
  func.func @transform_3(%arg0: i32) -> (i32, i32) {
    %c0_i32 = arith.constant 0 : i32
    %c0_i32_0 = arith.constant 0 : i32
    %c0_i32_1 = arith.constant 0 : i32
    return %c0_i32, %c0_i32_0 : i32, i32
  }
  func.func @transform_4(%arg0: i32) -> (i32, i32) {
    %c0_i32 = arith.constant 0 : i32
    %c0_i32_0 = arith.constant 0 : i32
    %c0_i32_1 = arith.constant 0 : i32
    return %c0_i32, %c0_i32_0 : i32, i32
  }
  func.func @transform_5(%arg0: i32) -> (i32, i32) {
    %c0_i32 = arith.constant 0 : i32
    %c0_i32_0 = arith.constant 0 : i32
    %c0_i32_1 = arith.constant 0 : i32
    return %c0_i32, %c0_i32_0 : i32, i32
  }
  func.func @transform_6(%arg0: i32) -> (i32, i32) {
    %c0_i32 = arith.constant 0 : i32
    %c0_i32_0 = arith.constant 0 : i32
    %c0_i32_1 = arith.constant 0 : i32
    return %c0_i32, %c0_i32_0 : i32, i32
  }
  func.func @transform_7(%arg0: i32) -> (i32, i32) {
    %c0_i32 = arith.constant 0 : i32
    %c0_i32_0 = arith.constant 0 : i32
    %c0_i32_1 = arith.constant 0 : i32
    return %c0_i32, %c0_i32_0 : i32, i32
  }
  func.func @transform_8(%arg0: i32) -> (i32, i32) {
    %c0_i32 = arith.constant 0 : i32
    %c0_i32_0 = arith.constant 0 : i32
    %c0_i32_1 = arith.constant 0 : i32
    return %c0_i32, %c0_i32_0 : i32, i32
  }
  func.func @transform_9(%arg0: i32) -> (i32, i32) {
    %c0_i32 = arith.constant 0 : i32
    %c0_i32_0 = arith.constant 0 : i32
    %c0_i32_1 = arith.constant 0 : i32
    return %c0_i32, %c0_i32_0 : i32, i32
  }
  func.func @transform_10(%arg0: i32) -> (i32, i32) {
    %c0_i32 = arith.constant 0 : i32
    %c0_i32_0 = arith.constant 0 : i32
    %c0_i32_1 = arith.constant 0 : i32
    return %c0_i32, %c0_i32_0 : i32, i32
  }
  func.func @transform_11(%arg0: i32) -> (i32, i32) {
    %c0_i32 = arith.constant 0 : i32
    %c0_i32_0 = arith.constant 0 : i32
    %c0_i32_1 = arith.constant 0 : i32
    return %c0_i32, %c0_i32_0 : i32, i32
  }
  func.func @transform_12(%arg0: i32) -> (i32, i32) {
    %c0_i32 = arith.constant 0 : i32
    %c0_i32_0 = arith.constant 0 : i32
    %c0_i32_1 = arith.constant 0 : i32
    return %c0_i32, %c0_i32_0 : i32, i32
  }
  func.func @transform_13(%arg0: i32) -> (i32, i32) {
    %c0_i32 = arith.constant 0 : i32
    %c0_i32_0 = arith.constant 0 : i32
    %c0_i32_1 = arith.constant 0 : i32
    return %c0_i32, %c0_i32_0 : i32, i32
  }
  func.func @transform_14(%arg0: i32) -> (i32, i32) {
    %c0_i32 = arith.constant 0 : i32
    %c0_i32_0 = arith.constant 0 : i32
    %c0_i32_1 = arith.constant 0 : i32
    return %c0_i32, %c0_i32_0 : i32, i32
  }
  func.func @transform_15(%arg0: i32) -> (i32, i32) {
    %c0_i32 = arith.constant 0 : i32
    %c0_i32_0 = arith.constant 0 : i32
    %c0_i32_1 = arith.constant 0 : i32
    return %c0_i32, %c0_i32_0 : i32, i32
  }
  func.func @transform_16(%arg0: i32) -> (i32, i32) {
    %c0_i32 = arith.constant 0 : i32
    %c0_i32_0 = arith.constant 0 : i32
    %c0_i32_1 = arith.constant 0 : i32
    return %c0_i32, %c0_i32_0 : i32, i32
  }
  func.func @transform_17(%arg0: i32) -> (i32, i32) {
    %c0_i32 = arith.constant 0 : i32
    %c0_i32_0 = arith.constant 0 : i32
    %c0_i32_1 = arith.constant 0 : i32
    return %c0_i32, %c0_i32_0 : i32, i32
  }
  func.func @transform_18(%arg0: i32) -> (i32, i32) {
    %c0_i32 = arith.constant 0 : i32
    %c0_i32_0 = arith.constant 0 : i32
    %c0_i32_1 = arith.constant 0 : i32
    return %c0_i32, %c0_i32_0 : i32, i32
  }
}

module attributes {stable_mosaic.version = 14 : i64} {
  func.func @_fin_kernel(%arg0: i32, %arg1: memref<2048x256xf32, #tpu.memory_space<vmem>>, %arg2: memref<2048x256xf32, #tpu.memory_space<vmem>>, %arg3: memref<2048x256xf32, #tpu.memory_space<vmem>>, %arg4: memref<2048x1xf32, #tpu.memory_space<vmem>>, %arg5: memref<256x256xf32, #tpu.memory_space<vmem>>, %arg6: memref<256x256xf32, #tpu.memory_space<vmem>>, %arg7: memref<1x256xf32, #tpu.memory_space<vmem>>, %arg8: memref<256x256xf32, #tpu.memory_space<vmem>>, %arg9: memref<1x256xf32, #tpu.memory_space<vmem>>, %arg10: memref<1x256xf32, #tpu.memory_space<vmem>>, %arg11: memref<1x256xf32, #tpu.memory_space<vmem>>, %arg12: memref<1x256xf32, #tpu.memory_space<vmem>>, %arg13: memref<1x256xf32, #tpu.memory_space<vmem>>, %arg14: memref<2048x256xf32, #tpu.memory_space<vmem>>) attributes {dimension_semantics = [#tpu.dimension_semantics<arbitrary>], iteration_bounds = array<i64: 1>, scalar_prefetch = 0 : i64, scratch_operands = 0 : i64, tpu.core_type = #tpu.core_type<tc>, window_params = [{pipeline_mode = #tpu.pipeline_mode<synchronous>, transform_indices = @transform_0, window_bounds = array<i64: 2048, 256>}, {pipeline_mode = #tpu.pipeline_mode<synchronous>, transform_indices = @transform_1, window_bounds = array<i64: 2048, 256>}, {pipeline_mode = #tpu.pipeline_mode<synchronous>, transform_indices = @transform_2, window_bounds = array<i64: 2048, 256>}, {pipeline_mode = #tpu.pipeline_mode<synchronous>, transform_indices = @transform_3, window_bounds = array<i64: 2048, 1>}, {pipeline_mode = #tpu.pipeline_mode<synchronous>, transform_indices = @transform_4, window_bounds = array<i64: 256, 256>}, {pipeline_mode = #tpu.pipeline_mode<synchronous>, transform_indices = @transform_5, window_bounds = array<i64: 256, 256>}, {pipeline_mode = #tpu.pipeline_mode<synchronous>, transform_indices = @transform_6, window_bounds = array<i64: 1, 256>}, {pipeline_mode = #tpu.pipeline_mode<synchronous>, transform_indices = @transform_7, window_bounds = array<i64: 256, 256>}, {pipeline_mode = #tpu.pipeline_mode<synchronous>, transform_indices = @transform_8, window_bounds = array<i64: 1, 256>}, {pipeline_mode = #tpu.pipeline_mode<synchronous>, transform_indices = @transform_9, window_bounds = array<i64: 1, 256>}, {pipeline_mode = #tpu.pipeline_mode<synchronous>, transform_indices = @transform_10, window_bounds = array<i64: 1, 256>}, {pipeline_mode = #tpu.pipeline_mode<synchronous>, transform_indices = @transform_11, window_bounds = array<i64: 1, 256>}, {pipeline_mode = #tpu.pipeline_mode<synchronous>, transform_indices = @transform_12, window_bounds = array<i64: 1, 256>}, {pipeline_mode = #tpu.pipeline_mode<synchronous>, transform_indices = @transform_13, window_bounds = array<i64: 2048, 256>}]} {
    %get3A = arith.constant 0 : index
    %get3A_0 = arith.constant 0 : index
    %get3A_1 = vector.load %arg4[%get3A, %get3A_0] : memref<2048x1xf32, #tpu.memory_space<vmem>>, vector<2048x1xf32>
    %max3A = arith.constant 1.000000e+00 : f32
    %max3A_2 = vector.broadcast %max3A : f32 to vector<2048x1xf32>
    %max3A_3 = arith.maximumf %get3A_1, %max3A_2 : vector<2048x1xf32>
    %get3A_4 = arith.constant 0 : index
    %get3A_5 = arith.constant 0 : index
    %get3A_6 = vector.load %arg1[%get3A_4, %get3A_5] : memref<2048x256xf32, #tpu.memory_space<vmem>>, vector<2048x256xf32>
    %get3A_7 = arith.constant 0 : index
    %get3A_8 = arith.constant 0 : index
    %get3A_9 = vector.load %arg2[%get3A_7, %get3A_8] : memref<2048x256xf32, #tpu.memory_space<vmem>>, vector<2048x256xf32>
    %add3A = arith.addf %get3A_6, %get3A_9 : vector<2048x256xf32>
    %div3A = vector.broadcast %max3A_3 : vector<2048x1xf32> to vector<2048x256xf32>
    %div3A_10 = arith.divf %add3A, %div3A : vector<2048x256xf32>
    %get3A_11 = arith.constant 0 : index
    %get3A_12 = arith.constant 0 : index
    %get3A_13 = vector.load %arg5[%get3A_11, %get3A_12] : memref<256x256xf32, #tpu.memory_space<vmem>>, vector<256x256xf32>
    %dot_general3A = arith.constant dense<0.000000e+00> : vector<2048x256xf32>
    %dot_general3A_14 = tpu.matmul %div3A_10, %get3A_13, %dot_general3A {dimension_numbers = #tpu.dot_dimension_numbers<[1], [0], [0], [1], [0, 0, 1, 1], [], []>, transpose_lhs_hint = false} : vector<2048x256xf32>, vector<256x256xf32>, vector<2048x256xf32> -> vector<2048x256xf32>
    %get3A_15 = arith.constant 0 : index
    %get3A_16 = arith.constant 0 : index
    %get3A_17 = vector.load %arg3[%get3A_15, %get3A_16] : memref<2048x256xf32, #tpu.memory_space<vmem>>, vector<2048x256xf32>
    %get3A_18 = arith.constant 0 : index
    %get3A_19 = arith.constant 0 : index
    %get3A_20 = vector.load %arg6[%get3A_18, %get3A_19] : memref<256x256xf32, #tpu.memory_space<vmem>>, vector<256x256xf32>
    %dot_general3A_21 = arith.constant dense<0.000000e+00> : vector<2048x256xf32>
    %dot_general3A_22 = tpu.matmul %get3A_17, %get3A_20, %dot_general3A_21 {dimension_numbers = #tpu.dot_dimension_numbers<[1], [0], [0], [1], [0, 0, 1, 1], [], []>, transpose_lhs_hint = false} : vector<2048x256xf32>, vector<256x256xf32>, vector<2048x256xf32> -> vector<2048x256xf32>
    %add3A_23 = arith.addf %dot_general3A_14, %dot_general3A_22 : vector<2048x256xf32>
    %get3A_24 = arith.constant 0 : index
    %get3A_25 = arith.constant 0 : index
    %get3A_26 = vector.load %arg7[%get3A_24, %get3A_25] : memref<1x256xf32, #tpu.memory_space<vmem>>, vector<1x256xf32>
    %add3A_27 = vector.broadcast %get3A_26 : vector<1x256xf32> to vector<2048x256xf32>
    %add3A_28 = arith.addf %add3A_23, %add3A_27 : vector<2048x256xf32>
    %logistic3A = arith.negf %add3A_28 : vector<2048x256xf32>
    %logistic3A_29 = math.exp %logistic3A : vector<2048x256xf32>
    %logistic3A_30 = arith.constant 1.000000e+00 : f32
    %logistic3A_31 = vector.broadcast %logistic3A_30 : f32 to vector<2048x256xf32>
    %logistic3A_32 = arith.addf %logistic3A_31, %logistic3A_29 : vector<2048x256xf32>
    %logistic3A_33 = arith.divf %logistic3A_31, %logistic3A_32 : vector<2048x256xf32>
    %mul3A = arith.mulf %add3A_28, %logistic3A_33 : vector<2048x256xf32>
    %get3A_34 = arith.constant 0 : index
    %get3A_35 = arith.constant 0 : index
    %get3A_36 = vector.load %arg8[%get3A_34, %get3A_35] : memref<256x256xf32, #tpu.memory_space<vmem>>, vector<256x256xf32>
    %dot_general3A_37 = arith.constant dense<0.000000e+00> : vector<2048x256xf32>
    %dot_general3A_38 = tpu.matmul %mul3A, %get3A_36, %dot_general3A_37 {dimension_numbers = #tpu.dot_dimension_numbers<[1], [0], [0], [1], [0, 0, 1, 1], [], []>, transpose_lhs_hint = false} : vector<2048x256xf32>, vector<256x256xf32>, vector<2048x256xf32> -> vector<2048x256xf32>
    %get3A_39 = arith.constant 0 : index
    %get3A_40 = arith.constant 0 : index
    %get3A_41 = vector.load %arg9[%get3A_39, %get3A_40] : memref<1x256xf32, #tpu.memory_space<vmem>>, vector<1x256xf32>
    %add3A_42 = vector.broadcast %get3A_41 : vector<1x256xf32> to vector<2048x256xf32>
    %add3A_43 = arith.addf %dot_general3A_38, %add3A_42 : vector<2048x256xf32>
    %get3A_44 = arith.constant 0 : index
    %get3A_45 = arith.constant 0 : index
    %get3A_46 = vector.load %arg10[%get3A_44, %get3A_45] : memref<1x256xf32, #tpu.memory_space<vmem>>, vector<1x256xf32>
    %get3A_47 = arith.constant 0 : index
    %get3A_48 = arith.constant 0 : index
    %get3A_49 = vector.load %arg11[%get3A_47, %get3A_48] : memref<1x256xf32, #tpu.memory_space<vmem>>, vector<1x256xf32>
    %reduce_sum3A = arith.constant dense<0.000000e+00> : vector<256xf32>
    %reduce_sum3A_50 = vector.multi_reduction <add>, %add3A_43, %reduce_sum3A [0] : vector<2048x256xf32> to vector<256xf32>
    %broadcast_in_dim3A = vector.shape_cast %reduce_sum3A_50 : vector<256xf32> to vector<1x256xf32>
    %div3A_51 = arith.constant 2.048000e+03 : f32
    %div3A_52 = vector.broadcast %div3A_51 : f32 to vector<1x256xf32>
    %div3A_53 = arith.divf %broadcast_in_dim3A, %div3A_52 : vector<1x256xf32>
    %sub3A = vector.broadcast %div3A_53 : vector<1x256xf32> to vector<2048x256xf32>
    %sub3A_54 = arith.subf %add3A_43, %sub3A : vector<2048x256xf32>
    %mul3A_55 = arith.mulf %sub3A_54, %sub3A_54 : vector<2048x256xf32>
    %reduce_sum3A_56 = arith.constant dense<0.000000e+00> : vector<256xf32>
    %reduce_sum3A_57 = vector.multi_reduction <add>, %mul3A_55, %reduce_sum3A_56 [0] : vector<2048x256xf32> to vector<256xf32>
    %broadcast_in_dim3A_58 = vector.shape_cast %reduce_sum3A_57 : vector<256xf32> to vector<1x256xf32>
    %div3A_59 = arith.constant 2.048000e+03 : f32
    %div3A_60 = vector.broadcast %div3A_59 : f32 to vector<1x256xf32>
    %div3A_61 = arith.divf %broadcast_in_dim3A_58, %div3A_60 : vector<1x256xf32>
    %add3A_62 = arith.constant 9.99999974E-6 : f32
    %add3A_63 = vector.broadcast %add3A_62 : f32 to vector<1x256xf32>
    %add3A_64 = arith.addf %div3A_61, %add3A_63 : vector<1x256xf32>
    %sqrt3A = math.sqrt %add3A_64 : vector<1x256xf32>
    %div3A_65 = vector.broadcast %sqrt3A : vector<1x256xf32> to vector<2048x256xf32>
    %div3A_66 = arith.divf %sub3A_54, %div3A_65 : vector<2048x256xf32>
    %mul3A_67 = vector.broadcast %get3A_46 : vector<1x256xf32> to vector<2048x256xf32>
    %mul3A_68 = arith.mulf %div3A_66, %mul3A_67 : vector<2048x256xf32>
    %add3A_69 = vector.broadcast %get3A_49 : vector<1x256xf32> to vector<2048x256xf32>
    %add3A_70 = arith.addf %mul3A_68, %add3A_69 : vector<2048x256xf32>
    %get3A_71 = arith.constant 0 : index
    %get3A_72 = arith.constant 0 : index
    %get3A_73 = vector.load %arg12[%get3A_71, %get3A_72] : memref<1x256xf32, #tpu.memory_space<vmem>>, vector<1x256xf32>
    %get3A_74 = arith.constant 0 : index
    %get3A_75 = arith.constant 0 : index
    %get3A_76 = vector.load %arg13[%get3A_74, %get3A_75] : memref<1x256xf32, #tpu.memory_space<vmem>>, vector<1x256xf32>
    %reduce_sum3A_77 = arith.constant dense<0.000000e+00> : vector<256xf32>
    %reduce_sum3A_78 = vector.multi_reduction <add>, %add3A_70, %reduce_sum3A_77 [0] : vector<2048x256xf32> to vector<256xf32>
    %broadcast_in_dim3A_79 = vector.shape_cast %reduce_sum3A_78 : vector<256xf32> to vector<1x256xf32>
    %div3A_80 = arith.constant 2.048000e+03 : f32
    %div3A_81 = vector.broadcast %div3A_80 : f32 to vector<1x256xf32>
    %div3A_82 = arith.divf %broadcast_in_dim3A_79, %div3A_81 : vector<1x256xf32>
    %sub3A_83 = vector.broadcast %div3A_82 : vector<1x256xf32> to vector<2048x256xf32>
    %sub3A_84 = arith.subf %add3A_70, %sub3A_83 : vector<2048x256xf32>
    %mul3A_85 = arith.mulf %sub3A_84, %sub3A_84 : vector<2048x256xf32>
    %reduce_sum3A_86 = arith.constant dense<0.000000e+00> : vector<256xf32>
    %reduce_sum3A_87 = vector.multi_reduction <add>, %mul3A_85, %reduce_sum3A_86 [0] : vector<2048x256xf32> to vector<256xf32>
    %broadcast_in_dim3A_88 = vector.shape_cast %reduce_sum3A_87 : vector<256xf32> to vector<1x256xf32>
    %div3A_89 = arith.constant 2.048000e+03 : f32
    %div3A_90 = vector.broadcast %div3A_89 : f32 to vector<1x256xf32>
    %div3A_91 = arith.divf %broadcast_in_dim3A_88, %div3A_90 : vector<1x256xf32>
    %add3A_92 = arith.constant 9.99999974E-6 : f32
    %add3A_93 = vector.broadcast %add3A_92 : f32 to vector<1x256xf32>
    %add3A_94 = arith.addf %div3A_91, %add3A_93 : vector<1x256xf32>
    %sqrt3A_95 = math.sqrt %add3A_94 : vector<1x256xf32>
    %div3A_96 = vector.broadcast %sqrt3A_95 : vector<1x256xf32> to vector<2048x256xf32>
    %div3A_97 = arith.divf %sub3A_84, %div3A_96 : vector<2048x256xf32>
    %mul3A_98 = vector.broadcast %get3A_73 : vector<1x256xf32> to vector<2048x256xf32>
    %mul3A_99 = arith.mulf %div3A_97, %mul3A_98 : vector<2048x256xf32>
    %add3A_100 = vector.broadcast %get3A_76 : vector<1x256xf32> to vector<2048x256xf32>
    %add3A_101 = arith.addf %mul3A_99, %add3A_100 : vector<2048x256xf32>
    %logistic3A_102 = arith.negf %add3A_101 : vector<2048x256xf32>
    %logistic3A_103 = math.exp %logistic3A_102 : vector<2048x256xf32>
    %logistic3A_104 = arith.constant 1.000000e+00 : f32
    %logistic3A_105 = vector.broadcast %logistic3A_104 : f32 to vector<2048x256xf32>
    %logistic3A_106 = arith.addf %logistic3A_105, %logistic3A_103 : vector<2048x256xf32>
    %logistic3A_107 = arith.divf %logistic3A_105, %logistic3A_106 : vector<2048x256xf32>
    %mul3A_108 = arith.mulf %add3A_101, %logistic3A_107 : vector<2048x256xf32>
    %swap3A = arith.constant 0 : index
    %swap3A_109 = arith.constant 0 : index
    %swap3A_110 = vector.load %arg14[%swap3A, %swap3A_109] : memref<2048x256xf32, #tpu.memory_space<vmem>>, vector<2048x256xf32>
    tpu.vector_store %arg14[%swap3A, %swap3A_109], %mul3A_108 {strides = array<i32>} : memref<2048x256xf32, #tpu.memory_space<vmem>>, vector<2048x256xf32>,
    return
  }
  func.func @transform_0(%arg0: i32) -> (i32, i32) {
    %c0_i32 = arith.constant 0 : i32
    %c0_i32_0 = arith.constant 0 : i32
    %c0_i32_1 = arith.constant 0 : i32
    return %c0_i32, %c0_i32_0 : i32, i32
  }
  func.func @transform_1(%arg0: i32) -> (i32, i32) {
    %c0_i32 = arith.constant 0 : i32
    %c0_i32_0 = arith.constant 0 : i32
    %c0_i32_1 = arith.constant 0 : i32
    return %c0_i32, %c0_i32_0 : i32, i32
  }
  func.func @transform_2(%arg0: i32) -> (i32, i32) {
    %c0_i32 = arith.constant 0 : i32
    %c0_i32_0 = arith.constant 0 : i32
    %c0_i32_1 = arith.constant 0 : i32
    return %c0_i32, %c0_i32_0 : i32, i32
  }
  func.func @transform_3(%arg0: i32) -> (i32, i32) {
    %c0_i32 = arith.constant 0 : i32
    %c0_i32_0 = arith.constant 0 : i32
    %c0_i32_1 = arith.constant 0 : i32
    return %c0_i32, %c0_i32_0 : i32, i32
  }
  func.func @transform_4(%arg0: i32) -> (i32, i32) {
    %c0_i32 = arith.constant 0 : i32
    %c0_i32_0 = arith.constant 0 : i32
    %c0_i32_1 = arith.constant 0 : i32
    return %c0_i32, %c0_i32_0 : i32, i32
  }
  func.func @transform_5(%arg0: i32) -> (i32, i32) {
    %c0_i32 = arith.constant 0 : i32
    %c0_i32_0 = arith.constant 0 : i32
    %c0_i32_1 = arith.constant 0 : i32
    return %c0_i32, %c0_i32_0 : i32, i32
  }
  func.func @transform_6(%arg0: i32) -> (i32, i32) {
    %c0_i32 = arith.constant 0 : i32
    %c0_i32_0 = arith.constant 0 : i32
    %c0_i32_1 = arith.constant 0 : i32
    return %c0_i32, %c0_i32_0 : i32, i32
  }
  func.func @transform_7(%arg0: i32) -> (i32, i32) {
    %c0_i32 = arith.constant 0 : i32
    %c0_i32_0 = arith.constant 0 : i32
    %c0_i32_1 = arith.constant 0 : i32
    return %c0_i32, %c0_i32_0 : i32, i32
  }
  func.func @transform_8(%arg0: i32) -> (i32, i32) {
    %c0_i32 = arith.constant 0 : i32
    %c0_i32_0 = arith.constant 0 : i32
    %c0_i32_1 = arith.constant 0 : i32
    return %c0_i32, %c0_i32_0 : i32, i32
  }
  func.func @transform_9(%arg0: i32) -> (i32, i32) {
    %c0_i32 = arith.constant 0 : i32
    %c0_i32_0 = arith.constant 0 : i32
    %c0_i32_1 = arith.constant 0 : i32
    return %c0_i32, %c0_i32_0 : i32, i32
  }
  func.func @transform_10(%arg0: i32) -> (i32, i32) {
    %c0_i32 = arith.constant 0 : i32
    %c0_i32_0 = arith.constant 0 : i32
    %c0_i32_1 = arith.constant 0 : i32
    return %c0_i32, %c0_i32_0 : i32, i32
  }
  func.func @transform_11(%arg0: i32) -> (i32, i32) {
    %c0_i32 = arith.constant 0 : i32
    %c0_i32_0 = arith.constant 0 : i32
    %c0_i32_1 = arith.constant 0 : i32
    return %c0_i32, %c0_i32_0 : i32, i32
  }
  func.func @transform_12(%arg0: i32) -> (i32, i32) {
    %c0_i32 = arith.constant 0 : i32
    %c0_i32_0 = arith.constant 0 : i32
    %c0_i32_1 = arith.constant 0 : i32
    return %c0_i32, %c0_i32_0 : i32, i32
  }
  func.func @transform_13(%arg0: i32) -> (i32, i32) {
    %c0_i32 = arith.constant 0 : i32
    %c0_i32_0 = arith.constant 0 : i32
    %c0_i32_1 = arith.constant 0 : i32
    return %c0_i32, %c0_i32_0 : i32, i32
  }
}

module attributes {stable_mosaic.version = 14 : i64} {
  func.func @_attn_kernel(%arg0: i32, %arg1: memref<2048x256xf32, #tpu.memory_space<vmem>>, %arg2: memref<1x256x32xbf16, #tpu.memory_space<vmem>>, %arg3: memref<1x1x32xf32, #tpu.memory_space<vmem>>, %arg4: memref<1x256x32xbf16, #tpu.memory_space<vmem>>, %arg5: memref<1x1x32xf32, #tpu.memory_space<vmem>>, %arg6: memref<1x256x32xbf16, #tpu.memory_space<vmem>>, %arg7: memref<1x1x32xf32, #tpu.memory_space<vmem>>, %arg8: memref<1x32x256xbf16, #tpu.memory_space<vmem>>, %arg9: memref<1x256xf32, #tpu.memory_space<vmem>>, %arg10: memref<2048x256xf32, #tpu.memory_space<vmem>>) attributes {dimension_semantics = [#tpu.dimension_semantics<arbitrary>], iteration_bounds = array<i64: 8>, scalar_prefetch = 0 : i64, scratch_operands = 0 : i64, tpu.core_type = #tpu.core_type<tc>, window_params = [{pipeline_mode = #tpu.pipeline_mode<synchronous>, transform_indices = @transform_0, window_bounds = array<i64: 2048, 256>}, {transform_indices = @transform_1, window_bounds = array<i64: 1, 256, 32>}, {transform_indices = @transform_2, window_bounds = array<i64: 1, 1, 32>}, {transform_indices = @transform_3, window_bounds = array<i64: 1, 256, 32>}, {transform_indices = @transform_4, window_bounds = array<i64: 1, 1, 32>}, {transform_indices = @transform_5, window_bounds = array<i64: 1, 256, 32>}, {transform_indices = @transform_6, window_bounds = array<i64: 1, 1, 32>}, {transform_indices = @transform_7, window_bounds = array<i64: 1, 32, 256>}, {pipeline_mode = #tpu.pipeline_mode<synchronous>, transform_indices = @transform_8, window_bounds = array<i64: 1, 256>}, {pipeline_mode = #tpu.pipeline_mode<synchronous>, transform_indices = @transform_9, window_bounds = array<i64: 2048, 256>}]} {
    %get3A = arith.constant 0 : index
    %get3A_0 = arith.constant 0 : index
    %get3A_1 = vector.load %arg1[%get3A, %get3A_0] : memref<2048x256xf32, #tpu.memory_space<vmem>>, vector<2048x256xf32>
    %convert_element_type3A = arith.truncf %get3A_1 : vector<2048x256xf32> to vector<2048x256xbf16>
    %get3A_2 = arith.constant 0 : index
    %get3A_3 = arith.constant 0 : index
    %get3A_4 = arith.constant 0 : index
    %get3A_5 = vector.load %arg2[%get3A_2, %get3A_3, %get3A_4] : memref<1x256x32xbf16, #tpu.memory_space<vmem>>, vector<1x256x32xbf16>
    %get3A_6 = vector.shape_cast %get3A_5 : vector<1x256x32xbf16> to vector<256x32xbf16>
    %dot_general3A = arith.constant dense<0.000000e+00> : vector<2048x32xf32>
    %dot_general3A_7 = tpu.matmul %convert_element_type3A, %get3A_6, %dot_general3A {dimension_numbers = #tpu.dot_dimension_numbers<[1], [0], [0], [1], [0, 0, 1, 1], [], []>, transpose_lhs_hint = false} : vector<2048x256xbf16>, vector<256x32xbf16>, vector<2048x32xf32> -> vector<2048x32xf32>
    %get3A_8 = arith.constant 0 : index
    %get3A_9 = arith.constant 0 : index
    %get3A_10 = arith.constant 0 : index
    %get3A_11 = vector.load %arg3[%get3A_8, %get3A_9, %get3A_10] : memref<1x1x32xf32, #tpu.memory_space<vmem>>, vector<1x1x32xf32>
    %get3A_12 = vector.shape_cast %get3A_11 : vector<1x1x32xf32> to vector<1x32xf32>
    %add3A = vector.broadcast %get3A_12 : vector<1x32xf32> to vector<2048x32xf32>
    %add3A_13 = arith.addf %dot_general3A_7, %add3A : vector<2048x32xf32>
    %get3A_14 = arith.constant 0 : index
    %get3A_15 = arith.constant 0 : index
    %get3A_16 = arith.constant 0 : index
    %get3A_17 = vector.load %arg4[%get3A_14, %get3A_15, %get3A_16] : memref<1x256x32xbf16, #tpu.memory_space<vmem>>, vector<1x256x32xbf16>
    %get3A_18 = vector.shape_cast %get3A_17 : vector<1x256x32xbf16> to vector<256x32xbf16>
    %dot_general3A_19 = arith.constant dense<0.000000e+00> : vector<2048x32xf32>
    %dot_general3A_20 = tpu.matmul %convert_element_type3A, %get3A_18, %dot_general3A_19 {dimension_numbers = #tpu.dot_dimension_numbers<[1], [0], [0], [1], [0, 0, 1, 1], [], []>, transpose_lhs_hint = false} : vector<2048x256xbf16>, vector<256x32xbf16>, vector<2048x32xf32> -> vector<2048x32xf32>
    %get3A_21 = arith.constant 0 : index
    %get3A_22 = arith.constant 0 : index
    %get3A_23 = arith.constant 0 : index
    %get3A_24 = vector.load %arg5[%get3A_21, %get3A_22, %get3A_23] : memref<1x1x32xf32, #tpu.memory_space<vmem>>, vector<1x1x32xf32>
    %get3A_25 = vector.shape_cast %get3A_24 : vector<1x1x32xf32> to vector<1x32xf32>
    %add3A_26 = vector.broadcast %get3A_25 : vector<1x32xf32> to vector<2048x32xf32>
    %add3A_27 = arith.addf %dot_general3A_20, %add3A_26 : vector<2048x32xf32>
    %get3A_28 = arith.constant 0 : index
    %get3A_29 = arith.constant 0 : index
    %get3A_30 = arith.constant 0 : index
    %get3A_31 = vector.load %arg6[%get3A_28, %get3A_29, %get3A_30] : memref<1x256x32xbf16, #tpu.memory_space<vmem>>, vector<1x256x32xbf16>
    %get3A_32 = vector.shape_cast %get3A_31 : vector<1x256x32xbf16> to vector<256x32xbf16>
    %dot_general3A_33 = arith.constant dense<0.000000e+00> : vector<2048x32xf32>
    %dot_general3A_34 = tpu.matmul %convert_element_type3A, %get3A_32, %dot_general3A_33 {dimension_numbers = #tpu.dot_dimension_numbers<[1], [0], [0], [1], [0, 0, 1, 1], [], []>, transpose_lhs_hint = false} : vector<2048x256xbf16>, vector<256x32xbf16>, vector<2048x32xf32> -> vector<2048x32xf32>
    %get3A_35 = arith.constant 0 : index
    %get3A_36 = arith.constant 0 : index
    %get3A_37 = arith.constant 0 : index
    %get3A_38 = vector.load %arg7[%get3A_35, %get3A_36, %get3A_37] : memref<1x1x32xf32, #tpu.memory_space<vmem>>, vector<1x1x32xf32>
    %get3A_39 = vector.shape_cast %get3A_38 : vector<1x1x32xf32> to vector<1x32xf32>
    %add3A_40 = vector.broadcast %get3A_39 : vector<1x32xf32> to vector<2048x32xf32>
    %add3A_41 = arith.addf %dot_general3A_34, %add3A_40 : vector<2048x32xf32>
    %convert_element_type3A_42 = arith.truncf %add3A_13 : vector<2048x32xf32> to vector<2048x32xbf16>
    %convert_element_type3A_43 = arith.truncf %add3A_27 : vector<2048x32xf32> to vector<2048x32xbf16>
    %dot_general3A_44 = arith.constant dense<0.000000e+00> : vector<2048x2048xf32>
    %dot_general3A_45 = tpu.matmul %convert_element_type3A_42, %convert_element_type3A_43, %dot_general3A_44 {dimension_numbers = #tpu.dot_dimension_numbers<[1], [1], [0], [0], [0, 0, 1, 0], [], []>, transpose_lhs_hint = false} : vector<2048x32xbf16>, vector<2048x32xbf16>, vector<2048x2048xf32> -> vector<2048x2048xf32>
    %mul3A = arith.constant 0.176776692 : f32
    %mul3A_46 = vector.broadcast %mul3A : f32 to vector<2048x2048xf32>
    %mul3A_47 = arith.mulf %dot_general3A_45, %mul3A_46 : vector<2048x2048xf32>
    %reduce_max3A = arith.constant dense<0xFF800000> : vector<2048xf32>
    %reduce_max3A_48 = vector.multi_reduction <maximumf>, %mul3A_47, %reduce_max3A [1] : vector<2048x2048xf32> to vector<2048xf32>
    %max3A = arith.constant 0xFF800000 : f32
    %max3A_49 = vector.broadcast %max3A : f32 to vector<2048xf32>
    %max3A_50 = arith.maximumf %max3A_49, %reduce_max3A_48 : vector<2048xf32>
    %broadcast_in_dim3A = vector.shape_cast %max3A_50 : vector<2048xf32> to vector<2048x1xf32>
    %sub3A = vector.broadcast %broadcast_in_dim3A : vector<2048x1xf32> to vector<2048x2048xf32>
    %sub3A_51 = arith.subf %mul3A_47, %sub3A : vector<2048x2048xf32>
    %exp3A = math.exp %sub3A_51 : vector<2048x2048xf32>
    %reduce_sum3A = arith.constant dense<0.000000e+00> : vector<2048xf32>
    %reduce_sum3A_52 = vector.multi_reduction <add>, %exp3A, %reduce_sum3A [1] : vector<2048x2048xf32> to vector<2048xf32>
    %broadcast_in_dim3A_53 = vector.shape_cast %reduce_sum3A_52 : vector<2048xf32> to vector<2048x1xf32>
    %div3A = vector.broadcast %broadcast_in_dim3A_53 : vector<2048x1xf32> to vector<2048x2048xf32>
    %div3A_54 = arith.divf %exp3A, %div3A : vector<2048x2048xf32>
    %convert_element_type3A_55 = arith.truncf %div3A_54 : vector<2048x2048xf32> to vector<2048x2048xbf16>
    %convert_element_type3A_56 = arith.truncf %add3A_41 : vector<2048x32xf32> to vector<2048x32xbf16>
    %dot_general3A_57 = arith.constant dense<0.000000e+00> : vector<2048x32xf32>
    %dot_general3A_58 = tpu.matmul %convert_element_type3A_55, %convert_element_type3A_56, %dot_general3A_57 {dimension_numbers = #tpu.dot_dimension_numbers<[1], [0], [0], [1], [0, 0, 1, 1], [], []>, transpose_lhs_hint = false} : vector<2048x2048xbf16>, vector<2048x32xbf16>, vector<2048x32xf32> -> vector<2048x32xf32>
    %convert_element_type3A_59 = arith.truncf %dot_general3A_58 : vector<2048x32xf32> to vector<2048x32xbf16>
    %get3A_60 = arith.constant 0 : index
    %get3A_61 = arith.constant 0 : index
    %get3A_62 = arith.constant 0 : index
    %get3A_63 = vector.load %arg8[%get3A_60, %get3A_61, %get3A_62] : memref<1x32x256xbf16, #tpu.memory_space<vmem>>, vector<1x32x256xbf16>
    %get3A_64 = vector.shape_cast %get3A_63 : vector<1x32x256xbf16> to vector<32x256xbf16>
    %dot_general3A_65 = arith.constant dense<0.000000e+00> : vector<2048x256xf32>
    %dot_general3A_66 = tpu.matmul %convert_element_type3A_59, %get3A_64, %dot_general3A_65 {dimension_numbers = #tpu.dot_dimension_numbers<[1], [0], [0], [1], [0, 0, 1, 1], [], []>, transpose_lhs_hint = false} : vector<2048x32xbf16>, vector<32x256xbf16>, vector<2048x256xf32> -> vector<2048x256xf32>
    %eq3A = arith.constant 0 : i32
    %eq3A_67 = arith.cmpi eq, %arg0, %eq3A : i32
    %convert_element_type3A_68 = arith.extui %eq3A_67 : i1 to i32
    %cond3A = arith.constant 0 : i32
    %cond3A_69 = arith.cmpi ne, %convert_element_type3A_68, %cond3A : i32
    scf.if %cond3A_69 {
      %get3A_74 = arith.constant 0 : index
      %get3A_75 = arith.constant 0 : index
      %get3A_76 = vector.load %arg9[%get3A_74, %get3A_75] : memref<1x256xf32, #tpu.memory_space<vmem>>, vector<1x256xf32>
      %add3A_77 = vector.broadcast %get3A_76 : vector<1x256xf32> to vector<2048x256xf32>
      %add3A_78 = arith.addf %dot_general3A_66, %add3A_77 : vector<2048x256xf32>
      %swap3A = arith.constant 0 : index
      %swap3A_79 = arith.constant 0 : index
      %swap3A_80 = vector.load %arg10[%swap3A, %swap3A_79] : memref<2048x256xf32, #tpu.memory_space<vmem>>, vector<2048x256xf32>
      tpu.vector_store %arg10[%swap3A, %swap3A_79], %add3A_78 {strides = array<i32>} : memref<2048x256xf32, #tpu.memory_space<vmem>>, vector<2048x256xf32>,
    } else {
    }
    %gt3A = arith.constant 0 : i32
    %gt3A_70 = arith.cmpi sgt, %arg0, %gt3A : i32
    %convert_element_type3A_71 = arith.extui %gt3A_70 : i1 to i32
    %cond3A_72 = arith.constant 0 : i32
    %cond3A_73 = arith.cmpi ne, %convert_element_type3A_71, %cond3A_72 : i32
    scf.if %cond3A_73 {
      %get3A_74 = arith.constant 0 : index
      %get3A_75 = arith.constant 0 : index
      %get3A_76 = vector.load %arg10[%get3A_74, %get3A_75] : memref<2048x256xf32, #tpu.memory_space<vmem>>, vector<2048x256xf32>
      %add3A_77 = arith.addf %get3A_76, %dot_general3A_66 : vector<2048x256xf32>
      %swap3A = arith.constant 0 : index
      %swap3A_78 = arith.constant 0 : index
      %swap3A_79 = vector.load %arg10[%swap3A, %swap3A_78] : memref<2048x256xf32, #tpu.memory_space<vmem>>, vector<2048x256xf32>
      tpu.vector_store %arg10[%swap3A, %swap3A_78], %add3A_77 {strides = array<i32>} : memref<2048x256xf32, #tpu.memory_space<vmem>>, vector<2048x256xf32>,
    } else {
    }
    return
  }
  func.func @transform_0(%arg0: i32) -> (i32, i32) {
    %c0_i32 = arith.constant 0 : i32
    %c0_i32_0 = arith.constant 0 : i32
    %c0_i32_1 = arith.constant 0 : i32
    return %c0_i32, %c0_i32_0 : i32, i32
  }
  func.func @transform_1(%arg0: i32) -> (i32, i32, i32) {
    %c0_i32 = arith.constant 0 : i32
    %c0_i32_0 = arith.constant 0 : i32
    %c0_i32_1 = arith.constant 0 : i32
    return %arg0, %c0_i32, %c0_i32_0 : i32, i32, i32
  }
  func.func @transform_2(%arg0: i32) -> (i32, i32, i32) {
    %c0_i32 = arith.constant 0 : i32
    %c0_i32_0 = arith.constant 0 : i32
    %c0_i32_1 = arith.constant 0 : i32
    return %arg0, %c0_i32, %c0_i32_0 : i32, i32, i32
  }
  func.func @transform_3(%arg0: i32) -> (i32, i32, i32) {
    %c0_i32 = arith.constant 0 : i32
    %c0_i32_0 = arith.constant 0 : i32
    %c0_i32_1 = arith.constant 0 : i32
    return %arg0, %c0_i32, %c0_i32_0 : i32, i32, i32
  }
  func.func @transform_4(%arg0: i32) -> (i32, i32, i32) {
    %c0_i32 = arith.constant 0 : i32
    %c0_i32_0 = arith.constant 0 : i32
    %c0_i32_1 = arith.constant 0 : i32
    return %arg0, %c0_i32, %c0_i32_0 : i32, i32, i32
  }
  func.func @transform_5(%arg0: i32) -> (i32, i32, i32) {
    %c0_i32 = arith.constant 0 : i32
    %c0_i32_0 = arith.constant 0 : i32
    %c0_i32_1 = arith.constant 0 : i32
    return %arg0, %c0_i32, %c0_i32_0 : i32, i32, i32
  }
  func.func @transform_6(%arg0: i32) -> (i32, i32, i32) {
    %c0_i32 = arith.constant 0 : i32
    %c0_i32_0 = arith.constant 0 : i32
    %c0_i32_1 = arith.constant 0 : i32
    return %arg0, %c0_i32, %c0_i32_0 : i32, i32, i32
  }
  func.func @transform_7(%arg0: i32) -> (i32, i32, i32) {
    %c0_i32 = arith.constant 0 : i32
    %c0_i32_0 = arith.constant 0 : i32
    %c0_i32_1 = arith.constant 0 : i32
    return %arg0, %c0_i32, %c0_i32_0 : i32, i32, i32
  }
  func.func @transform_8(%arg0: i32) -> (i32, i32) {
    %c0_i32 = arith.constant 0 : i32
    %c0_i32_0 = arith.constant 0 : i32
    %c0_i32_1 = arith.constant 0 : i32
    return %c0_i32, %c0_i32_0 : i32, i32
  }
  func.func @transform_9(%arg0: i32) -> (i32, i32) {
    %c0_i32 = arith.constant 0 : i32
    %c0_i32_0 = arith.constant 0 : i32
    %c0_i32_1 = arith.constant 0 : i32
    return %c0_i32, %c0_i32_0 : i32, i32
  }
}

</mosaic_0001>

<sc_bundles>
// kernel: kernel.11.cloned.1.call-start
scs
__scs_entry_jumppad:
0x0: {  	(pc) =	sbr.rel $0x88, $3  }
0x1: {  	(tag) =	ssettag $0x0;
	lr =	simm.s32 $0x1  }
0x2: {  	[smem:$0x3F76] =	sst lr;
	_ =	strace $0xD0000000  }
0x3: {  	_ = 	snop  }
0x4: {  	_ = 	snop  }
0x5: {  	_ = 	snop  }
0x6: {  	_ = 	snop  }
0x7: {  	_ = 	snop  }
__scs_overlays_trampoline_lowered:
0x8: {  	[smem:$0x3F85] =	sst s0  }
0x9: {  	[smem:$0x3F86] =	sst s1  }
0xa: {  	[smem:$0x3F87] =	sst s2  }
0xb: {  	[smem:$0x3F88] =	sst s3  }
0xc: {  	[smem:$0x3F89] =	sst s4  }
0xd: {  	[smem:$0x3F8A] =	sst s5  }
0xe: {  	[smem:$0x3F8B] =	sst s6  }
0xf: {  	[smem:$0x3F8C] =	sst s7  }
0x10: {  	[smem:$0x3F8D] =	sst s8  }
0x11: {  	[smem:$0x3F8E] =	sst s9;
	s0 =	simm.s32 @!p0 $0x0  }
0x12: {  	s1 =	sld [smem:$0x3F74];
	s0 =	simm.s32 @p0 $0x1  }
0x13: {  	[smem:$0x3F8F] =	sst s0;
	s0 =	simm.s32 @!p1 $0x0  }
0x14: {  	s2 =	sld [smem:$0x3F73];
	s0 =	simm.s32 @p1 $0x1  }
0x15: {  	[smem:$0x3F90] =	sst s0;
	s0 =	simm.s32 @!p2 $0x0  }
0x16: {  	s3 =	sld [smem:$0x3FDB];
	s0 =	simm.s32 @p2 $0x1  }
0x17: {  	s4 =	simm.s32 $0x1BF5;
	[smem:$0x3F92] =	sst s0  }
0x18: {  	s0 =	sld [smem:$0x3F75];
	_ =	swait.ge [sflag:s4], $0x0  }
0x19: {  	s7 =	sld [smem:$0x3F76]  }
0x1a: {  	s8 =	sadd.s32 $0xFFFFE003, lr  }
0x1b: {  	s9 =	sadd.s32 $0xFFFFFEF7, lr;
	s5 =	simm.s32 $0xFFFFFFFF;
	p2 =	slt.u32 s8, $0xFFFFF086  }
0x1c: {  	p1 =	slt.u32 s9, $0xF7A;
	s5 =	simm.s32 @!p2 $0x0  }
0x1d: {  	s5 =	simm.s32 @p1 $0x1;
	p0 =	seq.s32 s7, s2  }
0x1e: {  	s7 =	smul.u32 @!p0 $0xF7A, s2;
	p2 =	seq.s32 @!p0 s5, $0x0  }
0x1f: {  	s9 =	smul.u32 $0xF7A, s1;
	s8 =	simm.s32 @!p0 $0x1BF5;
	p2 =	por !p2, p0  }
0x20: {  	[sflag:s8] =	ssyncset.s32 @!p0 $0xFFFFF086;
	s6 =	sadd.s32 @!p0 s3, s7;
	s7 =	simm.s32 @!p0 $0x108  }
0x21: {  	s3 =	sadd.s32 s3, s9;
	s6 =	sadd.s32 @!p0 $0x88, s6;
	s7 =	simm.s32 @p2 $0x1082  }
0x22: {  	[simem:s7], [sflag:s8] =	dma.local @!p0 [hbm:s6], $0xF7A  }
0x23: {  	s9 =	sor.u32 $0xD0000000, s2;
	s6 =	simm.s32 $0x108;
	_ =	swait.ge @!p0 [sflag:s8], $0x0  }
0x24: {  	s3 =	sadd.s32 $0x88, s3;
	s6 =	simm.s32 @!p1 $0x1082;
	[sflag:s4] =	ssyncset.s32 $0xFFFFF086  }
0x25: {  	[simem:s6], [sflag:s4] =	dma.local [hbm:s3], $0xF7A  }
0x26: {  	[smem:$0x3F76] =	sst s1;
	(tag) =	ssettag s2;
	_ =	strace s9  }
0x27: {  	s1 =	sld [smem:$0x3F86]  }
0x28: {  	s2 =	sld [smem:$0x3F87]  }
0x29: {  	s4 =	sld [smem:$0x3F89]  }
0x2a: {  	p0 =	seq.s32 s5, $0x0;
	s5 =	sld [smem:$0x3F8A]  }
0x2b: {  	s6 =	sld [smem:$0x3F8B]  }
0x2c: {  	s7 =	sld [smem:$0x3F8C]  }
0x2d: {  	s3 =	simm.s32 $0x108;
	s8 =	sld [smem:$0x3F8D]  }
0x2e: {  	s3 =	simm.s32 @!p0 $0x1082;
	s9 =	sld [smem:$0x3F8E]  }
0x2f: {  	lr =	sadd.s32 s0, s3;
	s0 =	sld [smem:$0x3F85]  }
0x30: {  	s3 =	sld [smem:$0x3F88]  }
0x31: {  	[smem:$0x3F91] =	sst s10  }
0x32: {  	s10 =	sld [smem:$0x3F8F];
	_ =	sdelay $0x3  }
0x33: {  	p0 =	seq.s32 s10, $0x1;
	s10 =	sld [smem:$0x3F91];
	_ =	sdelay $0x3  }
0x34: {  	[smem:$0x3F91] =	sst s10  }
0x35: {  	s10 =	sld [smem:$0x3F90];
	_ =	sdelay $0x3  }
0x36: {  	p1 =	seq.s32 s10, $0x1;
	s10 =	sld [smem:$0x3F91];
	_ =	sdelay $0x3  }
0x37: {  	[smem:$0x3F91] =	sst s10  }
0x38: {  	s10 =	sld [smem:$0x3F92]  }
0x39: {  	_ = 	snop;
	(pc) =	sbr.ind lr, $3  }
0x3a: {  	_ = 	snop  }
0x3b: {  	_ = 	snop  }
0x3c: {  	p2 =	seq.s32 s10, $0x1;
	s10 =	sld [smem:$0x3F91]  }
0x3d: {  	_ =	shalt  }
0x3e: {  	_ =	shalt  }
0x3f: {  	_ =	shalt  }
0x40: {  	_ =	shalt  }
0x41: {  	_ =	shalt  }
0x42: {  	_ =	shalt  }
0x43: {  	_ =	shalt  }
0x44: {  	_ =	shalt  }
0x45: {  	_ =	shalt  }
0x46: {  	_ =	shalt  }
0x47: {  	_ =	shalt  }
0x48: {  	_ =	shalt  }
0x49: {  	_ =	shalt  }
0x4a: {  	_ =	shalt  }
0x4b: {  	_ =	shalt  }
0x4c: {  	_ =	shalt  }
0x4d: {  	_ =	shalt  }
0x4e: {  	_ =	shalt  }
0x4f: {  	_ =	shalt  }
0x50: {  	_ =	shalt  }
0x51: {  	_ =	shalt  }
0x52: {  	_ =	shalt  }
0x53: {  	_ =	shalt  }
0x54: {  	_ =	shalt  }
0x55: {  	_ =	shalt  }
0x56: {  	_ =	shalt  }
0x57: {  	_ =	shalt  }
0x58: {  	_ =	shalt  }
0x59: {  	_ =	shalt  }
0x5a: {  	_ =	shalt  }
0x5b: {  	_ =	shalt  }
0x5c: {  	_ =	shalt  }
0x5d: {  	_ =	shalt  }
0x5e: {  	_ =	shalt  }
0x5f: {  	_ =	shalt  }
0x60: {  	_ =	shalt  }
0x61: {  	_ =	shalt  }
0x62: {  	_ =	shalt  }
0x63: {  	_ =	shalt  }
0x64: {  	_ =	shalt  }
0x65: {  	_ =	shalt  }
0x66: {  	_ =	shalt  }
0x67: {  	_ =	shalt  }
0x68: {  	_ =	shalt  }
0x69: {  	_ =	shalt  }
0x6a: {  	_ =	shalt  }
0x6b: {  	_ =	shalt  }
0x6c: {  	_ =	shalt  }
0x6d: {  	_ =	shalt  }
0x6e: {  	_ =	shalt  }
0x6f: {  	_ =	shalt  }
0x70: {  	_ =	shalt  }
0x71: {  	_ =	shalt  }
0x72: {  	_ =	shalt  }
0x73: {  	_ =	shalt  }
0x74: {  	_ =	shalt  }
0x75: {  	_ =	shalt  }
0x76: {  	_ =	shalt  }
0x77: {  	_ =	shalt  }
0x78: {  	_ =	shalt  }
0x79: {  	_ =	shalt  }
0x7a: {  	_ =	shalt  }
0x7b: {  	_ =	shalt  }
0x7c: {  	_ =	shalt  }
0x7d: {  	_ =	shalt  }
0x7e: {  	_ =	shalt  }
0x7f: {  	_ =	shalt  }
0x80: {  	_ =	shalt  }
0x81: {  	_ =	shalt  }
0x82: {  	_ =	shalt  }
0x83: {  	_ =	shalt  }
0x84: {  	_ =	shalt  }
0x85: {  	_ =	shalt  }
0x86: {  	_ =	shalt  }
0x87: {  	_ =	shalt  }
.Lfunc_end0:
.L_simem_size_0:
called_computation.3_lowered:
.L_overlay_start_0:
0x88: {  	s2 =	sld [smem:$0x3FD9]  }
0x89: {  	s3 =	sld [smem:$0x3FFE];
	_ =	sdelay $0x1  }
0x8a: {  	s1 =	srdreg.scid  }
0x8b: {  	s0 =	sand.u32 $0x1, s1  }
0x8c: {  	s17 =	sshll.u32 s0, $0xA;
	s2 =	sadd.s32 s3, s2  }
0x8d: {  	s2 =	sadd.s32 s2, s17  }
0x8e: {  	[smem:$0x3F9D] =	sst s2  }
0x8f: {  	_ = 	snop  }
0x90: {  	s2 =	sld [smem:$0x3FD0];
	(tm) =	ssettm $0x1  }
0x91: {  	s18 =	sld [smem:$0x3FFB];
	_ =	sdelay $0x3  }
0x92: {  	_ =	strace s18  }
0x93: {  	s3 =	sld [smem:$0x3FFC];
	_ =	sdelay $0x3  }
0x94: {  	_ =	strace s3  }
0x95: {  	s3 =	sld [smem:$0x3FFD];
	_ =	sdelay $0x3  }
0x96: {  	_ =	strace s3  }
0x97: {  	_ =	strace $0x8FFFFFFF  }
0x98: {  	s19 =	sld [smem:$0x3FDB];
	_ =	sdelay $0x1  }
0x99: {  	s4 =	simm.s32 $_scs_section_size  }
0x9a: {  	s5 =	simm.s32 $_size__tile_overlayer_lowered;
	s6 =	simm.s32 $_tile_overlayer_lowered  }
0x9b: {  	s22 =	simm.s32 $0x1BFF;
	s21 =	sshll.u32 s6, $0x1;
	s3 =	sadd.s32 s4, s19  }
0x9c: {  	s7 =	simm.s32 $0x0;
	s20 =	sshll.u32 s5, $0x1;
	s5 =	sadd.s32 s21, s3  }
0x9d: {  	[timem:s7], [sflag:s22] =	dma.local [hbm:s5], s20  }
0x9e: {  	_ =	swait.ge [sflag:s22], s20  }
0x9f: {  	s4 =	ssub.s32 $0x0, s20;
	[sflag:s22] =	ssyncset.done $0x0  }
0xa0: {  	[sflag:s22] =	ssyncadd.s32 s4;
	_ =	sdelay $0x1  }
0xa1: {  	s23 =	simm.s32 $0x1B8B  }
0xa2: {  	_ =	swait.ge [sflag:s23], $0x1  }
0xa3: {  	[sflag:s23] =	ssyncset.done $0x0  }
0xa4: {  	s25 =	simm.s32 $0x1B8E;
	s24 =	sld [smem:$0x3FFE];
	[sflag:s23] =	ssyncadd.s32 $0xFFFFFFFF  }
0xa5: {  	s26 =	simm.s32 $execute0_lowered;
	[smem:$0x3FD2] =	sst s25  }
0xa6: {  	s5 =	sshll.u32 s26, $0x1;
	_ =	strace $0x8000004F;
	[dreg:$0x1] =	wrdreg $0xFFFFFFFF  }
0xa7: {  	s28 =	simm.s32 $_size_execute0_lowered;
	s3 =	sadd.s32 s3, s5;
	[dreg:$0x0] =	wrdreg $0x0  }
0xa8: {  	s5 =	sshll.u32 s28, $0x1;
	[dreg:$0x2] =	wrdreg s3  }
0xa9: {  	[dreg:$0x3] =	wrdreg s5  }
0xaa: {  	[dreg:$0x4] =	wrdreg $0xC0  }
0xab: {  	_ =	task [dreg:s7], $0x5FFFF  }
0xac: {  	[dreg:$0x1] =	wrdreg $0xFFFFFFFF  }
0xad: {  	[dreg:$0x0] =	wrdreg $0x60  }
0xae: {  	[dreg:$0x2] =	wrdreg s24  }
0xaf: {  	[dreg:$0x3] =	wrdreg s2  }
0xb0: {  	[dreg:$0x4] =	wrdreg $0x9  }
0xb1: {  	_ =	task.clear_ibuf [dreg:s7], $0x5FFFF;
	_ =	strace $0x9000004F  }
0xb2: {  	s29 =	simm.s32 $0x9;
	_ =	strace $0x80000051  }
0xb3: {  	_ =	swait.ge [sflag:s29], $0x1  }
0xb4: {  	[sflag:s29] =	ssyncadd.s32 $0xFFFFFFFF  }
0xb5: {  	_ =	strace $0x90000051  }
0xb6: {  	_ =	sfence  }
0xb7: {  	s30 =	sld [smem:$0x0];
	_ =	sdelay $0x2  }
0xb8: {  	s31 =	sshll.u32 s1, $0xD;
	s1 =	sshrl.u32 s1, $0x2  }
0xb9: {  	s3 =	sand.u32 $0x4000, s31;
	s1 =	sadd.s32 s1, s30  }
0xba: {  	s0 =	sor.u32 s3, s0;
	s1 =	sshll.u32 s1, $0x11  }
0xbb: {  	s0 =	sor.u32 s1, s0  }
0xbc: {  	s0 =	sadd.s32 $0x8F2B, s0  }
0xbd: {  	[sflag:s0] =	ssyncadd.remote.s32 $0x1  }
0xbe: {  	_ =	sfence.sel $0xFFFF  }
0xbf: {  	[dreg:$0x0] =	wrdreg $0xFFFFFFFF;
	(pc) =	sbr.abs _section_cstart, $3  }
0xc0: {  	[dreg:$0x1] =	wrdreg $0xFFFFFFFF  }
0xc1: {  	_ =	task.clear_ibuf [dreg:s7], $0x2FFFF;
	_ =	strace $0x9FFFFFFF  }
0xc2: {  	(tm) =	ssettm $0x7FFFFFFF  }
0xc3: {  	_ =	shalt  }
tec
execute0_lowered:
.L_overlay_start_1:
0x0: {  	(tag) =	ssettag $0x1  }
0x1: {  	s5 =	rddreg [dreg:$0x0]  }
0x2: {  	s6 =	rddreg [dreg:$0x1]  }
0x3: {  	s0 =	rddreg [dreg:$0x2];
	s1 =	simm.s32 $0x0  }
0x4: {  	s4 =	srdreg.scid;
	s2 =	stileid.u32;
	s13 =	simm.s32 $0x400  }
0x5: {  	s14 =	simm.s32 $0xA400;
	s15 =	simm.s32 $0x0;
	[smem:$0x7FF] =	sst s1  }
0x6: {  	s3 =	sadd.s32 $0xA200, s5;
	s7 =	sand.u32 $0x1, s4;
	s4 =	sadd.s32 $0x8200, s5  }
0x7: {  	s8 =	sshll.u32 s2, $0x11;
	s10 =	sshll.u32 s2, $0xC;
	_ =	strace $0x80000050  }
0x8: {  	s9 =	ssub.s32 $0x2, s7;
	s8 =	sadd.s32 s8, s5;
	s12 =	sadd.s32 s10, s5  }
0x9: {  	s30 =	sshll.u32 s7, $0x10;
	s5 =	sadd.s32 s6, s10;
	s6 =	sshll.u32 s7, $0xF  }
0xa: {  	s10 =	simm.s32 $0x2400;
	s11 =	sshrl.u32 s9, $0x1;
	s31 =	sadd.s32 s30, s12  }
0xb: {  	s7 =	sadd.s32 $0xC200, s8;
	s12 =	simm.s32 $0x200;
	s9 =	ssub.s32 s9, s11  }
0xc: {  	v0 =	vimm.f32 $0.0e+00;
	s8 =	sadd.s32 $0x20C200, s31;
	s11 =	simm.s32 $0x1;
	s9 =	smax.u32 s9, $0x1  }
.LBB2_1:
0xd: {  	[tilespmem:s10], [sflag:$0x1] =	stream.linear.gather [hbm4b:s5+s1], $0x8000, $0x38;
	[tilespmem:$0x12400] =	vst v63  }
0xe: {  	_ =	swait.ge [sflag:s11], $0x8000  }
0xf: {  	[sflag:s11] =	ssyncset.done $0x0  }
0x10: {  	s16 =	simm.s32 $0x40;
	s17 =	simm.s32 $0x0;
	[sflag:s11] =	ssyncadd.s32 $0xFFFF8000  }
.LBB2_2:
0x11: {  	p0 =	sne.s32 s16, $0x1FFC0;
	[tilespmem:s17+$0xA400] =	vst v0;
	s17 =	smov.u32 s16;
	s16 =	sadd.s32 $0x40, s16  }
.Ltmp0:
0x12: {  	(pc) =	sbr.rel @p0 .LBB2_2-.Ltmp0, $2  }
0x13: {  	_ =	sdelay $0x2  }
0x14: {  	s17 =	sshra.s32 s17, $0x2  }
0x15: {  	[tilespmem:s17+$0xA400] =	vst v0;
	s16 =	simm.s32 $0x0;
	s17 =	simm.s32 $0x0  }
.LBB2_4:
0x16: {  	s18 =	sshll.u32 s17, $0x9  }
0x17: {  	s18 =	sadd.s32 s6, s18  }
0x18: {  	s19 =	sshrl.u32 s18, $0x3  }
0x19: {  	s20 =	sadd.s32 s3, s19  }
0x1a: {  	[tilespmem:s16], [sflag:$0x1] =	stream.linear.gather [hbm4b:s20+s16], $0x200, $0x38;
	[tilespmem:$0x12400] =	vst v63  }
0x1b: {  	_ =	swait.ge [sflag:s11], $0x200  }
0x1c: {  	[sflag:s11] =	ssyncset.done $0x0  }
0x1d: {  	s19 =	sadd.s32 s4, s19;
	[sflag:s11] =	ssyncadd.s32 $0xFFFFFE00  }
0x1e: {  	[tilespmem:s12], [sflag:$0x1] =	stream.linear.gather [hbm4b:s19+s16], $0x200, $0x38;
	[tilespmem:$0x12400] =	vst v63  }
0x1f: {  	_ =	swait.ge [sflag:s11], $0x200  }
0x20: {  	s18 =	sshll.u32 s18, $0x1;
	[sflag:s11] =	ssyncset.done $0x0  }
0x21: {  	s18 =	sadd.s32 s18, s7;
	[sflag:s11] =	ssyncadd.s32 $0xFFFFFE00  }
0x22: {  	[tilespmem:s13], [sflag:$0x1] =	stream.linear.gather [hbm4b:s18+s16], $0x2000, $0x38;
	[tilespmem:$0x12400] =	vst v63  }
0x23: {  	_ =	swait.ge [sflag:s11], $0x2000  }
0x24: {  	[sflag:s11] =	ssyncset.done $0x0  }
0x25: {  	s23 =	simm.s32 $0x0;
	[sflag:s11] =	ssyncadd.s32 $0xFFFFE000  }
0x26: {  	v1 =	vld [tilespmem:s23+$0x0];
	_ =	sdelay $0x1  }
0x27: {  	v2 =	vld [tilespmem:s23+$0x200];
	_ =	sdelay $0x2  }
0x28: {  	v1 =	vshll.u32 v1, $0x6  }
0x29: {  	v1 =	vshra.s32 v1, $0x2  }
0x2a: {  	v2 =	vshll.u32 v2, $0x6;
	v1 =	vadd.s32 $0x2400, v1  }
0x2b: {  	v2 =	vshra.s32 v2, $0x2;
	(v2sf) =	vpush v1, $0x0  }
0x2c: {  	v2 =	vadd.s32 $0xA400, v2  }
0x2d: {  	(v2sf) =	vpush v2, $0x0;
	_ =	sdelay $0x7  }
0x2e: {  	(v2sf) =	vpush v1, $0x1;
	_ =	sdelay $0x2  }
0x2f: {  	(v2sf) =	vpush v2, $0x1  }
0x30: {  	s18 =	simm.s32 $0x480  }
0x31: {  	v3 =	vld [tilespmem:s18+$0xFFFFFF80];
	s24 =	spop (v2sf)  }
0x32: {  	v4 =	vld [tilespmem:s24+$0x0]  }
0x33: {  	s25 =	spop (v2sf)  }
0x34: {  	v5 =	vld [tilespmem:s25+$0x0];
	_ =	sdelay $0x2  }
0x35: {  	(v2sf) =	vpush v1, $0x2;
	v3 =	vmul.f32 v3, v4;
	_ =	sdelay $0x1  }
0x36: {  	v3 =	vadd.f32 v3, v5  }
0x37: {  	(v2sf) =	vpush v2, $0x2  }
0x38: {  	s26 =	spop (v2sf);
	[tilespmem:s25+$0x0] =	vst v3  }
0x39: {  	v3 =	vld [tilespmem:s26+$0x0]  }
0x3a: {  	v4 =	vld [tilespmem:s18+$0xFFFFFF90]  }
0x3b: {  	s28 =	spop (v2sf)  }
0x3c: {  	v5 =	vld [tilespmem:s28+$0x0];
	_ =	sdelay $0x2  }
0x3d: {  	(v2sf) =	vpush v1, $0x3;
	v3 =	vmul.f32 v4, v3;
	_ =	sdelay $0x1  }
0x3e: {  	v3 =	vadd.f32 v3, v5  }
0x3f: {  	(v2sf) =	vpush v2, $0x3  }
0x40: {  	s29 =	spop (v2sf);
	[tilespmem:s28+$0x0] =	vst v3  }
0x41: {  	v3 =	vld [tilespmem:s29+$0x0]  }
0x42: {  	v4 =	vld [tilespmem:s18+$0xFFFFFFA0]  }
0x43: {  	s30 =	spop (v2sf)  }
0x44: {  	v5 =	vld [tilespmem:s30+$0x0];
	_ =	sdelay $0x2  }
0x45: {  	(v2sf) =	vpush v1, $0x4;
	v3 =	vmul.f32 v4, v3;
	_ =	sdelay $0x1  }
0x46: {  	v3 =	vadd.f32 v3, v5  }
0x47: {  	(v2sf) =	vpush v2, $0x4  }
0x48: {  	s31 =	spop (v2sf);
	[tilespmem:s30+$0x0] =	vst v3  }
0x49: {  	v3 =	vld [tilespmem:s31+$0x0]  }
0x4a: {  	v4 =	vld [tilespmem:s18+$0xFFFFFFB0]  }
0x4b: {  	s20 =	spop (v2sf)  }
0x4c: {  	v5 =	vld [tilespmem:s20+$0x0];
	_ =	sdelay $0x2  }
0x4d: {  	(v2sf) =	vpush v1, $0x5;
	v3 =	vmul.f32 v4, v3;
	_ =	sdelay $0x1  }
0x4e: {  	v3 =	vadd.f32 v3, v5  }
0x4f: {  	(v2sf) =	vpush v2, $0x5  }
0x50: {  	s21 =	spop (v2sf);
	[tilespmem:s20+$0x0] =	vst v3  }
0x51: {  	v3 =	vld [tilespmem:s21+$0x0]  }
0x52: {  	v4 =	vld [tilespmem:s18+$0xFFFFFFC0]  }
0x53: {  	s22 =	spop (v2sf)  }
0x54: {  	v5 =	vld [tilespmem:s22+$0x0];
	_ =	sdelay $0x2  }
0x55: {  	(v2sf) =	vpush v1, $0x6;
	v3 =	vmul.f32 v4, v3;
	_ =	sdelay $0x1  }
0x56: {  	v3 =	vadd.f32 v3, v5  }
0x57: {  	(v2sf) =	vpush v2, $0x6  }
0x58: {  	s23 =	spop (v2sf);
	[tilespmem:s22+$0x0] =	vst v3  }
0x59: {  	v3 =	vld [tilespmem:s23+$0x0]  }
0x5a: {  	v4 =	vld [tilespmem:s18+$0xFFFFFFD0]  }
0x5b: {  	s24 =	spop (v2sf)  }
0x5c: {  	v5 =	vld [tilespmem:s24+$0x0];
	_ =	sdelay $0x2  }
0x5d: {  	(v2sf) =	vpush v1, $0x7;
	v3 =	vmul.f32 v4, v3;
	_ =	sdelay $0x1  }
0x5e: {  	v3 =	vadd.f32 v3, v5  }
0x5f: {  	(v2sf) =	vpush v2, $0x7  }
0x60: {  	s25 =	spop (v2sf);
	[tilespmem:s24+$0x0] =	vst v3  }
0x61: {  	v3 =	vld [tilespmem:s25+$0x0]  }
0x62: {  	v4 =	vld [tilespmem:s18+$0xFFFFFFE0]  }
0x63: {  	s26 =	spop (v2sf)  }
0x64: {  	v5 =	vld [tilespmem:s26+$0x0];
	_ =	sdelay $0x2  }
0x65: {  	(v2sf) =	vpush v1, $0x8;
	v3 =	vmul.f32 v4, v3;
	_ =	sdelay $0x1  }
0x66: {  	v3 =	vadd.f32 v3, v5  }
0x67: {  	(v2sf) =	vpush v2, $0x8  }
0x68: {  	s28 =	spop (v2sf);
	[tilespmem:s26+$0x0] =	vst v3  }
0x69: {  	v3 =	vld [tilespmem:s28+$0x0]  }
0x6a: {  	v4 =	vld [tilespmem:s18+$0xFFFFFFF0]  }
0x6b: {  	s29 =	spop (v2sf)  }
0x6c: {  	v5 =	vld [tilespmem:s29+$0x0];
	_ =	sdelay $0x2  }
0x6d: {  	(v2sf) =	vpush v1, $0x9;
	v3 =	vmul.f32 v4, v3;
	_ =	sdelay $0x1  }
0x6e: {  	v3 =	vadd.f32 v3, v5  }
0x6f: {  	(v2sf) =	vpush v2, $0x9  }
0x70: {  	s30 =	spop (v2sf);
	[tilespmem:s29+$0x0] =	vst v3  }
0x71: {  	v3 =	vld [tilespmem:s30+$0x0]  }
0x72: {  	v4 =	vld [tilespmem:s18+$0x0]  }
0x73: {  	s31 =	spop (v2sf)  }
0x74: {  	v5 =	vld [tilespmem:s31+$0x0];
	_ =	sdelay $0x2  }
0x75: {  	(v2sf) =	vpush v1, $0xA;
	v3 =	vmul.f32 v4, v3;
	_ =	sdelay $0x1  }
0x76: {  	v3 =	vadd.f32 v3, v5  }
0x77: {  	(v2sf) =	vpush v2, $0xA  }
0x78: {  	s20 =	spop (v2sf);
	[tilespmem:s31+$0x0] =	vst v3  }
0x79: {  	v3 =	vld [tilespmem:s20+$0x0]  }
0x7a: {  	v4 =	vld [tilespmem:s18+$0x10]  }
0x7b: {  	s21 =	spop (v2sf)  }
0x7c: {  	v5 =	vld [tilespmem:s21+$0x0];
	_ =	sdelay $0x2  }
0x7d: {  	(v2sf) =	vpush v1, $0xB;
	v3 =	vmul.f32 v4, v3;
	_ =	sdelay $0x1  }
0x7e: {  	v3 =	vadd.f32 v3, v5  }
0x7f: {  	(v2sf) =	vpush v2, $0xB  }
0x80: {  	s22 =	spop (v2sf);
	[tilespmem:s21+$0x0] =	vst v3  }
0x81: {  	v3 =	vld [tilespmem:s22+$0x0]  }
0x82: {  	v4 =	vld [tilespmem:s18+$0x20]  }
0x83: {  	s23 =	spop (v2sf)  }
0x84: {  	v5 =	vld [tilespmem:s23+$0x0];
	_ =	sdelay $0x2  }
0x85: {  	(v2sf) =	vpush v1, $0xC;
	v3 =	vmul.f32 v4, v3;
	_ =	sdelay $0x1  }
0x86: {  	v3 =	vadd.f32 v3, v5  }
0x87: {  	(v2sf) =	vpush v2, $0xC  }
0x88: {  	s24 =	spop (v2sf);
	[tilespmem:s23+$0x0] =	vst v3  }
0x89: {  	v3 =	vld [tilespmem:s24+$0x0]  }
0x8a: {  	v4 =	vld [tilespmem:s18+$0x30]  }
0x8b: {  	s25 =	spop (v2sf)  }
0x8c: {  	v5 =	vld [tilespmem:s25+$0x0];
	_ =	sdelay $0x2  }
0x8d: {  	v3 =	vmul.f32 v4, v3  }
0x8e: {  	(v2sf) =	vpush v1, $0xD  }
0x8f: {  	v3 =	vadd.f32 v3, v5  }
0x90: {  	(v2sf) =	vpush v2, $0xD  }
0x91: {  	s26 =	spop (v2sf);
	[tilespmem:s25+$0x0] =	vst v3  }
0x92: {  	v3 =	vld [tilespmem:s26+$0x0]  }
0x93: {  	v4 =	vld [tilespmem:s18+$0x40]  }
0x94: {  	s28 =	spop (v2sf)  }
0x95: {  	(v2sf) =	vpush v1, $0xE;
	v5 =	vld [tilespmem:s28+$0x0];
	_ =	sdelay $0x1  }
0x96: {  	(v2sf) =	vpush v2, $0xE  }
0x97: {  	v3 =	vmul.f32 v4, v3;
	_ =	sdelay $0x1  }
0x98: {  	v3 =	vadd.f32 v3, v5;
	_ =	sdelay $0x1  }
0x99: {  	[tilespmem:s28+$0x0] =	vst v3  }
0x9a: {  	s29 =	spop (v2sf);
	v3 =	vld [tilespmem:s18+$0x50]  }
0x9b: {  	v4 =	vld [tilespmem:s29+$0x0]  }
0x9c: {  	s30 =	spop (v2sf)  }
0x9d: {  	v5 =	vld [tilespmem:s30+$0x0];
	_ =	sdelay $0x2  }
0x9e: {  	v3 =	vmul.f32 v3, v4  }
0x9f: {  	s31 =	spop (v2sf);
	(v2sf) =	vpush v1, $0xF  }
0xa0: {  	v3 =	vadd.f32 v3, v5  }
0xa1: {  	s21 =	spop (v2sf);
	(v2sf) =	vpush v2, $0xF  }
0xa2: {  	[tilespmem:s30+$0x0] =	vst v3  }
0xa3: {  	v3 =	vld [tilespmem:s31+$0x0]  }
0xa4: {  	v1 =	vld [tilespmem:s18+$0x60]  }
0xa5: {  	s19 =	simm.s32 $0x480;
	s20 =	simm.s32 $0x40;
	v2 =	vld [tilespmem:s21+$0x0]  }
.LBB2_5:
0xa6: {  	p0 =	sne.s32 s20, $0x7C0  }
0xa7: {  	s18 =	sadd.s32 $0x100, s18;
	s22 =	smov.u32 s20;
	s20 =	sadd.s32 $0x40, s20  }
0xa8: {  	_ =	sdelay $0x1  }
0xa9: {  	v1 =	vmul.f32 v1, v3;
	_ =	sdelay $0x1  }
0xaa: {  	v1 =	vadd.f32 v1, v2;
	_ =	sdelay $0x1  }
0xab: {  	[tilespmem:s21+$0x0] =	vst v1;
	s21 =	spop (v2sf)  }
0xac: {  	v1 =	vld [tilespmem:s21+$0x0]  }
0xad: {  	v2 =	vld [tilespmem:s19+$0x70];
	s21 =	spop (v2sf);
	s19 =	smov.u32 s18  }
0xae: {  	v3 =	vld [tilespmem:s21+$0x0];
	_ =	sdelay $0x3  }
0xaf: {  	v1 =	vmul.f32 v2, v1  }
0xb0: {  	s22 =	sshra.s32 s22, $0x2  }
0xb1: {  	v1 =	vadd.f32 v1, v3;
	_ =	sdelay $0x1  }
0xb2: {  	[tilespmem:s21+$0x0] =	vst v1  }
0xb3: {  	v1 =	vld [tilespmem:s22+$0x0];
	_ =	sdelay $0x1  }
0xb4: {  	v2 =	vld [tilespmem:s22+$0x200];
	_ =	sdelay $0x2  }
0xb5: {  	v1 =	vshll.u32 v1, $0x6  }
0xb6: {  	v1 =	vshra.s32 v1, $0x2  }
0xb7: {  	v1 =	vadd.s32 $0x2400, v1;
	v2 =	vshll.u32 v2, $0x6  }
0xb8: {  	v2 =	vshra.s32 v2, $0x2;
	(v2sf) =	vpush v1, $0x0  }
0xb9: {  	v2 =	vadd.s32 $0xA400, v2  }
0xba: {  	(v2sf) =	vpush v2, $0x0;
	_ =	sdelay $0x6  }
0xbb: {  	(v2sf) =	vpush v1, $0x1  }
0xbc: {  	(v2sf) =	vpush v2, $0x1;
	_ =	sdelay $0x4  }
0xbd: {  	v3 =	vld [tilespmem:s18+$0xFFFFFF80];
	s21 =	spop (v2sf)  }
0xbe: {  	v4 =	vld [tilespmem:s21+$0x0]  }
0xbf: {  	s21 =	spop (v2sf)  }
0xc0: {  	v5 =	vld [tilespmem:s21+$0x0];
	_ =	sdelay $0x2  }
0xc1: {  	v3 =	vmul.f32 v3, v4;
	(v2sf) =	vpush v1, $0x2;
	_ =	sdelay $0x1  }
0xc2: {  	v3 =	vadd.f32 v3, v5  }
0xc3: {  	s22 =	spop (v2sf);
	(v2sf) =	vpush v2, $0x2  }
0xc4: {  	[tilespmem:s21+$0x0] =	vst v3;
	s21 =	spop (v2sf)  }
0xc5: {  	v3 =	vld [tilespmem:s22+$0x0]  }
0xc6: {  	v4 =	vld [tilespmem:s18+$0xFFFFFF90];
	_ =	sdelay $0x1  }
0xc7: {  	v5 =	vld [tilespmem:s21+$0x0];
	_ =	sdelay $0x2  }
0xc8: {  	v3 =	vmul.f32 v4, v3;
	(v2sf) =	vpush v1, $0x3;
	_ =	sdelay $0x1  }
0xc9: {  	v3 =	vadd.f32 v3, v5  }
0xca: {  	(v2sf) =	vpush v2, $0x3  }
0xcb: {  	[tilespmem:s21+$0x0] =	vst v3;
	s21 =	spop (v2sf)  }
0xcc: {  	v3 =	vld [tilespmem:s21+$0x0]  }
0xcd: {  	v4 =	vld [tilespmem:s18+$0xFFFFFFA0]  }
0xce: {  	s21 =	spop (v2sf)  }
0xcf: {  	v5 =	vld [tilespmem:s21+$0x0];
	_ =	sdelay $0x2  }
0xd0: {  	v3 =	vmul.f32 v4, v3;
	(v2sf) =	vpush v1, $0x4;
	_ =	sdelay $0x1  }
0xd1: {  	v3 =	vadd.f32 v3, v5  }
0xd2: {  	(v2sf) =	vpush v2, $0x4  }
0xd3: {  	[tilespmem:s21+$0x0] =	vst v3;
	s21 =	spop (v2sf)  }
0xd4: {  	v3 =	vld [tilespmem:s21+$0x0]  }
0xd5: {  	v4 =	vld [tilespmem:s18+$0xFFFFFFB0]  }
0xd6: {  	s21 =	spop (v2sf)  }
0xd7: {  	v5 =	vld [tilespmem:s21+$0x0];
	_ =	sdelay $0x2  }
0xd8: {  	v3 =	vmul.f32 v4, v3;
	(v2sf) =	vpush v1, $0x5;
	_ =	sdelay $0x1  }
0xd9: {  	v3 =	vadd.f32 v3, v5;
	(v2sf) =	vpush v2, $0x5;
	_ =	sdelay $0x1  }
0xda: {  	[tilespmem:s21+$0x0] =	vst v3;
	s21 =	spop (v2sf)  }
0xdb: {  	v3 =	vld [tilespmem:s21+$0x0]  }
0xdc: {  	v4 =	vld [tilespmem:s18+$0xFFFFFFC0]  }
0xdd: {  	s21 =	spop (v2sf)  }
0xde: {  	v5 =	vld [tilespmem:s21+$0x0];
	_ =	sdelay $0x2  }
0xdf: {  	v3 =	vmul.f32 v4, v3;
	(v2sf) =	vpush v1, $0x6;
	_ =	sdelay $0x1  }
0xe0: {  	v3 =	vadd.f32 v3, v5  }
0xe1: {  	(v2sf) =	vpush v2, $0x6  }
0xe2: {  	[tilespmem:s21+$0x0] =	vst v3;
	s21 =	spop (v2sf)  }
0xe3: {  	v3 =	vld [tilespmem:s21+$0x0]  }
0xe4: {  	v4 =	vld [tilespmem:s18+$0xFFFFFFD0];
	s21 =	spop (v2sf)  }
0xe5: {  	v5 =	vld [tilespmem:s21+$0x0];
	_ =	sdelay $0x3  }
0xe6: {  	v3 =	vmul.f32 v4, v3;
	(v2sf) =	vpush v1, $0x7;
	_ =	sdelay $0x1  }
0xe7: {  	v3 =	vadd.f32 v3, v5  }
0xe8: {  	(v2sf) =	vpush v2, $0x7  }
0xe9: {  	[tilespmem:s21+$0x0] =	vst v3;
	s21 =	spop (v2sf)  }
0xea: {  	v3 =	vld [tilespmem:s21+$0x0]  }
0xeb: {  	v4 =	vld [tilespmem:s18+$0xFFFFFFE0]  }
0xec: {  	s21 =	spop (v2sf)  }
0xed: {  	v5 =	vld [tilespmem:s21+$0x0];
	_ =	sdelay $0x2  }
0xee: {  	v3 =	vmul.f32 v4, v3;
	(v2sf) =	vpush v1, $0x8;
	_ =	sdelay $0x1  }
0xef: {  	v3 =	vadd.f32 v3, v5  }
0xf0: {  	(v2sf) =	vpush v2, $0x8  }
0xf1: {  	[tilespmem:s21+$0x0] =	vst v3;
	s21 =	spop (v2sf)  }
0xf2: {  	v3 =	vld [tilespmem:s21+$0x0]  }
0xf3: {  	v4 =	vld [tilespmem:s18+$0xFFFFFFF0]  }
0xf4: {  	s21 =	spop (v2sf)  }
0xf5: {  	v5 =	vld [tilespmem:s21+$0x0];
	_ =	sdelay $0x2  }
0xf6: {  	v3 =	vmul.f32 v4, v3;
	(v2sf) =	vpush v1, $0x9;
	_ =	sdelay $0x1  }
0xf7: {  	v3 =	vadd.f32 v3, v5;
	(v2sf) =	vpush v2, $0x9;
	_ =	sdelay $0x1  }
0xf8: {  	[tilespmem:s21+$0x0] =	vst v3;
	s21 =	spop (v2sf)  }
0xf9: {  	v3 =	vld [tilespmem:s21+$0x0]  }
0xfa: {  	v4 =	vld [tilespmem:s18+$0x0]  }
0xfb: {  	s21 =	spop (v2sf)  }
0xfc: {  	v5 =	vld [tilespmem:s21+$0x0];
	_ =	sdelay $0x2  }
0xfd: {  	v3 =	vmul.f32 v4, v3;
	(v2sf) =	vpush v1, $0xA;
	_ =	sdelay $0x1  }
0xfe: {  	v3 =	vadd.f32 v3, v5;
	(v2sf) =	vpush v2, $0xA;
	_ =	sdelay $0x1  }
0xff: {  	[tilespmem:s21+$0x0] =	vst v3;
	s21 =	spop (v2sf)  }
0x100: {  	v3 =	vld [tilespmem:s21+$0x0]  }
0x101: {  	v4 =	vld [tilespmem:s18+$0x10];
	s21 =	spop (v2sf)  }
0x102: {  	v5 =	vld [tilespmem:s21+$0x0];
	_ =	sdelay $0x3  }
0x103: {  	v3 =	vmul.f32 v4, v3;
	(v2sf) =	vpush v1, $0xB;
	_ =	sdelay $0x1  }
0x104: {  	v3 =	vadd.f32 v3, v5;
	(v2sf) =	vpush v2, $0xB;
	_ =	sdelay $0x1  }
0x105: {  	[tilespmem:s21+$0x0] =	vst v3;
	s21 =	spop (v2sf)  }
0x106: {  	v3 =	vld [tilespmem:s21+$0x0]  }
0x107: {  	v4 =	vld [tilespmem:s18+$0x20];
	s21 =	spop (v2sf)  }
0x108: {  	v5 =	vld [tilespmem:s21+$0x0];
	_ =	sdelay $0x3  }
0x109: {  	v3 =	vmul.f32 v4, v3;
	(v2sf) =	vpush v1, $0xC;
	_ =	sdelay $0x1  }
0x10a: {  	v3 =	vadd.f32 v3, v5;
	(v2sf) =	vpush v2, $0xC;
	_ =	sdelay $0x1  }
0x10b: {  	[tilespmem:s21+$0x0] =	vst v3;
	s21 =	spop (v2sf)  }
0x10c: {  	v3 =	vld [tilespmem:s21+$0x0]  }
0x10d: {  	v4 =	vld [tilespmem:s18+$0x30];
	s21 =	spop (v2sf)  }
0x10e: {  	v5 =	vld [tilespmem:s21+$0x0];
	_ =	sdelay $0x3  }
0x10f: {  	v3 =	vmul.f32 v4, v3  }
0x110: {  	(v2sf) =	vpush v1, $0xD  }
0x111: {  	v3 =	vadd.f32 v3, v5;
	(v2sf) =	vpush v2, $0xD;
	_ =	sdelay $0x1  }
0x112: {  	[tilespmem:s21+$0x0] =	vst v3;
	s21 =	spop (v2sf)  }
0x113: {  	v3 =	vld [tilespmem:s21+$0x0]  }
0x114: {  	v4 =	vld [tilespmem:s18+$0x40];
	s21 =	spop (v2sf)  }
0x115: {  	v5 =	vld [tilespmem:s21+$0x0];
	_ =	sdelay $0x3  }
0x116: {  	v3 =	vmul.f32 v4, v3;
	(v2sf) =	vpush v1, $0xE;
	_ =	sdelay $0x1  }
0x117: {  	v3 =	vadd.f32 v3, v5;
	(v2sf) =	vpush v2, $0xE;
	_ =	sdelay $0x1  }
0x118: {  	[tilespmem:s21+$0x0] =	vst v3  }
0x119: {  	v3 =	vld [tilespmem:s18+$0x50];
	s21 =	spop (v2sf)  }
0x11a: {  	v4 =	vld [tilespmem:s21+$0x0];
	s21 =	spop (v2sf)  }
0x11b: {  	v5 =	vld [tilespmem:s21+$0x0];
	_ =	sdelay $0x3  }
0x11c: {  	v3 =	vmul.f32 v3, v4;
	(v2sf) =	vpush v1, $0xF;
	_ =	sdelay $0x1  }
0x11d: {  	v1 =	vadd.f32 v3, v5;
	(v2sf) =	vpush v2, $0xF  }
.Ltmp1:
0x11e: {  	(pc) =	sbr.rel @p0 .LBB2_5-.Ltmp1, $4  }
0x11f: {  	[tilespmem:s21+$0x0] =	vst v1;
	s21 =	spop (v2sf)  }
0x120: {  	v3 =	vld [tilespmem:s21+$0x0]  }
0x121: {  	v1 =	vld [tilespmem:s18+$0x60];
	s21 =	spop (v2sf)  }
0x122: {  	v2 =	vld [tilespmem:s21+$0x0]  }
0x123: {  	_ =	sdelay $0x2  }
0x124: {  	v1 =	vmul.f32 v1, v3;
	_ =	sdelay $0x1  }
0x125: {  	v1 =	vadd.f32 v1, v2;
	_ =	sdelay $0x1  }
0x126: {  	[tilespmem:s21+$0x0] =	vst v1;
	s18 =	spop (v2sf)  }
0x127: {  	v1 =	vld [tilespmem:s18+$0x0]  }
0x128: {  	v2 =	vld [tilespmem:s19+$0x70]  }
0x129: {  	s31 =	spop (v2sf)  }
0x12a: {  	v3 =	vld [tilespmem:s31+$0x0]  }
0x12b: {  	s17 =	sadd.s32 $0x1, s17  }
0x12c: {  	p0 =	sne.s32 s17, $0x40  }
.Ltmp2:
0x12d: {  	v1 =	vmul.f32 v2, v1;
	(pc) =	sbr.rel @p0 .LBB2_4-.Ltmp2, $3  }
0x12e: {  	_ = 	snop  }
0x12f: {  	v1 =	vadd.f32 v1, v3;
	_ =	sdelay $0x1  }
0x130: {  	[tilespmem:s31+$0x0] =	vst v1  }
0x131: {  	s15 =	sadd.s32 $0x1, s15  }
0x132: {  	p0 =	sne.s32 s15, s9  }
.Ltmp3:
0x133: {  	_ = 	snop;
	(pc) =	sbr.rel @p0 .LBB2_1-.Ltmp3, $4  }
0x134: {  	[hbm4b:s8+s1] =	stream.linear.scatter [tilespmem:s14], [sflag:$0x1], $0x8000, $0x38;
	[tilespmem:$0x12400] =	vst v63  }
0x135: {  	_ =	swait.ge [sflag:s11], $0x8000  }
0x136: {  	[sflag:s11] =	ssyncset.done $0x0  }
0x137: {  	[sflag:s11] =	ssyncadd.s32 $0xFFFF8000  }
0x138: {  	_ =	sfence.sel $0x180000  }
0x139: {  	[bflag:$0x0] =	sbarrier.arrive $0xFFFF  }
0x13a: {  	p0 =	sne.s32 s2, $0x0;
	_ =	strace $0x90000050  }
0x13b: {  	s0 =	sadd.s32 @!p0 $0x100000, s0;
	[bflag:$0x2] =	sbarrier.arrive $0xFFFF  }
0x13c: {  	[sflag:s0] =	ssyncadd.tile.s32 @!p0 $0x1;
	_ =	shalt  }
.Lfunc_end2:
_tile_overlayer_lowered:
.L_overlay_start_2:
0x13d: {  	(tag) =	ssettag $0x2  }
0x13e: {  	s0 =	rddreg [dreg:$0x0];
	s2 =	stileid.u32  }
0x13f: {  	s1 =	rddreg [dreg:$0x1];
	p0 =	sne.s32 s2, $0x0  }
0x140: {  	s3 =	rddreg [dreg:$0x2];
	[bflag:$0x3] =	sbarrier.arrive $0xFFFF;
	s2 =	simm.s32 @!p0 $0x1C01  }
0x141: {  	[timem:s3], [sflag:s2] =	dma.local @!p0 [hbm:s0], s1  }
0x142: {  	s0 =	simm.s32 @!p0 $0x1  }
0x143: {  	_ =	swait.ge @!p0 [sflag:s0], s1  }
0x144: {  	s1 =	ssub.s32 @!p0 $0x0, s1;
	[sflag:s0] =	ssyncset.done @!p0 $0x0  }
0x145: {  	[sflag:s0] =	ssyncadd.s32 @!p0 s1  }
0x146: {  	[bflag:$0x3] =	sbarrier.arrive $0xFFFF  }
0x147: {  	_ =	shalt  }

// kernel: kernel.8.cloned.1.call-start
scs
__scs_entry_jumppad:
0x0: {  	(pc) =	sbr.rel $0x88, $3  }
0x1: {  	(tag) =	ssettag $0x0;
	lr =	simm.s32 $0x1  }
0x2: {  	[smem:$0x3F76] =	sst lr;
	_ =	strace $0xD0000000  }
0x3: {  	_ = 	snop  }
0x4: {  	_ = 	snop  }
0x5: {  	_ = 	snop  }
0x6: {  	_ = 	snop  }
0x7: {  	_ = 	snop  }
__scs_overlays_trampoline_lowered:
0x8: {  	[smem:$0x3F85] =	sst s0  }
0x9: {  	[smem:$0x3F86] =	sst s1  }
0xa: {  	[smem:$0x3F87] =	sst s2  }
0xb: {  	[smem:$0x3F88] =	sst s3  }
0xc: {  	[smem:$0x3F89] =	sst s4  }
0xd: {  	[smem:$0x3F8A] =	sst s5  }
0xe: {  	[smem:$0x3F8B] =	sst s6  }
0xf: {  	[smem:$0x3F8C] =	sst s7  }
0x10: {  	[smem:$0x3F8D] =	sst s8  }
0x11: {  	[smem:$0x3F8E] =	sst s9;
	s0 =	simm.s32 @!p0 $0x0  }
0x12: {  	s1 =	sld [smem:$0x3F74];
	s0 =	simm.s32 @p0 $0x1  }
0x13: {  	[smem:$0x3F8F] =	sst s0;
	s0 =	simm.s32 @!p1 $0x0  }
0x14: {  	s2 =	sld [smem:$0x3F73];
	s0 =	simm.s32 @p1 $0x1  }
0x15: {  	[smem:$0x3F90] =	sst s0;
	s0 =	simm.s32 @!p2 $0x0  }
0x16: {  	s3 =	sld [smem:$0x3FDB];
	s0 =	simm.s32 @p2 $0x1  }
0x17: {  	s4 =	simm.s32 $0x1BF5;
	[smem:$0x3F92] =	sst s0  }
0x18: {  	s0 =	sld [smem:$0x3F75];
	_ =	swait.ge [sflag:s4], $0x0  }
0x19: {  	s7 =	sld [smem:$0x3F76]  }
0x1a: {  	s8 =	sadd.s32 $0xFFFFE003, lr  }
0x1b: {  	s9 =	sadd.s32 $0xFFFFFEF7, lr;
	s5 =	simm.s32 $0xFFFFFFFF;
	p2 =	slt.u32 s8, $0xFFFFF086  }
0x1c: {  	p1 =	slt.u32 s9, $0xF7A;
	s5 =	simm.s32 @!p2 $0x0  }
0x1d: {  	s5 =	simm.s32 @p1 $0x1;
	p0 =	seq.s32 s7, s2  }
0x1e: {  	s7 =	smul.u32 @!p0 $0xF7A, s2;
	p2 =	seq.s32 @!p0 s5, $0x0  }
0x1f: {  	s9 =	smul.u32 $0xF7A, s1;
	s8 =	simm.s32 @!p0 $0x1BF5;
	p2 =	por !p2, p0  }
0x20: {  	[sflag:s8] =	ssyncset.s32 @!p0 $0xFFFFF086;
	s6 =	sadd.s32 @!p0 s3, s7;
	s7 =	simm.s32 @!p0 $0x108  }
0x21: {  	s3 =	sadd.s32 s3, s9;
	s6 =	sadd.s32 @!p0 $0x88, s6;
	s7 =	simm.s32 @p2 $0x1082  }
0x22: {  	[simem:s7], [sflag:s8] =	dma.local @!p0 [hbm:s6], $0xF7A  }
0x23: {  	s9 =	sor.u32 $0xD0000000, s2;
	s6 =	simm.s32 $0x108;
	_ =	swait.ge @!p0 [sflag:s8], $0x0  }
0x24: {  	s3 =	sadd.s32 $0x88, s3;
	s6 =	simm.s32 @!p1 $0x1082;
	[sflag:s4] =	ssyncset.s32 $0xFFFFF086  }
0x25: {  	[simem:s6], [sflag:s4] =	dma.local [hbm:s3], $0xF7A  }
0x26: {  	[smem:$0x3F76] =	sst s1;
	(tag) =	ssettag s2;
	_ =	strace s9  }
0x27: {  	s1 =	sld [smem:$0x3F86]  }
0x28: {  	s2 =	sld [smem:$0x3F87]  }
0x29: {  	s4 =	sld [smem:$0x3F89]  }
0x2a: {  	p0 =	seq.s32 s5, $0x0;
	s5 =	sld [smem:$0x3F8A]  }
0x2b: {  	s6 =	sld [smem:$0x3F8B]  }
0x2c: {  	s7 =	sld [smem:$0x3F8C]  }
0x2d: {  	s3 =	simm.s32 $0x108;
	s8 =	sld [smem:$0x3F8D]  }
0x2e: {  	s3 =	simm.s32 @!p0 $0x1082;
	s9 =	sld [smem:$0x3F8E]  }
0x2f: {  	lr =	sadd.s32 s0, s3;
	s0 =	sld [smem:$0x3F85]  }
0x30: {  	s3 =	sld [smem:$0x3F88]  }
0x31: {  	[smem:$0x3F91] =	sst s10  }
0x32: {  	s10 =	sld [smem:$0x3F8F];
	_ =	sdelay $0x3  }
0x33: {  	p0 =	seq.s32 s10, $0x1;
	s10 =	sld [smem:$0x3F91];
	_ =	sdelay $0x3  }
0x34: {  	[smem:$0x3F91] =	sst s10  }
0x35: {  	s10 =	sld [smem:$0x3F90];
	_ =	sdelay $0x3  }
0x36: {  	p1 =	seq.s32 s10, $0x1;
	s10 =	sld [smem:$0x3F91];
	_ =	sdelay $0x3  }
0x37: {  	[smem:$0x3F91] =	sst s10  }
0x38: {  	s10 =	sld [smem:$0x3F92]  }
0x39: {  	_ = 	snop;
	(pc) =	sbr.ind lr, $3  }
0x3a: {  	_ = 	snop  }
0x3b: {  	_ = 	snop  }
0x3c: {  	p2 =	seq.s32 s10, $0x1;
	s10 =	sld [smem:$0x3F91]  }
0x3d: {  	_ =	shalt  }
0x3e: {  	_ =	shalt  }
0x3f: {  	_ =	shalt  }
0x40: {  	_ =	shalt  }
0x41: {  	_ =	shalt  }
0x42: {  	_ =	shalt  }
0x43: {  	_ =	shalt  }
0x44: {  	_ =	shalt  }
0x45: {  	_ =	shalt  }
0x46: {  	_ =	shalt  }
0x47: {  	_ =	shalt  }
0x48: {  	_ =	shalt  }
0x49: {  	_ =	shalt  }
0x4a: {  	_ =	shalt  }
0x4b: {  	_ =	shalt  }
0x4c: {  	_ =	shalt  }
0x4d: {  	_ =	shalt  }
0x4e: {  	_ =	shalt  }
0x4f: {  	_ =	shalt  }
0x50: {  	_ =	shalt  }
0x51: {  	_ =	shalt  }
0x52: {  	_ =	shalt  }
0x53: {  	_ =	shalt  }
0x54: {  	_ =	shalt  }
0x55: {  	_ =	shalt  }
0x56: {  	_ =	shalt  }
0x57: {  	_ =	shalt  }
0x58: {  	_ =	shalt  }
0x59: {  	_ =	shalt  }
0x5a: {  	_ =	shalt  }
0x5b: {  	_ =	shalt  }
0x5c: {  	_ =	shalt  }
0x5d: {  	_ =	shalt  }
0x5e: {  	_ =	shalt  }
0x5f: {  	_ =	shalt  }
0x60: {  	_ =	shalt  }
0x61: {  	_ =	shalt  }
0x62: {  	_ =	shalt  }
0x63: {  	_ =	shalt  }
0x64: {  	_ =	shalt  }
0x65: {  	_ =	shalt  }
0x66: {  	_ =	shalt  }
0x67: {  	_ =	shalt  }
0x68: {  	_ =	shalt  }
0x69: {  	_ =	shalt  }
0x6a: {  	_ =	shalt  }
0x6b: {  	_ =	shalt  }
0x6c: {  	_ =	shalt  }
0x6d: {  	_ =	shalt  }
0x6e: {  	_ =	shalt  }
0x6f: {  	_ =	shalt  }
0x70: {  	_ =	shalt  }
0x71: {  	_ =	shalt  }
0x72: {  	_ =	shalt  }
0x73: {  	_ =	shalt  }
0x74: {  	_ =	shalt  }
0x75: {  	_ =	shalt  }
0x76: {  	_ =	shalt  }
0x77: {  	_ =	shalt  }
0x78: {  	_ =	shalt  }
0x79: {  	_ =	shalt  }
0x7a: {  	_ =	shalt  }
0x7b: {  	_ =	shalt  }
0x7c: {  	_ =	shalt  }
0x7d: {  	_ =	shalt  }
0x7e: {  	_ =	shalt  }
0x7f: {  	_ =	shalt  }
0x80: {  	_ =	shalt  }
0x81: {  	_ =	shalt  }
0x82: {  	_ =	shalt  }
0x83: {  	_ =	shalt  }
0x84: {  	_ =	shalt  }
0x85: {  	_ =	shalt  }
0x86: {  	_ =	shalt  }
0x87: {  	_ =	shalt  }
.Lfunc_end0:
.L_simem_size_0:
called_computation.2_lowered:
.L_overlay_start_0:
0x88: {  	s2 =	sld [smem:$0x3FD9]  }
0x89: {  	s3 =	sld [smem:$0x3FFE];
	_ =	sdelay $0x1  }
0x8a: {  	s1 =	srdreg.scid  }
0x8b: {  	s0 =	sand.u32 $0x1, s1  }
0x8c: {  	s17 =	sshll.u32 s0, $0xA;
	s2 =	sadd.s32 s3, s2  }
0x8d: {  	s2 =	sadd.s32 s2, s17  }
0x8e: {  	[smem:$0x3F9D] =	sst s2  }
0x8f: {  	_ = 	snop  }
0x90: {  	s18 =	sld [smem:$0x3FD0];
	(tm) =	ssettm $0x1  }
0x91: {  	s19 =	sld [smem:$0x3FFB];
	_ =	sdelay $0x3  }
0x92: {  	_ =	strace s19  }
0x93: {  	s2 =	sld [smem:$0x3FFC];
	_ =	sdelay $0x3  }
0x94: {  	_ =	strace s2  }
0x95: {  	s2 =	sld [smem:$0x3FFD];
	_ =	sdelay $0x3  }
0x96: {  	_ =	strace s2  }
0x97: {  	_ =	strace $0x8FFFFFFF  }
0x98: {  	s20 =	sld [smem:$0x3FDB];
	_ =	sdelay $0x1  }
0x99: {  	s4 =	simm.s32 $_scs_section_size  }
0x9a: {  	s5 =	simm.s32 $_size__tile_overlayer_lowered;
	s6 =	simm.s32 $_tile_overlayer_lowered  }
0x9b: {  	s7 =	simm.s32 $0x1BFF;
	s21 =	sshll.u32 s6, $0x1;
	s4 =	sadd.s32 s4, s20  }
0x9c: {  	s22 =	simm.s32 $0x0;
	s5 =	sshll.u32 s5, $0x1;
	s6 =	sadd.s32 s21, s4  }
0x9d: {  	[timem:s22], [sflag:s7] =	dma.local [hbm:s6], s5  }
0x9e: {  	_ =	swait.ge [sflag:s7], s5  }
0x9f: {  	s5 =	ssub.s32 $0x0, s5;
	[sflag:s7] =	ssyncset.done $0x0  }
0xa0: {  	[sflag:s7] =	ssyncadd.s32 s5;
	_ =	sdelay $0x1  }
0xa1: {  	s23 =	simm.s32 $0x1B8B  }
0xa2: {  	_ =	swait.ge [sflag:s23], $0x1  }
0xa3: {  	[sflag:s23] =	ssyncset.done $0x0  }
0xa4: {  	[sflag:s23] =	ssyncadd.s32 $0xFFFFFFFF  }
0xa5: {  	s5 =	sld [smem:$0x0]  }
0xa6: {  	s6 =	sand.u32 $0xFFFFFFFE, s1  }
0xa7: {  	p0 =	sne.s32 s1, s6  }
0xa8: {  	s6 =	sshll.u32 @p0 s6, $0xE  }
0xa9: {  	s6 =	sadd.s32 @p0 $0x11B8D, s6;
	s7 =	sshll.u32 @p0 s5, $0x11  }
0xaa: {  	s6 =	sor.u32 @p0 s7, s6  }
0xab: {  	[sflag:s6] =	ssyncadd.remote.s32 @p0 $0x1;
	_ =	sdelay $0x1  }
0xac: {  	s6 =	simm.s32 @p0 $0x1B8D  }
0xad: {  	_ =	swait.eq @p0 [sflag:s6], $0x1  }
0xae: {  	[sflag:s6] =	ssyncadd.s32 @p0 $0xFFFFFFFF  }
0xaf: {  	s7 =	sshll.u32 @!p0 s1, $0xE  }
0xb0: {  	s7 =	sor.u32 @!p0 $0x4000, s7;
	s6 =	simm.s32 @!p0 $0x1B8D  }
0xb1: {  	s5 =	sshll.u32 @!p0 s5, $0x11;
	s7 =	sadd.s32 @!p0 $0x11B8D, s7;
	_ =	swait.eq @!p0 [sflag:s6], $0x1  }
0xb2: {  	s5 =	sor.u32 @!p0 s5, s7;
	[sflag:s6] =	ssyncadd.s32 @!p0 $0xFFFFFFFF  }
0xb3: {  	s25 =	simm.s32 $0x1B8E;
	s24 =	sld [smem:$0x3FFE];
	[sflag:s5] =	ssyncadd.remote.s32 @!p0 $0x1  }
0xb4: {  	s26 =	simm.s32 $execute0_lowered;
	[smem:$0x3FD2] =	sst s25  }
0xb5: {  	s6 =	sshll.u32 s26, $0x1;
	_ =	strace $0x8000004C;
	[dreg:$0x1] =	wrdreg $0xFFFFFFFF  }
0xb6: {  	s28 =	simm.s32 $_size_execute0_lowered;
	s4 =	sadd.s32 s4, s6;
	[dreg:$0x0] =	wrdreg $0x0  }
0xb7: {  	s6 =	sshll.u32 s28, $0x1;
	[dreg:$0x2] =	wrdreg s4  }
0xb8: {  	[dreg:$0x3] =	wrdreg s6  }
0xb9: {  	[dreg:$0x4] =	wrdreg $0xC0  }
0xba: {  	_ =	task [dreg:s22], $0x5FFFF  }
0xbb: {  	[dreg:$0x1] =	wrdreg $0xFFFFFFFF  }
0xbc: {  	[dreg:$0x0] =	wrdreg $0x60  }
0xbd: {  	[dreg:$0x2] =	wrdreg s24  }
0xbe: {  	[dreg:$0x3] =	wrdreg s18  }
0xbf: {  	[dreg:$0x4] =	wrdreg $0xA  }
0xc0: {  	_ =	task.clear_ibuf [dreg:s22], $0x5FFFF;
	_ =	strace $0x9000004C  }
0xc1: {  	s29 =	simm.s32 $0xA;
	_ =	strace $0x8000004E  }
0xc2: {  	_ =	swait.ge [sflag:s29], $0x1  }
0xc3: {  	[sflag:s29] =	ssyncadd.s32 $0xFFFFFFFF  }
0xc4: {  	_ =	strace $0x9000004E  }
0xc5: {  	_ =	sfence  }
0xc6: {  	s30 =	sld [smem:$0x0];
	_ =	sdelay $0x2  }
0xc7: {  	s31 =	sshll.u32 s1, $0xD;
	s1 =	sshrl.u32 s1, $0x2  }
0xc8: {  	s4 =	sand.u32 $0x4000, s31;
	s1 =	sadd.s32 s1, s30  }
0xc9: {  	s0 =	sor.u32 s4, s0;
	s1 =	sshll.u32 s1, $0x11  }
0xca: {  	s0 =	sor.u32 s1, s0  }
0xcb: {  	s0 =	sadd.s32 $0x8F2B, s0  }
0xcc: {  	[sflag:s0] =	ssyncadd.remote.s32 $0x1  }
0xcd: {  	_ =	sfence.sel $0xFFFF  }
0xce: {  	[dreg:$0x0] =	wrdreg $0xFFFFFFFF;
	(pc) =	sbr.abs _section_cstart, $3  }
0xcf: {  	[dreg:$0x1] =	wrdreg $0xFFFFFFFF  }
0xd0: {  	_ =	task.clear_ibuf [dreg:s22], $0x2FFFF;
	_ =	strace $0x9FFFFFFF  }
0xd1: {  	(tm) =	ssettm $0x7FFFFFFF  }
tec
execute0_lowered:
.L_overlay_start_1:
0x0: {  	(tag) =	ssettag $0x1  }
0x1: {  	s5 =	rddreg [dreg:$0x0]  }
0x2: {  	s6 =	rddreg [dreg:$0x1]  }
0x3: {  	s0 =	rddreg [dreg:$0x2];
	s1 =	simm.s32 $0x0  }
0x4: {  	s4 =	srdreg.scid;
	s2 =	stileid.u32;
	s13 =	simm.s32 $0x400  }
0x5: {  	s14 =	simm.s32 $0xA400;
	s15 =	simm.s32 $0x0;
	[smem:$0x7FF] =	sst s1  }
0x6: {  	s3 =	sadd.s32 $0xA200, s5;
	s7 =	sand.u32 $0x1, s4;
	s4 =	sadd.s32 $0x8200, s5  }
0x7: {  	s8 =	sshll.u32 s2, $0x11;
	s10 =	sshll.u32 s2, $0xC;
	_ =	strace $0x8000004D  }
0x8: {  	s9 =	ssub.s32 $0x2, s7;
	s8 =	sadd.s32 s8, s5;
	s12 =	sadd.s32 s10, s5  }
0x9: {  	s30 =	sshll.u32 s7, $0x10;
	s5 =	sadd.s32 s6, s10;
	s6 =	sshll.u32 s7, $0xF  }
0xa: {  	s10 =	simm.s32 $0x2400;
	s11 =	sshrl.u32 s9, $0x1;
	s31 =	sadd.s32 s30, s12  }
0xb: {  	s7 =	sadd.s32 $0x20C400, s8;
	s12 =	simm.s32 $0x200;
	s9 =	ssub.s32 s9, s11  }
0xc: {  	v0 =	vimm.f32 $0.0e+00;
	s8 =	sadd.s32 $0x40C400, s31;
	s11 =	simm.s32 $0x1;
	s9 =	smax.u32 s9, $0x1  }
.LBB2_1:
0xd: {  	[tilespmem:s10], [sflag:$0x1] =	stream.linear.gather [hbm4b:s5+s1], $0x8000, $0x38;
	[tilespmem:$0x12400] =	vst v63  }
0xe: {  	_ =	swait.ge [sflag:s11], $0x8000  }
0xf: {  	[sflag:s11] =	ssyncset.done $0x0  }
0x10: {  	s16 =	simm.s32 $0x40;
	s17 =	simm.s32 $0x0;
	[sflag:s11] =	ssyncadd.s32 $0xFFFF8000  }
.LBB2_2:
0x11: {  	p0 =	sne.s32 s16, $0x1FFC0;
	[tilespmem:s17+$0xA400] =	vst v0;
	s17 =	smov.u32 s16;
	s16 =	sadd.s32 $0x40, s16  }
.Ltmp0:
0x12: {  	(pc) =	sbr.rel @p0 .LBB2_2-.Ltmp0, $2  }
0x13: {  	_ =	sdelay $0x2  }
0x14: {  	s17 =	sshra.s32 s17, $0x2  }
0x15: {  	[tilespmem:s17+$0xA400] =	vst v0;
	s16 =	simm.s32 $0x0;
	s17 =	simm.s32 $0x0  }
.LBB2_4:
0x16: {  	s18 =	sshll.u32 s17, $0x9  }
0x17: {  	s18 =	sadd.s32 s6, s18  }
0x18: {  	s19 =	sshrl.u32 s18, $0x3  }
0x19: {  	s20 =	sadd.s32 s3, s19  }
0x1a: {  	[tilespmem:s16], [sflag:$0x1] =	stream.linear.gather [hbm4b:s20+s16], $0x200, $0x38;
	[tilespmem:$0x12400] =	vst v63  }
0x1b: {  	_ =	swait.ge [sflag:s11], $0x200  }
0x1c: {  	[sflag:s11] =	ssyncset.done $0x0  }
0x1d: {  	s19 =	sadd.s32 s4, s19;
	[sflag:s11] =	ssyncadd.s32 $0xFFFFFE00  }
0x1e: {  	[tilespmem:s12], [sflag:$0x1] =	stream.linear.gather [hbm4b:s19+s16], $0x200, $0x38;
	[tilespmem:$0x12400] =	vst v63  }
0x1f: {  	_ =	swait.ge [sflag:s11], $0x200  }
0x20: {  	s18 =	sshll.u32 s18, $0x1;
	[sflag:s11] =	ssyncset.done $0x0  }
0x21: {  	s18 =	sadd.s32 s18, s7;
	[sflag:s11] =	ssyncadd.s32 $0xFFFFFE00  }
0x22: {  	[tilespmem:s13], [sflag:$0x1] =	stream.linear.gather [hbm4b:s18+s16], $0x2000, $0x38;
	[tilespmem:$0x12400] =	vst v63  }
0x23: {  	_ =	swait.ge [sflag:s11], $0x2000  }
0x24: {  	[sflag:s11] =	ssyncset.done $0x0  }
0x25: {  	s23 =	simm.s32 $0x0;
	[sflag:s11] =	ssyncadd.s32 $0xFFFFE000  }
0x26: {  	v1 =	vld [tilespmem:s23+$0x0];
	_ =	sdelay $0x1  }
0x27: {  	v2 =	vld [tilespmem:s23+$0x200];
	_ =	sdelay $0x2  }
0x28: {  	v1 =	vshll.u32 v1, $0x6  }
0x29: {  	v1 =	vshra.s32 v1, $0x2  }
0x2a: {  	v2 =	vshll.u32 v2, $0x6;
	v1 =	vadd.s32 $0x2400, v1  }
0x2b: {  	v2 =	vshra.s32 v2, $0x2;
	(v2sf) =	vpush v1, $0x0  }
0x2c: {  	v2 =	vadd.s32 $0xA400, v2  }
0x2d: {  	(v2sf) =	vpush v2, $0x0;
	_ =	sdelay $0x7  }
0x2e: {  	(v2sf) =	vpush v1, $0x1;
	_ =	sdelay $0x2  }
0x2f: {  	(v2sf) =	vpush v2, $0x1  }
0x30: {  	s18 =	simm.s32 $0x480  }
0x31: {  	v3 =	vld [tilespmem:s18+$0xFFFFFF80];
	s24 =	spop (v2sf)  }
0x32: {  	v4 =	vld [tilespmem:s24+$0x0]  }
0x33: {  	s25 =	spop (v2sf)  }
0x34: {  	v5 =	vld [tilespmem:s25+$0x0];
	_ =	sdelay $0x2  }
0x35: {  	(v2sf) =	vpush v1, $0x2;
	v3 =	vmul.f32 v3, v4;
	_ =	sdelay $0x1  }
0x36: {  	v3 =	vadd.f32 v3, v5  }
0x37: {  	(v2sf) =	vpush v2, $0x2  }
0x38: {  	s26 =	spop (v2sf);
	[tilespmem:s25+$0x0] =	vst v3  }
0x39: {  	v3 =	vld [tilespmem:s26+$0x0]  }
0x3a: {  	v4 =	vld [tilespmem:s18+$0xFFFFFF90]  }
0x3b: {  	s28 =	spop (v2sf)  }
0x3c: {  	v5 =	vld [tilespmem:s28+$0x0];
	_ =	sdelay $0x2  }
0x3d: {  	(v2sf) =	vpush v1, $0x3;
	v3 =	vmul.f32 v4, v3;
	_ =	sdelay $0x1  }
0x3e: {  	v3 =	vadd.f32 v3, v5  }
0x3f: {  	(v2sf) =	vpush v2, $0x3  }
0x40: {  	s29 =	spop (v2sf);
	[tilespmem:s28+$0x0] =	vst v3  }
0x41: {  	v3 =	vld [tilespmem:s29+$0x0]  }
0x42: {  	v4 =	vld [tilespmem:s18+$0xFFFFFFA0]  }
0x43: {  	s30 =	spop (v2sf)  }
0x44: {  	v5 =	vld [tilespmem:s30+$0x0];
	_ =	sdelay $0x2  }
0x45: {  	(v2sf) =	vpush v1, $0x4;
	v3 =	vmul.f32 v4, v3;
	_ =	sdelay $0x1  }
0x46: {  	v3 =	vadd.f32 v3, v5  }
0x47: {  	(v2sf) =	vpush v2, $0x4  }
0x48: {  	s31 =	spop (v2sf);
	[tilespmem:s30+$0x0] =	vst v3  }
0x49: {  	v3 =	vld [tilespmem:s31+$0x0]  }
0x4a: {  	v4 =	vld [tilespmem:s18+$0xFFFFFFB0]  }
0x4b: {  	s20 =	spop (v2sf)  }
0x4c: {  	v5 =	vld [tilespmem:s20+$0x0];
	_ =	sdelay $0x2  }
0x4d: {  	(v2sf) =	vpush v1, $0x5;
	v3 =	vmul.f32 v4, v3;
	_ =	sdelay $0x1  }
0x4e: {  	v3 =	vadd.f32 v3, v5  }
0x4f: {  	(v2sf) =	vpush v2, $0x5  }
0x50: {  	s21 =	spop (v2sf);
	[tilespmem:s20+$0x0] =	vst v3  }
0x51: {  	v3 =	vld [tilespmem:s21+$0x0]  }
0x52: {  	v4 =	vld [tilespmem:s18+$0xFFFFFFC0]  }
0x53: {  	s22 =	spop (v2sf)  }
0x54: {  	v5 =	vld [tilespmem:s22+$0x0];
	_ =	sdelay $0x2  }
0x55: {  	(v2sf) =	vpush v1, $0x6;
	v3 =	vmul.f32 v4, v3;
	_ =	sdelay $0x1  }
0x56: {  	v3 =	vadd.f32 v3, v5  }
0x57: {  	(v2sf) =	vpush v2, $0x6  }
0x58: {  	s23 =	spop (v2sf);
	[tilespmem:s22+$0x0] =	vst v3  }
0x59: {  	v3 =	vld [tilespmem:s23+$0x0]  }
0x5a: {  	v4 =	vld [tilespmem:s18+$0xFFFFFFD0]  }
0x5b: {  	s24 =	spop (v2sf)  }
0x5c: {  	v5 =	vld [tilespmem:s24+$0x0];
	_ =	sdelay $0x2  }
0x5d: {  	(v2sf) =	vpush v1, $0x7;
	v3 =	vmul.f32 v4, v3;
	_ =	sdelay $0x1  }
0x5e: {  	v3 =	vadd.f32 v3, v5  }
0x5f: {  	(v2sf) =	vpush v2, $0x7  }
0x60: {  	s25 =	spop (v2sf);
	[tilespmem:s24+$0x0] =	vst v3  }
0x61: {  	v3 =	vld [tilespmem:s25+$0x0]  }
0x62: {  	v4 =	vld [tilespmem:s18+$0xFFFFFFE0]  }
0x63: {  	s26 =	spop (v2sf)  }
0x64: {  	v5 =	vld [tilespmem:s26+$0x0];
	_ =	sdelay $0x2  }
0x65: {  	(v2sf) =	vpush v1, $0x8;
	v3 =	vmul.f32 v4, v3;
	_ =	sdelay $0x1  }
0x66: {  	v3 =	vadd.f32 v3, v5  }
0x67: {  	(v2sf) =	vpush v2, $0x8  }
0x68: {  	s28 =	spop (v2sf);
	[tilespmem:s26+$0x0] =	vst v3  }
0x69: {  	v3 =	vld [tilespmem:s28+$0x0]  }
0x6a: {  	v4 =	vld [tilespmem:s18+$0xFFFFFFF0]  }
0x6b: {  	s29 =	spop (v2sf)  }
0x6c: {  	v5 =	vld [tilespmem:s29+$0x0];
	_ =	sdelay $0x2  }
0x6d: {  	(v2sf) =	vpush v1, $0x9;
	v3 =	vmul.f32 v4, v3;
	_ =	sdelay $0x1  }
0x6e: {  	v3 =	vadd.f32 v3, v5  }
0x6f: {  	(v2sf) =	vpush v2, $0x9  }
0x70: {  	s30 =	spop (v2sf);
	[tilespmem:s29+$0x0] =	vst v3  }
0x71: {  	v3 =	vld [tilespmem:s30+$0x0]  }
0x72: {  	v4 =	vld [tilespmem:s18+$0x0]  }
0x73: {  	s31 =	spop (v2sf)  }
0x74: {  	v5 =	vld [tilespmem:s31+$0x0];
	_ =	sdelay $0x2  }
0x75: {  	(v2sf) =	vpush v1, $0xA;
	v3 =	vmul.f32 v4, v3;
	_ =	sdelay $0x1  }
0x76: {  	v3 =	vadd.f32 v3, v5  }
0x77: {  	(v2sf) =	vpush v2, $0xA  }
0x78: {  	s20 =	spop (v2sf);
	[tilespmem:s31+$0x0] =	vst v3  }
0x79: {  	v3 =	vld [tilespmem:s20+$0x0]  }
0x7a: {  	v4 =	vld [tilespmem:s18+$0x10]  }
0x7b: {  	s21 =	spop (v2sf)  }
0x7c: {  	v5 =	vld [tilespmem:s21+$0x0];
	_ =	sdelay $0x2  }
0x7d: {  	(v2sf) =	vpush v1, $0xB;
	v3 =	vmul.f32 v4, v3;
	_ =	sdelay $0x1  }
0x7e: {  	v3 =	vadd.f32 v3, v5  }
0x7f: {  	(v2sf) =	vpush v2, $0xB  }
0x80: {  	s22 =	spop (v2sf);
	[tilespmem:s21+$0x0] =	vst v3  }
0x81: {  	v3 =	vld [tilespmem:s22+$0x0]  }
0x82: {  	v4 =	vld [tilespmem:s18+$0x20]  }
0x83: {  	s23 =	spop (v2sf)  }
0x84: {  	v5 =	vld [tilespmem:s23+$0x0];
	_ =	sdelay $0x2  }
0x85: {  	(v2sf) =	vpush v1, $0xC;
	v3 =	vmul.f32 v4, v3;
	_ =	sdelay $0x1  }
0x86: {  	v3 =	vadd.f32 v3, v5  }
0x87: {  	(v2sf) =	vpush v2, $0xC  }
0x88: {  	s24 =	spop (v2sf);
	[tilespmem:s23+$0x0] =	vst v3  }
0x89: {  	v3 =	vld [tilespmem:s24+$0x0]  }
0x8a: {  	v4 =	vld [tilespmem:s18+$0x30]  }
0x8b: {  	s25 =	spop (v2sf)  }
0x8c: {  	v5 =	vld [tilespmem:s25+$0x0];
	_ =	sdelay $0x2  }
0x8d: {  	v3 =	vmul.f32 v4, v3  }
0x8e: {  	(v2sf) =	vpush v1, $0xD  }
0x8f: {  	v3 =	vadd.f32 v3, v5  }
0x90: {  	(v2sf) =	vpush v2, $0xD  }
0x91: {  	s26 =	spop (v2sf);
	[tilespmem:s25+$0x0] =	vst v3  }
0x92: {  	v3 =	vld [tilespmem:s26+$0x0]  }
0x93: {  	v4 =	vld [tilespmem:s18+$0x40]  }
0x94: {  	s28 =	spop (v2sf)  }
0x95: {  	(v2sf) =	vpush v1, $0xE;
	v5 =	vld [tilespmem:s28+$0x0];
	_ =	sdelay $0x1  }
0x96: {  	(v2sf) =	vpush v2, $0xE  }
0x97: {  	v3 =	vmul.f32 v4, v3;
	_ =	sdelay $0x1  }
0x98: {  	v3 =	vadd.f32 v3, v5;
	_ =	sdelay $0x1  }
0x99: {  	[tilespmem:s28+$0x0] =	vst v3  }
0x9a: {  	s29 =	spop (v2sf);
	v3 =	vld [tilespmem:s18+$0x50]  }
0x9b: {  	v4 =	vld [tilespmem:s29+$0x0]  }
0x9c: {  	s30 =	spop (v2sf)  }
0x9d: {  	v5 =	vld [tilespmem:s30+$0x0];
	_ =	sdelay $0x2  }
0x9e: {  	v3 =	vmul.f32 v3, v4  }
0x9f: {  	s31 =	spop (v2sf);
	(v2sf) =	vpush v1, $0xF  }
0xa0: {  	v3 =	vadd.f32 v3, v5  }
0xa1: {  	s21 =	spop (v2sf);
	(v2sf) =	vpush v2, $0xF  }
0xa2: {  	[tilespmem:s30+$0x0] =	vst v3  }
0xa3: {  	v3 =	vld [tilespmem:s31+$0x0]  }
0xa4: {  	v1 =	vld [tilespmem:s18+$0x60]  }
0xa5: {  	s19 =	simm.s32 $0x480;
	s20 =	simm.s32 $0x40;
	v2 =	vld [tilespmem:s21+$0x0]  }
.LBB2_5:
0xa6: {  	p0 =	sne.s32 s20, $0x7C0  }
0xa7: {  	s18 =	sadd.s32 $0x100, s18;
	s22 =	smov.u32 s20;
	s20 =	sadd.s32 $0x40, s20  }
0xa8: {  	_ =	sdelay $0x1  }
0xa9: {  	v1 =	vmul.f32 v1, v3;
	_ =	sdelay $0x1  }
0xaa: {  	v1 =	vadd.f32 v1, v2;
	_ =	sdelay $0x1  }
0xab: {  	[tilespmem:s21+$0x0] =	vst v1;
	s21 =	spop (v2sf)  }
0xac: {  	v1 =	vld [tilespmem:s21+$0x0]  }
0xad: {  	v2 =	vld [tilespmem:s19+$0x70];
	s21 =	spop (v2sf);
	s19 =	smov.u32 s18  }
0xae: {  	v3 =	vld [tilespmem:s21+$0x0];
	_ =	sdelay $0x3  }
0xaf: {  	v1 =	vmul.f32 v2, v1  }
0xb0: {  	s22 =	sshra.s32 s22, $0x2  }
0xb1: {  	v1 =	vadd.f32 v1, v3;
	_ =	sdelay $0x1  }
0xb2: {  	[tilespmem:s21+$0x0] =	vst v1  }
0xb3: {  	v1 =	vld [tilespmem:s22+$0x0];
	_ =	sdelay $0x1  }
0xb4: {  	v2 =	vld [tilespmem:s22+$0x200];
	_ =	sdelay $0x2  }
0xb5: {  	v1 =	vshll.u32 v1, $0x6  }
0xb6: {  	v1 =	vshra.s32 v1, $0x2  }
0xb7: {  	v1 =	vadd.s32 $0x2400, v1;
	v2 =	vshll.u32 v2, $0x6  }
0xb8: {  	v2 =	vshra.s32 v2, $0x2;
	(v2sf) =	vpush v1, $0x0  }
0xb9: {  	v2 =	vadd.s32 $0xA400, v2  }
0xba: {  	(v2sf) =	vpush v2, $0x0;
	_ =	sdelay $0x6  }
0xbb: {  	(v2sf) =	vpush v1, $0x1  }
0xbc: {  	(v2sf) =	vpush v2, $0x1;
	_ =	sdelay $0x4  }
0xbd: {  	v3 =	vld [tilespmem:s18+$0xFFFFFF80];
	s21 =	spop (v2sf)  }
0xbe: {  	v4 =	vld [tilespmem:s21+$0x0]  }
0xbf: {  	s21 =	spop (v2sf)  }
0xc0: {  	v5 =	vld [tilespmem:s21+$0x0];
	_ =	sdelay $0x2  }
0xc1: {  	v3 =	vmul.f32 v3, v4;
	(v2sf) =	vpush v1, $0x2;
	_ =	sdelay $0x1  }
0xc2: {  	v3 =	vadd.f32 v3, v5  }
0xc3: {  	s22 =	spop (v2sf);
	(v2sf) =	vpush v2, $0x2  }
0xc4: {  	[tilespmem:s21+$0x0] =	vst v3;
	s21 =	spop (v2sf)  }
0xc5: {  	v3 =	vld [tilespmem:s22+$0x0]  }
0xc6: {  	v4 =	vld [tilespmem:s18+$0xFFFFFF90];
	_ =	sdelay $0x1  }
0xc7: {  	v5 =	vld [tilespmem:s21+$0x0];
	_ =	sdelay $0x2  }
0xc8: {  	v3 =	vmul.f32 v4, v3;
	(v2sf) =	vpush v1, $0x3;
	_ =	sdelay $0x1  }
0xc9: {  	v3 =	vadd.f32 v3, v5  }
0xca: {  	(v2sf) =	vpush v2, $0x3  }
0xcb: {  	[tilespmem:s21+$0x0] =	vst v3;
	s21 =	spop (v2sf)  }
0xcc: {  	v3 =	vld [tilespmem:s21+$0x0]  }
0xcd: {  	v4 =	vld [tilespmem:s18+$0xFFFFFFA0]  }
0xce: {  	s21 =	spop (v2sf)  }
0xcf: {  	v5 =	vld [tilespmem:s21+$0x0];
	_ =	sdelay $0x2  }
0xd0: {  	v3 =	vmul.f32 v4, v3;
	(v2sf) =	vpush v1, $0x4;
	_ =	sdelay $0x1  }
0xd1: {  	v3 =	vadd.f32 v3, v5  }
0xd2: {  	(v2sf) =	vpush v2, $0x4  }
0xd3: {  	[tilespmem:s21+$0x0] =	vst v3;
	s21 =	spop (v2sf)  }
0xd4: {  	v3 =	vld [tilespmem:s21+$0x0]  }
0xd5: {  	v4 =	vld [tilespmem:s18+$0xFFFFFFB0]  }
0xd6: {  	s21 =	spop (v2sf)  }
0xd7: {  	v5 =	vld [tilespmem:s21+$0x0];
	_ =	sdelay $0x2  }
0xd8: {  	v3 =	vmul.f32 v4, v3;
	(v2sf) =	vpush v1, $0x5;
	_ =	sdelay $0x1  }
0xd9: {  	v3 =	vadd.f32 v3, v5;
	(v2sf) =	vpush v2, $0x5;
	_ =	sdelay $0x1  }
0xda: {  	[tilespmem:s21+$0x0] =	vst v3;
	s21 =	spop (v2sf)  }
0xdb: {  	v3 =	vld [tilespmem:s21+$0x0]  }
0xdc: {  	v4 =	vld [tilespmem:s18+$0xFFFFFFC0]  }
0xdd: {  	s21 =	spop (v2sf)  }
0xde: {  	v5 =	vld [tilespmem:s21+$0x0];
	_ =	sdelay $0x2  }
0xdf: {  	v3 =	vmul.f32 v4, v3;
	(v2sf) =	vpush v1, $0x6;
	_ =	sdelay $0x1  }
0xe0: {  	v3 =	vadd.f32 v3, v5  }
0xe1: {  	(v2sf) =	vpush v2, $0x6  }
0xe2: {  	[tilespmem:s21+$0x0] =	vst v3;
	s21 =	spop (v2sf)  }
0xe3: {  	v3 =	vld [tilespmem:s21+$0x0]  }
0xe4: {  	v4 =	vld [tilespmem:s18+$0xFFFFFFD0];
	s21 =	spop (v2sf)  }
0xe5: {  	v5 =	vld [tilespmem:s21+$0x0];
	_ =	sdelay $0x3  }
0xe6: {  	v3 =	vmul.f32 v4, v3;
	(v2sf) =	vpush v1, $0x7;
	_ =	sdelay $0x1  }
0xe7: {  	v3 =	vadd.f32 v3, v5  }
0xe8: {  	(v2sf) =	vpush v2, $0x7  }
0xe9: {  	[tilespmem:s21+$0x0] =	vst v3;
	s21 =	spop (v2sf)  }
0xea: {  	v3 =	vld [tilespmem:s21+$0x0]  }
0xeb: {  	v4 =	vld [tilespmem:s18+$0xFFFFFFE0]  }
0xec: {  	s21 =	spop (v2sf)  }
0xed: {  	v5 =	vld [tilespmem:s21+$0x0];
	_ =	sdelay $0x2  }
0xee: {  	v3 =	vmul.f32 v4, v3;
	(v2sf) =	vpush v1, $0x8;
	_ =	sdelay $0x1  }
0xef: {  	v3 =	vadd.f32 v3, v5  }
0xf0: {  	(v2sf) =	vpush v2, $0x8  }
0xf1: {  	[tilespmem:s21+$0x0] =	vst v3;
	s21 =	spop (v2sf)  }
0xf2: {  	v3 =	vld [tilespmem:s21+$0x0]  }
0xf3: {  	v4 =	vld [tilespmem:s18+$0xFFFFFFF0]  }
0xf4: {  	s21 =	spop (v2sf)  }
0xf5: {  	v5 =	vld [tilespmem:s21+$0x0];
	_ =	sdelay $0x2  }
0xf6: {  	v3 =	vmul.f32 v4, v3;
	(v2sf) =	vpush v1, $0x9;
	_ =	sdelay $0x1  }
0xf7: {  	v3 =	vadd.f32 v3, v5;
	(v2sf) =	vpush v2, $0x9;
	_ =	sdelay $0x1  }
0xf8: {  	[tilespmem:s21+$0x0] =	vst v3;
	s21 =	spop (v2sf)  }
0xf9: {  	v3 =	vld [tilespmem:s21+$0x0]  }
0xfa: {  	v4 =	vld [tilespmem:s18+$0x0]  }
0xfb: {  	s21 =	spop (v2sf)  }
0xfc: {  	v5 =	vld [tilespmem:s21+$0x0];
	_ =	sdelay $0x2  }
0xfd: {  	v3 =	vmul.f32 v4, v3;
	(v2sf) =	vpush v1, $0xA;
	_ =	sdelay $0x1  }
0xfe: {  	v3 =	vadd.f32 v3, v5;
	(v2sf) =	vpush v2, $0xA;
	_ =	sdelay $0x1  }
0xff: {  	[tilespmem:s21+$0x0] =	vst v3;
	s21 =	spop (v2sf)  }
0x100: {  	v3 =	vld [tilespmem:s21+$0x0]  }
0x101: {  	v4 =	vld [tilespmem:s18+$0x10];
	s21 =	spop (v2sf)  }
0x102: {  	v5 =	vld [tilespmem:s21+$0x0];
	_ =	sdelay $0x3  }
0x103: {  	v3 =	vmul.f32 v4, v3;
	(v2sf) =	vpush v1, $0xB;
	_ =	sdelay $0x1  }
0x104: {  	v3 =	vadd.f32 v3, v5;
	(v2sf) =	vpush v2, $0xB;
	_ =	sdelay $0x1  }
0x105: {  	[tilespmem:s21+$0x0] =	vst v3;
	s21 =	spop (v2sf)  }
0x106: {  	v3 =	vld [tilespmem:s21+$0x0]  }
0x107: {  	v4 =	vld [tilespmem:s18+$0x20];
	s21 =	spop (v2sf)  }
0x108: {  	v5 =	vld [tilespmem:s21+$0x0];
	_ =	sdelay $0x3  }
0x109: {  	v3 =	vmul.f32 v4, v3;
	(v2sf) =	vpush v1, $0xC;
	_ =	sdelay $0x1  }
0x10a: {  	v3 =	vadd.f32 v3, v5;
	(v2sf) =	vpush v2, $0xC;
	_ =	sdelay $0x1  }
0x10b: {  	[tilespmem:s21+$0x0] =	vst v3;
	s21 =	spop (v2sf)  }
0x10c: {  	v3 =	vld [tilespmem:s21+$0x0]  }
0x10d: {  	v4 =	vld [tilespmem:s18+$0x30];
	s21 =	spop (v2sf)  }
0x10e: {  	v5 =	vld [tilespmem:s21+$0x0];
	_ =	sdelay $0x3  }
0x10f: {  	v3 =	vmul.f32 v4, v3  }
0x110: {  	(v2sf) =	vpush v1, $0xD  }
0x111: {  	v3 =	vadd.f32 v3, v5;
	(v2sf) =	vpush v2, $0xD;
	_ =	sdelay $0x1  }
0x112: {  	[tilespmem:s21+$0x0] =	vst v3;
	s21 =	spop (v2sf)  }
0x113: {  	v3 =	vld [tilespmem:s21+$0x0]  }
0x114: {  	v4 =	vld [tilespmem:s18+$0x40];
	s21 =	spop (v2sf)  }
0x115: {  	v5 =	vld [tilespmem:s21+$0x0];
	_ =	sdelay $0x3  }
0x116: {  	v3 =	vmul.f32 v4, v3;
	(v2sf) =	vpush v1, $0xE;
	_ =	sdelay $0x1  }
0x117: {  	v3 =	vadd.f32 v3, v5;
	(v2sf) =	vpush v2, $0xE;
	_ =	sdelay $0x1  }
0x118: {  	[tilespmem:s21+$0x0] =	vst v3  }
0x119: {  	v3 =	vld [tilespmem:s18+$0x50];
	s21 =	spop (v2sf)  }
0x11a: {  	v4 =	vld [tilespmem:s21+$0x0];
	s21 =	spop (v2sf)  }
0x11b: {  	v5 =	vld [tilespmem:s21+$0x0];
	_ =	sdelay $0x3  }
0x11c: {  	v3 =	vmul.f32 v3, v4;
	(v2sf) =	vpush v1, $0xF;
	_ =	sdelay $0x1  }
0x11d: {  	v1 =	vadd.f32 v3, v5;
	(v2sf) =	vpush v2, $0xF  }
.Ltmp1:
0x11e: {  	(pc) =	sbr.rel @p0 .LBB2_5-.Ltmp1, $4  }
0x11f: {  	[tilespmem:s21+$0x0] =	vst v1;
	s21 =	spop (v2sf)  }
0x120: {  	v3 =	vld [tilespmem:s21+$0x0]  }
0x121: {  	v1 =	vld [tilespmem:s18+$0x60];
	s21 =	spop (v2sf)  }
0x122: {  	v2 =	vld [tilespmem:s21+$0x0]  }
0x123: {  	_ =	sdelay $0x2  }
0x124: {  	v1 =	vmul.f32 v1, v3;
	_ =	sdelay $0x1  }
0x125: {  	v1 =	vadd.f32 v1, v2;
	_ =	sdelay $0x1  }
0x126: {  	[tilespmem:s21+$0x0] =	vst v1;
	s18 =	spop (v2sf)  }
0x127: {  	v1 =	vld [tilespmem:s18+$0x0]  }
0x128: {  	v2 =	vld [tilespmem:s19+$0x70]  }
0x129: {  	s31 =	spop (v2sf)  }
0x12a: {  	v3 =	vld [tilespmem:s31+$0x0]  }
0x12b: {  	s17 =	sadd.s32 $0x1, s17  }
0x12c: {  	p0 =	sne.s32 s17, $0x40  }
.Ltmp2:
0x12d: {  	v1 =	vmul.f32 v2, v1;
	(pc) =	sbr.rel @p0 .LBB2_4-.Ltmp2, $3  }
0x12e: {  	_ = 	snop  }
0x12f: {  	v1 =	vadd.f32 v1, v3;
	_ =	sdelay $0x1  }
0x130: {  	[tilespmem:s31+$0x0] =	vst v1  }
0x131: {  	s15 =	sadd.s32 $0x1, s15  }
0x132: {  	p0 =	sne.s32 s15, s9  }
.Ltmp3:
0x133: {  	_ = 	snop;
	(pc) =	sbr.rel @p0 .LBB2_1-.Ltmp3, $4  }
0x134: {  	[hbm4b:s8+s1] =	stream.linear.scatter [tilespmem:s14], [sflag:$0x1], $0x8000, $0x38;
	[tilespmem:$0x12400] =	vst v63  }
0x135: {  	_ =	swait.ge [sflag:s11], $0x8000  }
0x136: {  	[sflag:s11] =	ssyncset.done $0x0  }
0x137: {  	[sflag:s11] =	ssyncadd.s32 $0xFFFF8000  }
0x138: {  	_ =	sfence.sel $0x180000  }
0x139: {  	[bflag:$0x0] =	sbarrier.arrive $0xFFFF  }
0x13a: {  	p0 =	sne.s32 s2, $0x0;
	_ =	strace $0x9000004D  }
0x13b: {  	s0 =	sadd.s32 @!p0 $0x100000, s0;
	[bflag:$0x2] =	sbarrier.arrive $0xFFFF  }
0x13c: {  	[sflag:s0] =	ssyncadd.tile.s32 @!p0 $0x1;
	_ =	shalt  }
.Lfunc_end2:
_tile_overlayer_lowered:
.L_overlay_start_2:
0x13d: {  	(tag) =	ssettag $0x2  }
0x13e: {  	s0 =	rddreg [dreg:$0x0];
	s2 =	stileid.u32  }
0x13f: {  	s1 =	rddreg [dreg:$0x1];
	p0 =	sne.s32 s2, $0x0  }
0x140: {  	s3 =	rddreg [dreg:$0x2];
	[bflag:$0x3] =	sbarrier.arrive $0xFFFF;
	s2 =	simm.s32 @!p0 $0x1C01  }
0x141: {  	[timem:s3], [sflag:s2] =	dma.local @!p0 [hbm:s0], s1  }
0x142: {  	s0 =	simm.s32 @!p0 $0x1  }
0x143: {  	_ =	swait.ge @!p0 [sflag:s0], s1  }
0x144: {  	s1 =	ssub.s32 @!p0 $0x0, s1;
	[sflag:s0] =	ssyncset.done @!p0 $0x0  }
0x145: {  	[sflag:s0] =	ssyncadd.s32 @!p0 s1  }
0x146: {  	[bflag:$0x3] =	sbarrier.arrive $0xFFFF  }
0x147: {  	_ =	shalt  }

// kernel: sparse-core-data-format-call.1.cloned.1.call-start
scs
called_computation.1_lowered:
.L_overlay_start_0:
0x0: {  	s1 =	sld [smem:$0x3FD9]  }
0x1: {  	s2 =	sld [smem:$0x3FFE];
	_ =	sdelay $0x1  }
0x2: {  	s3 =	srdreg.scid  }
0x3: {  	s0 =	sand.u32 $0x1, s3  }
0x4: {  	s17 =	sshll.u32 s0, $0xA;
	s1 =	sadd.s32 s2, s1  }
0x5: {  	s1 =	sadd.s32 s1, s17  }
0x6: {  	[smem:$0x3F9D] =	sst s1  }
0x7: {  	_ = 	snop  }
0x8: {  	(tm) =	ssettm $0x1  }
0x9: {  	s18 =	sld [smem:$0x3FFB];
	_ =	sdelay $0x3  }
0xa: {  	_ =	strace s18  }
0xb: {  	s1 =	sld [smem:$0x3FFC];
	_ =	sdelay $0x3  }
0xc: {  	_ =	strace s1  }
0xd: {  	s1 =	sld [smem:$0x3FFD];
	_ =	sdelay $0x3  }
0xe: {  	_ =	strace s1  }
0xf: {  	_ =	strace $0x8FFFFFFF  }
0x10: {  	s19 =	sld [smem:$0x3FDB];
	_ =	sdelay $0x1  }
0x11: {  	s20 =	simm.s32 $_scs_section_size  }
0x12: {  	s4 =	simm.s32 $_size__tile_overlayer_lowered;
	s5 =	simm.s32 $_tile_overlayer_lowered  }
0x13: {  	s23 =	simm.s32 $0x1BFF;
	s22 =	sshll.u32 s5, $0x1;
	s1 =	sadd.s32 s20, s19  }
0x14: {  	s6 =	simm.s32 $0x0;
	s21 =	sshll.u32 s4, $0x1;
	s4 =	sadd.s32 s22, s1  }
0x15: {  	[timem:s6], [sflag:s23] =	dma.local [hbm:s4], s21  }
0x16: {  	_ =	swait.ge [sflag:s23], s21  }
0x17: {  	s2 =	ssub.s32 $0x0, s21;
	[sflag:s23] =	ssyncset.done $0x0  }
0x18: {  	[sflag:s23] =	ssyncadd.s32 s2;
	_ =	sdelay $0x1  }
0x19: {  	s24 =	simm.s32 $0x1B8B  }
0x1a: {  	_ =	swait.ge [sflag:s24], $0x1  }
0x1b: {  	[sflag:s24] =	ssyncset.done $0x0  }
0x1c: {  	s26 =	simm.s32 $0x1B8E;
	s25 =	sld [smem:$0x3FFE];
	[sflag:s24] =	ssyncadd.s32 $0xFFFFFFFF  }
0x1d: {  	s27 =	simm.s32 $execute0_lowered;
	[smem:$0x3FD2] =	sst s26  }
0x1e: {  	s4 =	sshll.u32 s27, $0x1;
	_ =	strace $0x80000046;
	[dreg:$0x1] =	wrdreg $0xFFFFFFFF  }
0x1f: {  	s28 =	simm.s32 $_size_execute0_lowered;
	s1 =	sadd.s32 s1, s4;
	[dreg:$0x0] =	wrdreg $0x0  }
0x20: {  	s4 =	sshll.u32 s28, $0x1;
	[dreg:$0x2] =	wrdreg s1  }
0x21: {  	[dreg:$0x3] =	wrdreg s4  }
0x22: {  	[dreg:$0x4] =	wrdreg $0xC0  }
0x23: {  	_ =	task [dreg:s6], $0x5FFFF  }
0x24: {  	[dreg:$0x1] =	wrdreg $0xFFFFFFFF  }
0x25: {  	[dreg:$0x0] =	wrdreg $0x60  }
0x26: {  	[dreg:$0x2] =	wrdreg s25  }
0x27: {  	[dreg:$0x3] =	wrdreg $0xA  }
0x28: {  	_ =	task.clear_ibuf [dreg:s6], $0x4FFFF;
	_ =	strace $0x90000046  }
0x29: {  	s29 =	simm.s32 $0xA;
	_ =	strace $0x80000048  }
0x2a: {  	_ =	swait.ge [sflag:s29], $0x1  }
0x2b: {  	[sflag:s29] =	ssyncadd.s32 $0xFFFFFFFF  }
0x2c: {  	_ =	strace $0x90000048  }
0x2d: {  	_ =	sfence  }
0x2e: {  	s30 =	sld [smem:$0x0];
	_ =	sdelay $0x2  }
0x2f: {  	s31 =	sshll.u32 s3, $0xD;
	s3 =	sshrl.u32 s3, $0x2  }
0x30: {  	s2 =	sand.u32 $0x4000, s31;
	s1 =	sadd.s32 s3, s30  }
0x31: {  	s0 =	sor.u32 s2, s0;
	s1 =	sshll.u32 s1, $0x11  }
0x32: {  	s0 =	sor.u32 s1, s0  }
0x33: {  	s0 =	sadd.s32 $0x8F2B, s0  }
0x34: {  	[sflag:s0] =	ssyncadd.remote.s32 $0x1  }
0x35: {  	_ =	sfence.sel $0xFFFF  }
0x36: {  	[dreg:$0x0] =	wrdreg $0xFFFFFFFF;
	(pc) =	sbr.abs _section_cstart, $3  }
0x37: {  	[dreg:$0x1] =	wrdreg $0xFFFFFFFF  }
0x38: {  	_ =	task.clear_ibuf [dreg:s6], $0x2FFFF;
	_ =	strace $0x9FFFFFFF  }
0x39: {  	(tm) =	ssettm $0x7FFFFFFF  }
tec
execute0_lowered:
.L_overlay_start_1:
0x0: {  	(tag) =	ssettag $0x1  }
0x1: {  	s0 =	rddreg [dreg:$0x0]  }
0x2: {  	s1 =	srdreg.scid;
	_ =	strace $0x80000047;
	s6 =	stileid.u32  }
0x3: {  	s2 =	simm.s32 $0x1;
	s3 =	simm.s32 $0x2;
	s17 =	simm.s32 $0x0  }
0x4: {  	s15 =	simm.s32 $0x0;
	s16 =	simm.s32 $0x0;
	s1 =	sshll.u32 s1, $0xA  }
0x5: {  	s10 =	simm.s32 $0x0;
	s8 =	sadd.s32 $0x60C200, s0;
	s7 =	sand.u32 $0x400, s1  }
0x6: {  	s14 =	stileid.u32;
	s0 =	sadd.s32 $0x80C200, s0;
	s1 =	ssub.s32 $0x10000, s7  }
.Ltmp0:
0x7: {  	[dreg:$0x4] =	wrdreg s0;
	s31 =	sshrl.u32 s1, $0xA;
	(pc) =	sbr.rel .LBB1_1-.Ltmp0, $4  }
0x8: {  	[dreg:$0x3] =	wrdreg s8;
	s1 =	sshrl.u32 s1, $0xB;
	s0 =	sand.u32 $0x1, s31  }
0x9: {  	s12 =	simm.s32 $0x0;
	[dreg:$0x2] =	wrdreg s7;
	s11 =	sadd.s32 s1, s0  }
0xa: {  	[sflag:s2] =	ssyncpa.u1 $0x0;
	s13 =	sadd.s32 $0x1, s11;
	[dreg:$0x5] =	wrdreg s11  }
0xb: {  	[sflag:s3] =	ssyncpa.u1 $0x0;
	s9 =	smov.u32 s7;
	[dreg:$0x6] =	wrdreg s13  }
.LBB1_7:
0xc: {  	s0 =	sadd.s32 $0x800, s9  }
0xd: {  	s1 =	sadd.s32 $0x10, s10;
	s2 =	smov.u32 s10;
	p1 =	sgt.s32 s0, $0xFFFF  }
0xe: {  	s2 =	smov.u32 @p1 s1  }
0xf: {  	s3 =	sadd.s32 $0x10, s14;
	s4 =	smov.u32 s14;
	p2 =	sgt.s32 s2, $0xF  }
0x10: {  	s4 =	smov.u32 @p2 s3  }
0x11: {  	s0 =	smov.u32 @p1 s7;
	p1 =	sgt.s32 s4, $0xF  }
0x12: {  	p0 =	slt.u32 s12, $0x2;
	s4 =	smov.u32 @p1 s6;
	p1 =	sne.s32 s12, s13  }
.Ltmp1:
0x13: {  	s1 =	simm.s32 @!p0 $0x2;
	(pc) =	sbr.rel @!p1 .LBB1_8-.Ltmp1, $4  }
0x14: {  	s17 =	smov.u32 s9;
	_ =	swait.ge @!p0 [sflag:s1], $0x4000  }
0x15: {  	s15 =	smov.u32 s10;
	s16 =	smov.u32 s14;
	[sflag:s1] =	ssyncset.done @!p0 $0x0  }
0x16: {  	s9 =	smov.u32 s0;
	s2 =	simm.s32 @p2 $0x0;
	[sflag:s1] =	ssyncadd.s32 @!p0 $0xFFFFC000  }
0x17: {  	s10 =	smov.u32 s2;
	s12 =	sadd.s32 $0x1, s12;
	s14 =	smov.u32 s4  }
.LBB1_1:
0x18: {  	p0 =	sge.u32 s12, s11;
	s31 =	sadd.s32 $0xFFFFFFFF, s12  }
0x19: {  	s0 =	sxor.u32 @!p0 $0xFFFFFFFF, s12;
	s1 =	sand.u32 @!p0 $0x78, s9;
	s3 =	sshll.u32 @!p0 s10, $0x10  }
0x1a: {  	s4 =	sshll.u32 @!p0 s10, $0x7;
	s5 =	sshll.u32 @!p0 s9, $0x3;
	s0 =	sshll.u32 @!p0 s0, $0xE  }
0x1b: {  	s3 =	sand.u32 @!p0 $0x80000, s3;
	s4 =	sand.u32 @!p0 $0x380, s4;
	s0 =	sand.u32 @!p0 $0x4000, s0  }
0x1c: {  	s3 =	sadd.s32 @!p0 s3, s5;
	s5 =	sand.u32 @!p0 $0xFC00, s5;
	s1 =	sor.u32 @!p0 s4, s1  }
0x1d: {  	s4 =	sshll.u32 @!p0 s14, $0x11;
	s1 =	sor.u32 @!p0 s5, s1;
	s3 =	sshrl.u32 @!p0 s3, $0x3  }
0x1e: {  	s4 =	sadd.s32 @!p0 s8, s4;
	s5 =	sand.u32 @!p0 $0x7, s9;
	s3 =	sand.u32 @!p0 $0x1E000, s3  }
0x1f: {  	s1 =	sshrl.u32 @!p0 s1, $0x3;
	s3 =	sadd.s32 @!p0 s3, s4;
	s4 =	sshll.u32 @!p0 s5, $0x12  }
0x20: {  	s1 =	sadd.s32 @!p0 s1, s3;
	s3 =	sor.u32 @!p0 $0x2000, s4;
	s4 =	simm.s32 @!p0 $0x80000  }
0x21: {  	[tilespmem:s0], [sflag:$0x1] =	stream.strided.gather @!p0 [hbm4b:s1+s3], $0x4000, s4, s3, $0x38;
	[tilespmem:$0x10800] =	vst v63  }
0x22: {  	p0 =	sge.u32 s31, s11  }
.Ltmp2:
0x23: {  	_ = 	snop;
	(pc) =	sbr.rel @p0 .LBB1_7-.Ltmp2, $1  }
0x24: {  	_ =	sdelay $0x3  }
0x25: {  	[dreg:$0xa] =	wrdreg s17  }
0x26: {  	[dreg:$0x9] =	wrdreg s16  }
0x27: {  	[dreg:$0x8] =	wrdreg s15;
	s0 =	sand.u32 $0x1, s12  }
0x28: {  	[dreg:$0x7] =	wrdreg s14;
	s2 =	simm.s32 $0x1;
	s1 =	smul.u32 $0x11000, s0  }
0x29: {  	_ =	swait.ge [sflag:s2], $0x4000  }
0x2a: {  	s18 =	simm.s32 $0x0;
	[sflag:s2] =	ssyncset.done $0x0;
	s1 =	sshrl.u32 s1, $0x2  }
0x2b: {  	s17 =	sshll.u32 s0, $0xE;
	[sflag:s2] =	ssyncadd.s32 $0xFFFFC000;
	s16 =	sor.u32 $0x8000, s1  }
.LBB1_3:
0x2c: {  	s0 =	sshll.u32 s18, $0xA  }
0x2d: {  	s1 =	sshll.u32 s18, $0x7;
	s0 =	sand.u32 $0x2000, s0  }
0x2e: {  	s1 =	sand.u32 $0x380, s1;
	s0 =	sadd.s32 s0, s17  }
0x2f: {  	s0 =	sadd.s32 s1, s0  }
0x30: {  	s19 =	sadd.s32 s18, s16;
	p0 =	por $0x1, $0x1;
	s20 =	simm.s32 $0x0;
	v0 =	vmov s0  }
.LBB1_4:
0x31: {  	s0 =	smul.u32 $0x44, s20;
	s1 =	sshll.u32 s20, $0x3;
	s3 =	sor.u32 $0x80, s20  }
0x32: {  	s15 =	sor.u32 $0x90, s20;
	s24 =	sor.u32 $0xA0, s20;
	s28 =	sor.u32 $0xB0, s20  }
0x33: {  	s7 =	sor.u32 $0xC0, s20;
	s2 =	sor.u32 $0xD0, s20;
	s13 =	smul.u32 $0x44, s3  }
0x34: {  	s31 =	sand.u32 $0x3FFFFFF8, s1;
	s14 =	sshll.u32 s3, $0x3;
	s4 =	smul.u32 $0x44, s15  }
0x35: {  	s23 =	sshll.u32 s15, $0x3;
	s26 =	smul.u32 $0x44, s24;
	s27 =	sshll.u32 s24, $0x3  }
0x36: {  	s5 =	smul.u32 $0x44, s28;
	s3 =	sshll.u32 s28, $0x3;
	s30 =	sshll.u32 s7, $0x3  }
0x37: {  	s11 =	sshll.u32 s2, $0x3;
	s0 =	sshra.s32 s0, $0x2;
	s8 =	sand.u32 $0x1400, s23  }
0x38: {  	s0 =	sadd.s32 s0, s16;
	s1 =	sshra.s32 s13, $0x2;
	s25 =	sshra.s32 s4, $0x2  }
0x39: {  	s4 =	sshra.s32 s26, $0x2;
	s29 =	sshra.s32 s5, $0x2;
	s26 =	smul.u32 $0x44, s7  }
0x3a: {  	s5 =	sand.u32 $0x1400, s30;
	s13 =	sor.u32 $0xE0, s20;
	s21 =	sadd.s32 s18, s0  }
0x3b: {  	s0 =	sand.u32 $0x3FFFFFF8, s14;
	s22 =	sadd.s32 s1, s19;
	s23 =	sadd.s32 s25, s19  }
0x3c: {  	s1 =	sand.u32 $0x1400, s27;
	s24 =	sadd.s32 s4, s19;
	s4 =	sand.u32 $0x1400, s3  }
0x3d: {  	s25 =	sadd.s32 s29, s19;
	s27 =	smul.u32 $0x44, s2;
	s3 =	sand.u32 $0x1400, s11  }
0x3e: {  	v3 =	vld.idx.msk [tilespmem:v0+s31+$0x20 ss:$0x1], $0xffff;
	s28 =	smul.u32 $0x44, s13;
	s7 =	sshll.u32 s13, $0x3;
	s29 =	sor.u32 $0xF0, s20  }
0x3f: {  	v1 =	vld.idx.msk [tilespmem:v0+s31+$0x0 ss:$0x1], $0xffff;
	s2 =	sor.u32 $0x100, s20;
	s13 =	sor.u32 $0x120, s20;
	s30 =	smul.u32 $0x44, s29  }
0x40: {  	v2 =	vld.idx.msk [tilespmem:v0+s31+$0x10 ss:$0x1], $0xffff;
	s6 =	sshra.s32 s26, $0x2;
	s7 =	sand.u32 $0x1400, s7;
	s15 =	smul.u32 $0x44, s2  }
0x41: {  	v4 =	vld.idx.msk [tilespmem:v0+s31+$0x30 ss:$0x1], $0xffff;
	s29 =	sshll.u32 s29, $0x3;
	s2 =	sshll.u32 s2, $0x3;
	s11 =	smul.u32 $0x44, s13  }
0x42: {  	v5 =	vld.idx.msk [tilespmem:v0+s31+$0x40 ss:$0x1], $0xffff;
	s13 =	sshll.u32 s13, $0x3;
	s26 =	sadd.s32 s6, s19;
	s14 =	sshra.s32 s30, $0x2  }
0x43: {  	s6 =	sand.u32 $0x1400, s29;
	[tilespmem:s21+$0x220 ss:$0x11] =	vst.msk $0xffff, v3;
	v3 =	vld.idx.msk [tilespmem:v0+s31+$0x70 ss:$0x1], $0xffff;
	s29 =	sadd.s32 s14, s19;
	s14 =	sor.u32 $0x110, s20  }
0x44: {  	v55 =	vld.idx.msk [tilespmem:v0+s8+$0x10 ss:$0x1], $0xffff;
	s27 =	sshra.s32 s27, $0x2;
	s30 =	sshra.s32 s15, $0x2;
	[tilespmem:s21+$0x0 ss:$0x11] =	vst.msk $0xffff, v1;
	s15 =	smul.u32 $0x44, s14  }
0x45: {  	s28 =	sshra.s32 s28, $0x2;
	s2 =	sand.u32 $0x3FFFFFF8, s2;
	s13 =	sand.u32 $0x1800, s13;
	v1 =	vld.idx.msk [tilespmem:v0+s31+$0x50 ss:$0x1], $0xffff;
	[tilespmem:s21+$0x110 ss:$0x11] =	vst.msk $0xffff, v2  }
0x46: {  	s27 =	sadd.s32 s27, s19;
	s28 =	sadd.s32 s28, s19;
	v2 =	vld.idx.msk [tilespmem:v0+s31+$0x60 ss:$0x1], $0xffff;
	[tilespmem:s21+$0x330 ss:$0x11] =	vst.msk $0xffff, v4;
	s15 =	sshra.s32 s15, $0x2  }
0x47: {  	v54 =	vld.idx.msk [tilespmem:v0+s0+$0x0 ss:$0x1], $0xffff;
	s0 =	sshra.s32 s11, $0x2;
	[tilespmem:s21+$0x440 ss:$0x11] =	vst.msk $0xffff, v5;
	s31 =	sadd.s32 s15, s19;
	s15 =	sor.u32 $0x130, s20  }
0x48: {  	s30 =	sadd.s32 s30, s19;
	s0 =	sadd.s32 s0, s19;
	[tilespmem:s21+$0x770 ss:$0x11] =	vst.msk $0xffff, v3;
	v3 =	vld.idx.msk [tilespmem:v0+s5+$0x40 ss:$0x1], $0xffff;
	s11 =	smul.u32 $0x44, s15  }
0x49: {  	v56 =	vld.idx.msk [tilespmem:v0+s3+$0x50 ss:$0x1], $0xffff;
	[tilespmem:s23+$0x0 ss:$0x11] =	vst.msk $0xffff, v55;
	s14 =	sshll.u32 s14, $0x3;
	s8 =	sshll.u32 s15, $0x3;
	s15 =	sor.u32 $0x140, s20  }
0x4a: {  	[tilespmem:s21+$0x550 ss:$0x11] =	vst.msk $0xffff, v1;
	v1 =	vld.idx.msk [tilespmem:v0+s1+$0x20 ss:$0x1], $0xffff;
	s1 =	sand.u32 $0x1800, s8;
	s8 =	sshra.s32 s11, $0x2;
	s11 =	smul.u32 $0x44, s15  }
0x4b: {  	s14 =	sand.u32 $0x1800, s14;
	[tilespmem:s21+$0x660 ss:$0x11] =	vst.msk $0xffff, v2;
	v2 =	vld.idx.msk [tilespmem:v0+s4+$0x30 ss:$0x1], $0xffff;
	s4 =	sadd.s32 s8, s19;
	s8 =	sshll.u32 s15, $0x3  }
0x4c: {  	[tilespmem:s22+$0x0 ss:$0x11] =	vst.msk $0xffff, v54;
	s15 =	sor.u32 $0x150, s20;
	s5 =	sand.u32 $0x1800, s8;
	s21 =	sshra.s32 s11, $0x2  }
0x4d: {  	v57 =	vld.idx.msk [tilespmem:v0+s7+$0x60 ss:$0x1], $0xffff;
	s11 =	smul.u32 $0x44, s15;
	s15 =	sshll.u32 s15, $0x3;
	[tilespmem:s26+$0x0 ss:$0x11] =	vst.msk $0xffff, v3;
	s26 =	sor.u32 $0x180, s20  }
0x4e: {  	[tilespmem:s27+$0x0 ss:$0x11] =	vst.msk $0xffff, v56;
	v3 =	vld.idx.msk [tilespmem:v0+s14+$0x10 ss:$0x1], $0xffff;
	s14 =	sor.u32 $0x1F0, s20;
	s3 =	sadd.s32 s21, s19;
	s21 =	sor.u32 $0x160, s20  }
0x4f: {  	[tilespmem:s24+$0x0 ss:$0x11] =	vst.msk $0xffff, v1;
	v1 =	vld.idx.msk [tilespmem:v0+s6+$0x70 ss:$0x1], $0xffff;
	s7 =	sand.u32 $0x1800, s15;
	s27 =	smul.u32 $0x44, s26;
	s15 =	sshll.u32 s26, $0x3  }
0x50: {  	[tilespmem:s25+$0x0 ss:$0x11] =	vst.msk $0xffff, v2;
	v2 =	vld.idx.msk [tilespmem:v0+s2+$0x0 ss:$0x1], $0xffff;
	s26 =	sor.u32 $0x1A0, s20;
	s22 =	sshra.s32 s11, $0x2;
	s23 =	smul.u32 $0x44, s21  }
0x51: {  	s21 =	sshll.u32 s21, $0x3;
	s6 =	sadd.s32 s22, s19;
	s22 =	sor.u32 $0x170, s20  }
0x52: {  	s2 =	sand.u32 $0x1800, s21;
	s21 =	sor.u32 $0x190, s20;
	s23 =	sshra.s32 s23, $0x2  }
0x53: {  	v58 =	vld.idx.msk [tilespmem:v0+s13+$0x20 ss:$0x1], $0xffff;
	s24 =	smul.u32 $0x44, s22;
	s25 =	sshll.u32 s22, $0x3;
	s22 =	sand.u32 $0x3FFFFFF8, s15  }
0x54: {  	v59 =	vld.idx.msk [tilespmem:v0+s1+$0x30 ss:$0x1], $0xffff;
	s8 =	sadd.s32 s23, s19;
	s13 =	sand.u32 $0x1800, s25;
	[tilespmem:s29+$0x0 ss:$0x11] =	vst.msk $0xffff, v1;
	s23 =	sshra.s32 s27, $0x2  }
0x55: {  	v1 =	vld.idx.msk [tilespmem:v0+s5+$0x40 ss:$0x1], $0xffff;
	[tilespmem:s30+$0x0 ss:$0x11] =	vst.msk $0xffff, v2;
	s25 =	sshll.u32 s21, $0x3;
	s29 =	smul.u32 $0x44, s26;
	s30 =	sshll.u32 s26, $0x3  }
0x56: {  	v2 =	vld.idx.msk [tilespmem:v0+s7+$0x50 ss:$0x1], $0xffff;
	[tilespmem:s31+$0x0 ss:$0x11] =	vst.msk $0xffff, v3;
	s31 =	sor.u32 $0x1B0, s20;
	s11 =	sshra.s32 s24, $0x2;
	s24 =	smul.u32 $0x44, s21  }
0x57: {  	[tilespmem:s28+$0x0 ss:$0x11] =	vst.msk $0xffff, v57;
	v3 =	vld.idx.msk [tilespmem:v0+s2+$0x60 ss:$0x1], $0xffff;
	s7 =	sadd.s32 s23, s19;
	s27 =	sand.u32 $0x1C00, s25;
	s15 =	sand.u32 $0x1C00, s30  }
0x58: {  	[tilespmem:s0+$0x0 ss:$0x11] =	vst.msk $0xffff, v58;
	v61 =	vld.idx.msk [tilespmem:v0+s22+$0x0 ss:$0x1], $0xffff;
	s22 =	sshll.u32 s31, $0x3;
	s25 =	sor.u32 $0x1C0, s20;
	s26 =	smul.u32 $0x44, s31  }
0x59: {  	[tilespmem:s4+$0x0 ss:$0x11] =	vst.msk $0xffff, v59;
	v60 =	vld.idx.msk [tilespmem:v0+s13+$0x70 ss:$0x1], $0xffff;
	s31 =	sor.u32 $0x1E0, s20;
	s1 =	sadd.s32 s11, s19;
	s21 =	sshra.s32 s29, $0x2  }
0x5a: {  	s13 =	sshll.u32 s31, $0x3;
	s28 =	sshra.s32 s24, $0x2;
	s24 =	sand.u32 $0x1C00, s22;
	[tilespmem:s3+$0x0 ss:$0x11] =	vst.msk $0xffff, v1;
	v1 =	vld.idx.msk [tilespmem:v0+s27+$0x10 ss:$0x1], $0xffff  }
0x5b: {  	s0 =	sadd.s32 s28, s19;
	s28 =	sor.u32 $0x1D0, s20;
	[tilespmem:s6+$0x0 ss:$0x11] =	vst.msk $0xffff, v2;
	v2 =	vld.idx.msk [tilespmem:v0+s15+$0x20 ss:$0x1], $0xffff;
	s27 =	sshll.u32 s25, $0x3  }
0x5c: {  	s5 =	smul.u32 $0x44, s25;
	[tilespmem:s8+$0x0 ss:$0x11] =	vst.msk $0xffff, v3;
	v3 =	vld.idx.msk [tilespmem:v0+s24+$0x30 ss:$0x1], $0xffff;
	s30 =	sshll.u32 s28, $0x3;
	s29 =	sand.u32 $0x1C00, s27  }
0x5d: {  	s23 =	sadd.s32 s21, s19;
	s21 =	sshra.s32 s26, $0x2;
	[tilespmem:s7+$0x0 ss:$0x11] =	vst.msk $0xffff, v61;
	s6 =	sand.u32 $0x1C00, s30;
	v62 =	vld.idx.msk [tilespmem:v0+s29+$0x40 ss:$0x1], $0xffff  }
0x5e: {  	s26 =	smul.u32 $0x44, s14;
	s20 =	sshll.u32 s14, $0x3;
	s15 =	sand.u32 $0x1C00, s13;
	[tilespmem:s1+$0x0 ss:$0x11] =	vst.msk $0xffff, v60;
	v63 =	vld.idx.msk [tilespmem:v0+s6+$0x50 ss:$0x1], $0xffff  }
0x5f: {  	p1 =	por p0, p0;
	s22 =	smul.u32 $0x44, s28;
	s3 =	sand.u32 $0x1C00, s20;
	[tilespmem:s0+$0x0 ss:$0x11] =	vst.msk $0xffff, v1;
	v1 =	vld.idx.msk [tilespmem:v0+s15+$0x60 ss:$0x1], $0xffff  }
0x60: {  	s24 =	smul.u32 $0x44, s31;
	[tilespmem:s23+$0x0 ss:$0x11] =	vst.msk $0xffff, v2;
	v2 =	vld.idx.msk [tilespmem:v0+s3+$0x70 ss:$0x1], $0xffff;
	s0 =	sadd.s32 s21, s19;
	s23 =	sshra.s32 s5, $0x2  }
.Ltmp3:
0x61: {  	s1 =	sshra.s32 s22, $0x2;
	[tilespmem:s0+$0x0 ss:$0x11] =	vst.msk $0xffff, v3;
	s25 =	sadd.s32 s23, s19;
	(pc) =	sbr.rel @p1 .LBB1_4-.Ltmp3, $4  }
0x62: {  	s28 =	sshra.s32 s24, $0x2;
	s27 =	sadd.s32 s1, s19;
	[tilespmem:s25+$0x0 ss:$0x11] =	vst.msk $0xffff, v62  }
0x63: {  	s30 =	sshra.s32 s26, $0x2;
	s29 =	sadd.s32 s28, s19;
	[tilespmem:s27+$0x0 ss:$0x11] =	vst.msk $0xffff, v63  }
0x64: {  	s31 =	sadd.s32 s30, s19;
	[tilespmem:s29+$0x0 ss:$0x11] =	vst.msk $0xffff, v1  }
0x65: {  	p0 =	por $0x0, $0x0;
	s20 =	simm.s32 $0x200;
	[tilespmem:s31+$0x0 ss:$0x11] =	vst.msk $0xffff, v2  }
0x66: {  	s18 =	sadd.s32 $0x1, s18  }
0x67: {  	p0 =	sne.s32 s18, $0x10  }
.Ltmp4:
0x68: {  	_ = 	snop;
	(pc) =	sbr.rel @p0 .LBB1_3-.Ltmp4, $1  }
0x69: {  	_ =	sdelay $0x3  }
0x6a: {  	s0 =	rddreg [dreg:$0xa]  }
0x6b: {  	s4 =	rddreg [dreg:$0x8]  }
0x6c: {  	s26 =	rddreg [dreg:$0x9]  }
0x6d: {  	s3 =	rddreg [dreg:$0x4]  }
0x6e: {  	s7 =	rddreg [dreg:$0x2]  }
0x6f: {  	s8 =	rddreg [dreg:$0x3]  }
0x70: {  	s31 =	simm.s32 $0x80;
	s6 =	stileid.u32;
	s11 =	rddreg [dreg:$0x5]  }
0x71: {  	s13 =	rddreg [dreg:$0x6];
	s0 =	sshll.u32 s0, $0x7;
	s1 =	sshll.u32 s4, $0x3  }
0x72: {  	s27 =	sshrl.u32 s4, $0x3;
	s2 =	sand.u32 $0x7FFC00, s0;
	s1 =	sand.u32 $0x7FFC00, s1  }
0x73: {  	s28 =	sand.u32 $0x7, s4;
	s0 =	sand.u32 $0x380, s0;
	s1 =	sadd.s32 s1, s2  }
.Ltmp5:
0x74: {  	s0 =	sor.u32 s0, s1;
	s1 =	sshll.u32 s26, $0x14;
	(pc) =	sbr.rel .LBB1_7-.Ltmp5, $4  }
0x75: {  	s2 =	sand.u32 $0xF, s27;
	s0 =	sshrl.u32 s0, $0x3;
	s1 =	sadd.s32 s3, s1  }
0x76: {  	s29 =	sshll.u32 s28, $0x12;
	s0 =	sand.u32 $0xFFFF0, s0;
	s1 =	sadd.s32 s2, s1  }
0x77: {  	s14 =	rddreg [dreg:$0x7];
	s30 =	sor.u32 $0x10, s29;
	s0 =	sadd.s32 s0, s1  }
0x78: {  	[hbm4b:s0+s30] =	stream.strided.scatter [tilespmem:s16], [sflag:$0x2], $0x4000, s31, s30, $0x8;
	[tilespmem:$0x10800] =	vst v63  }
.LBB1_8:
0x79: {  	_ =	sfence.sel $0x180000  }
0x7a: {  	s0 =	simm.s32 $0x1;
	[bflag:$0x0] =	sbarrier.arrive $0xFFFF  }
0x7b: {  	s31 =	simm.s32 $0x2;
	[sflag:s0] =	ssyncpa.u1 $0x1  }
0x7c: {  	[sflag:s31] =	ssyncpa.u1 $0x1  }
0x7d: {  	_ =	strace $0x90000047  }
0x7e: {  	[bflag:$0x2] =	sbarrier.arrive $0xFFFF  }
0x7f: {  	p0 =	sne.s32 s6, $0x0;
	s0 =	rddreg [dreg:$0x1]  }
0x80: {  	s0 =	sadd.s32 @!p0 $0x100000, s0  }
0x81: {  	[sflag:s0] =	ssyncadd.tile.s32 @!p0 $0x1;
	_ =	shalt  }
.Lfunc_end1:
_tile_overlayer_lowered:
.L_overlay_start_2:
0x82: {  	(tag) =	ssettag $0x2  }
0x83: {  	s0 =	rddreg [dreg:$0x0];
	s2 =	stileid.u32  }
0x84: {  	s1 =	rddreg [dreg:$0x1];
	p0 =	sne.s32 s2, $0x0  }
0x85: {  	s3 =	rddreg [dreg:$0x2];
	[bflag:$0x3] =	sbarrier.arrive $0xFFFF;
	s2 =	simm.s32 @!p0 $0x1C01  }
0x86: {  	[timem:s3], [sflag:s2] =	dma.local @!p0 [hbm:s0], s1  }
0x87: {  	s0 =	simm.s32 @!p0 $0x1  }
0x88: {  	_ =	swait.ge @!p0 [sflag:s0], s1  }
0x89: {  	s1 =	ssub.s32 @!p0 $0x0, s1;
	[sflag:s0] =	ssyncset.done @!p0 $0x0  }
0x8a: {  	[sflag:s0] =	ssyncadd.s32 @!p0 s1  }
0x8b: {  	[bflag:$0x3] =	sbarrier.arrive $0xFFFF  }
0x8c: {  	_ =	shalt  }

// kernel: sparse-core-data-format-call.cloned.1.call-start
scs
called_computation_lowered:
.L_overlay_start_0:
0x0: {  	s2 =	sld [smem:$0x3FD9]  }
0x1: {  	s3 =	sld [smem:$0x3FFE];
	_ =	sdelay $0x1  }
0x2: {  	s1 =	srdreg.scid  }
0x3: {  	s0 =	sand.u32 $0x1, s1  }
0x4: {  	s18 =	sshll.u32 s0, $0xA;
	s2 =	sadd.s32 s3, s2  }
0x5: {  	s2 =	sadd.s32 s2, s18  }
0x6: {  	[smem:$0x3F9D] =	sst s2  }
0x7: {  	_ = 	snop  }
0x8: {  	(tm) =	ssettm $0x1  }
0x9: {  	s19 =	sld [smem:$0x3FFB];
	_ =	sdelay $0x3  }
0xa: {  	_ =	strace s19  }
0xb: {  	s2 =	sld [smem:$0x3FFC];
	_ =	sdelay $0x3  }
0xc: {  	_ =	strace s2  }
0xd: {  	s2 =	sld [smem:$0x3FFD];
	_ =	sdelay $0x3  }
0xe: {  	_ =	strace s2  }
0xf: {  	_ =	strace $0x8FFFFFFF  }
0x10: {  	s20 =	sld [smem:$0x3FDB];
	_ =	sdelay $0x1  }
0x11: {  	s21 =	simm.s32 $_scs_section_size  }
0x12: {  	s4 =	simm.s32 $_size__tile_overlayer_lowered;
	s5 =	simm.s32 $_tile_overlayer_lowered  }
0x13: {  	s6 =	simm.s32 $0x1BFF;
	s22 =	sshll.u32 s5, $0x1;
	s3 =	sadd.s32 s21, s20  }
0x14: {  	s23 =	simm.s32 $0x0;
	s4 =	sshll.u32 s4, $0x1;
	s5 =	sadd.s32 s22, s3  }
0x15: {  	[timem:s23], [sflag:s6] =	dma.local [hbm:s5], s4  }
0x16: {  	_ =	swait.ge [sflag:s6], s4  }
0x17: {  	s4 =	ssub.s32 $0x0, s4;
	[sflag:s6] =	ssyncset.done $0x0  }
0x18: {  	[sflag:s6] =	ssyncadd.s32 s4;
	_ =	sdelay $0x1  }
0x19: {  	s24 =	simm.s32 $0x1B8B  }
0x1a: {  	_ =	swait.ge [sflag:s24], $0x1  }
0x1b: {  	[sflag:s24] =	ssyncset.done $0x0  }
0x1c: {  	[sflag:s24] =	ssyncadd.s32 $0xFFFFFFFF  }
0x1d: {  	s4 =	sld [smem:$0x0]  }
0x1e: {  	s5 =	sand.u32 $0xFFFFFFFE, s1  }
0x1f: {  	p0 =	sne.s32 s1, s5  }
0x20: {  	s5 =	sshll.u32 @p0 s5, $0xE  }
0x21: {  	s5 =	sadd.s32 @p0 $0x11B8D, s5;
	s6 =	sshll.u32 @p0 s4, $0x11  }
0x22: {  	s5 =	sor.u32 @p0 s6, s5  }
0x23: {  	[sflag:s5] =	ssyncadd.remote.s32 @p0 $0x1;
	_ =	sdelay $0x1  }
0x24: {  	s5 =	simm.s32 @p0 $0x1B8D  }
0x25: {  	_ =	swait.eq @p0 [sflag:s5], $0x1  }
0x26: {  	[sflag:s5] =	ssyncadd.s32 @p0 $0xFFFFFFFF  }
0x27: {  	s6 =	sshll.u32 @!p0 s1, $0xE  }
0x28: {  	s6 =	sor.u32 @!p0 $0x4000, s6;
	s5 =	simm.s32 @!p0 $0x1B8D  }
0x29: {  	s4 =	sshll.u32 @!p0 s4, $0x11;
	s6 =	sadd.s32 @!p0 $0x11B8D, s6;
	_ =	swait.eq @!p0 [sflag:s5], $0x1  }
0x2a: {  	s4 =	sor.u32 @!p0 s4, s6;
	[sflag:s5] =	ssyncadd.s32 @!p0 $0xFFFFFFFF  }
0x2b: {  	s26 =	simm.s32 $0x1B8E;
	s25 =	sld [smem:$0x3FFE];
	[sflag:s4] =	ssyncadd.remote.s32 @!p0 $0x1  }
0x2c: {  	s27 =	simm.s32 $execute0_lowered;
	[smem:$0x3FD2] =	sst s26  }
0x2d: {  	s5 =	sshll.u32 s27, $0x1;
	_ =	strace $0x80000049;
	[dreg:$0x1] =	wrdreg $0xFFFFFFFF  }
0x2e: {  	s28 =	simm.s32 $_size_execute0_lowered;
	s3 =	sadd.s32 s3, s5;
	[dreg:$0x0] =	wrdreg $0x0  }
0x2f: {  	s5 =	sshll.u32 s28, $0x1;
	[dreg:$0x2] =	wrdreg s3  }
0x30: {  	[dreg:$0x3] =	wrdreg s5  }
0x31: {  	[dreg:$0x4] =	wrdreg $0xC0  }
0x32: {  	_ =	task [dreg:s23], $0x5FFFF  }
0x33: {  	[dreg:$0x1] =	wrdreg $0xFFFFFFFF  }
0x34: {  	[dreg:$0x0] =	wrdreg $0x60  }
0x35: {  	[dreg:$0x2] =	wrdreg s25  }
0x36: {  	[dreg:$0x3] =	wrdreg $0x9  }
0x37: {  	_ =	task.clear_ibuf [dreg:s23], $0x4FFFF;
	_ =	strace $0x90000049  }
0x38: {  	s29 =	simm.s32 $0x9;
	_ =	strace $0x8000004B  }
0x39: {  	_ =	swait.ge [sflag:s29], $0x1  }
0x3a: {  	[sflag:s29] =	ssyncadd.s32 $0xFFFFFFFF  }
0x3b: {  	_ =	strace $0x9000004B  }
0x3c: {  	_ =	sfence  }
0x3d: {  	s30 =	sld [smem:$0x0];
	_ =	sdelay $0x2  }
0x3e: {  	s31 =	sshll.u32 s1, $0xD;
	s1 =	sshrl.u32 s1, $0x2  }
0x3f: {  	s4 =	sand.u32 $0x4000, s31;
	s1 =	sadd.s32 s1, s30  }
0x40: {  	s0 =	sor.u32 s4, s0;
	s1 =	sshll.u32 s1, $0x11  }
0x41: {  	s0 =	sor.u32 s1, s0  }
0x42: {  	s0 =	sadd.s32 $0x8F2B, s0  }
0x43: {  	[sflag:s0] =	ssyncadd.remote.s32 $0x1  }
0x44: {  	_ =	sfence.sel $0xFFFF  }
0x45: {  	[dreg:$0x0] =	wrdreg $0xFFFFFFFF;
	(pc) =	sbr.abs _section_cstart, $3  }
0x46: {  	[dreg:$0x1] =	wrdreg $0xFFFFFFFF  }
0x47: {  	_ =	task.clear_ibuf [dreg:s23], $0x2FFFF;
	_ =	strace $0x9FFFFFFF  }
0x48: {  	(tm) =	ssettm $0x7FFFFFFF  }
0x49: {  	_ =	shalt  }
tec
execute0_lowered:
.L_overlay_start_1:
0x0: {  	(tag) =	ssettag $0x1  }
0x1: {  	s0 =	srdreg.scid  }
0x2: {  	s1 =	rddreg [dreg:$0x0];
	_ =	strace $0x8000004A;
	s6 =	stileid.u32  }
0x3: {  	s2 =	simm.s32 $0x1;
	s3 =	simm.s32 $0x2;
	s17 =	simm.s32 $0x0  }
0x4: {  	s15 =	simm.s32 $0x0;
	s16 =	simm.s32 $0x0;
	s0 =	sshll.u32 s0, $0xA  }
0x5: {  	s10 =	simm.s32 $0x0;
	s14 =	stileid.u32;
	s7 =	sand.u32 $0x400, s0  }
0x6: {  	s8 =	sadd.s32 $0xC400, s1;
	s1 =	sadd.s32 $0x180C200, s1;
	s0 =	ssub.s32 $0x10000, s7  }
.Ltmp0:
0x7: {  	[dreg:$0x4] =	wrdreg s1;
	s31 =	sshrl.u32 s0, $0xA;
	(pc) =	sbr.rel .LBB1_1-.Ltmp0, $4  }
0x8: {  	[dreg:$0x3] =	wrdreg s8;
	s0 =	sshrl.u32 s0, $0xB;
	s1 =	sand.u32 $0x1, s31  }
0x9: {  	s12 =	simm.s32 $0x0;
	[dreg:$0x2] =	wrdreg s7;
	s11 =	sadd.s32 s0, s1  }
0xa: {  	[sflag:s2] =	ssyncpa.u1 $0x0;
	s13 =	sadd.s32 $0x1, s11;
	[dreg:$0x5] =	wrdreg s11  }
0xb: {  	[sflag:s3] =	ssyncpa.u1 $0x0;
	s9 =	smov.u32 s7;
	[dreg:$0x6] =	wrdreg s13  }
.LBB1_7:
0xc: {  	s0 =	sadd.s32 $0x800, s9  }
0xd: {  	s1 =	sadd.s32 $0x10, s10;
	s2 =	smov.u32 s10;
	p1 =	sgt.s32 s0, $0xFFFF  }
0xe: {  	s2 =	smov.u32 @p1 s1  }
0xf: {  	s3 =	sadd.s32 $0x10, s14;
	s4 =	smov.u32 s14;
	p2 =	sgt.s32 s2, $0xF  }
0x10: {  	s4 =	smov.u32 @p2 s3  }
0x11: {  	s0 =	smov.u32 @p1 s7;
	p1 =	sgt.s32 s4, $0xF  }
0x12: {  	p0 =	slt.u32 s12, $0x2;
	s4 =	smov.u32 @p1 s6;
	p1 =	sne.s32 s12, s13  }
.Ltmp1:
0x13: {  	s1 =	simm.s32 @!p0 $0x2;
	(pc) =	sbr.rel @!p1 .LBB1_8-.Ltmp1, $4  }
0x14: {  	s17 =	smov.u32 s9;
	_ =	swait.ge @!p0 [sflag:s1], $0x4000  }
0x15: {  	s15 =	smov.u32 s10;
	s16 =	smov.u32 s14;
	[sflag:s1] =	ssyncset.done @!p0 $0x0  }
0x16: {  	s9 =	smov.u32 s0;
	s2 =	simm.s32 @p2 $0x0;
	[sflag:s1] =	ssyncadd.s32 @!p0 $0xFFFFC000  }
0x17: {  	s10 =	smov.u32 s2;
	s12 =	sadd.s32 $0x1, s12;
	s14 =	smov.u32 s4  }
.LBB1_1:
0x18: {  	p0 =	sge.u32 s12, s11;
	s31 =	sadd.s32 $0xFFFFFFFF, s12  }
0x19: {  	s0 =	sxor.u32 @!p0 $0xFFFFFFFF, s12;
	s1 =	sand.u32 @!p0 $0x78, s9;
	s3 =	sshll.u32 @!p0 s10, $0x10  }
0x1a: {  	s4 =	sshll.u32 @!p0 s10, $0x7;
	s5 =	sshll.u32 @!p0 s9, $0x3;
	s0 =	sshll.u32 @!p0 s0, $0xE  }
0x1b: {  	s3 =	sand.u32 @!p0 $0x80000, s3;
	s4 =	sand.u32 @!p0 $0x380, s4;
	s0 =	sand.u32 @!p0 $0x4000, s0  }
0x1c: {  	s3 =	sadd.s32 @!p0 s3, s5;
	s5 =	sand.u32 @!p0 $0xFC00, s5;
	s1 =	sor.u32 @!p0 s4, s1  }
0x1d: {  	s4 =	sshll.u32 @!p0 s14, $0x11;
	s1 =	sor.u32 @!p0 s5, s1;
	s3 =	sshrl.u32 @!p0 s3, $0x3  }
0x1e: {  	s4 =	sadd.s32 @!p0 s8, s4;
	s5 =	sand.u32 @!p0 $0x7, s9;
	s3 =	sand.u32 @!p0 $0x1E000, s3  }
0x1f: {  	s1 =	sshrl.u32 @!p0 s1, $0x3;
	s3 =	sadd.s32 @!p0 s3, s4;
	s4 =	sshll.u32 @!p0 s5, $0x12  }
0x20: {  	s1 =	sadd.s32 @!p0 s1, s3;
	s3 =	sor.u32 @!p0 $0x2000, s4;
	s4 =	simm.s32 @!p0 $0x80000  }
0x21: {  	[tilespmem:s0], [sflag:$0x1] =	stream.strided.gather @!p0 [hbm4b:s1+s3], $0x4000, s4, s3, $0x38;
	[tilespmem:$0x10800] =	vst v63  }
0x22: {  	p0 =	sge.u32 s31, s11  }
.Ltmp2:
0x23: {  	_ = 	snop;
	(pc) =	sbr.rel @p0 .LBB1_7-.Ltmp2, $1  }
0x24: {  	_ =	sdelay $0x3  }
0x25: {  	[dreg:$0xa] =	wrdreg s17  }
0x26: {  	[dreg:$0x9] =	wrdreg s16  }
0x27: {  	[dreg:$0x8] =	wrdreg s15;
	s0 =	sand.u32 $0x1, s12  }
0x28: {  	[dreg:$0x7] =	wrdreg s14;
	s2 =	simm.s32 $0x1;
	s1 =	smul.u32 $0x11000, s0  }
0x29: {  	_ =	swait.ge [sflag:s2], $0x4000  }
0x2a: {  	s18 =	simm.s32 $0x0;
	[sflag:s2] =	ssyncset.done $0x0;
	s1 =	sshrl.u32 s1, $0x2  }
0x2b: {  	s17 =	sshll.u32 s0, $0xE;
	[sflag:s2] =	ssyncadd.s32 $0xFFFFC000;
	s16 =	sor.u32 $0x8000, s1  }
.LBB1_3:
0x2c: {  	s0 =	sshll.u32 s18, $0xA  }
0x2d: {  	s1 =	sshll.u32 s18, $0x7;
	s0 =	sand.u32 $0x2000, s0  }
0x2e: {  	s1 =	sand.u32 $0x380, s1;
	s0 =	sadd.s32 s0, s17  }
0x2f: {  	s0 =	sadd.s32 s1, s0  }
0x30: {  	s19 =	sadd.s32 s18, s16;
	p0 =	por $0x1, $0x1;
	s20 =	simm.s32 $0x0;
	v0 =	vmov s0  }
.LBB1_4:
0x31: {  	s0 =	smul.u32 $0x44, s20;
	s1 =	sshll.u32 s20, $0x3;
	s3 =	sor.u32 $0x80, s20  }
0x32: {  	s15 =	sor.u32 $0x90, s20;
	s24 =	sor.u32 $0xA0, s20;
	s28 =	sor.u32 $0xB0, s20  }
0x33: {  	s7 =	sor.u32 $0xC0, s20;
	s2 =	sor.u32 $0xD0, s20;
	s13 =	smul.u32 $0x44, s3  }
0x34: {  	s31 =	sand.u32 $0x3FFFFFF8, s1;
	s14 =	sshll.u32 s3, $0x3;
	s4 =	smul.u32 $0x44, s15  }
0x35: {  	s23 =	sshll.u32 s15, $0x3;
	s26 =	smul.u32 $0x44, s24;
	s27 =	sshll.u32 s24, $0x3  }
0x36: {  	s5 =	smul.u32 $0x44, s28;
	s3 =	sshll.u32 s28, $0x3;
	s30 =	sshll.u32 s7, $0x3  }
0x37: {  	s11 =	sshll.u32 s2, $0x3;
	s0 =	sshra.s32 s0, $0x2;
	s8 =	sand.u32 $0x1400, s23  }
0x38: {  	s0 =	sadd.s32 s0, s16;
	s1 =	sshra.s32 s13, $0x2;
	s25 =	sshra.s32 s4, $0x2  }
0x39: {  	s4 =	sshra.s32 s26, $0x2;
	s29 =	sshra.s32 s5, $0x2;
	s26 =	smul.u32 $0x44, s7  }
0x3a: {  	s5 =	sand.u32 $0x1400, s30;
	s13 =	sor.u32 $0xE0, s20;
	s21 =	sadd.s32 s18, s0  }
0x3b: {  	s0 =	sand.u32 $0x3FFFFFF8, s14;
	s22 =	sadd.s32 s1, s19;
	s23 =	sadd.s32 s25, s19  }
0x3c: {  	s1 =	sand.u32 $0x1400, s27;
	s24 =	sadd.s32 s4, s19;
	s4 =	sand.u32 $0x1400, s3  }
0x3d: {  	s25 =	sadd.s32 s29, s19;
	s27 =	smul.u32 $0x44, s2;
	s3 =	sand.u32 $0x1400, s11  }
0x3e: {  	v3 =	vld.idx.msk [tilespmem:v0+s31+$0x20 ss:$0x1], $0xffff;
	s28 =	smul.u32 $0x44, s13;
	s7 =	sshll.u32 s13, $0x3;
	s29 =	sor.u32 $0xF0, s20  }
0x3f: {  	v1 =	vld.idx.msk [tilespmem:v0+s31+$0x0 ss:$0x1], $0xffff;
	s2 =	sor.u32 $0x100, s20;
	s13 =	sor.u32 $0x120, s20;
	s30 =	smul.u32 $0x44, s29  }
0x40: {  	v2 =	vld.idx.msk [tilespmem:v0+s31+$0x10 ss:$0x1], $0xffff;
	s6 =	sshra.s32 s26, $0x2;
	s7 =	sand.u32 $0x1400, s7;
	s15 =	smul.u32 $0x44, s2  }
0x41: {  	v4 =	vld.idx.msk [tilespmem:v0+s31+$0x30 ss:$0x1], $0xffff;
	s29 =	sshll.u32 s29, $0x3;
	s2 =	sshll.u32 s2, $0x3;
	s11 =	smul.u32 $0x44, s13  }
0x42: {  	v5 =	vld.idx.msk [tilespmem:v0+s31+$0x40 ss:$0x1], $0xffff;
	s13 =	sshll.u32 s13, $0x3;
	s26 =	sadd.s32 s6, s19;
	s14 =	sshra.s32 s30, $0x2  }
0x43: {  	s6 =	sand.u32 $0x1400, s29;
	[tilespmem:s21+$0x220 ss:$0x11] =	vst.msk $0xffff, v3;
	v3 =	vld.idx.msk [tilespmem:v0+s31+$0x70 ss:$0x1], $0xffff;
	s29 =	sadd.s32 s14, s19;
	s14 =	sor.u32 $0x110, s20  }
0x44: {  	v55 =	vld.idx.msk [tilespmem:v0+s8+$0x10 ss:$0x1], $0xffff;
	s27 =	sshra.s32 s27, $0x2;
	s30 =	sshra.s32 s15, $0x2;
	[tilespmem:s21+$0x0 ss:$0x11] =	vst.msk $0xffff, v1;
	s15 =	smul.u32 $0x44, s14  }
0x45: {  	s28 =	sshra.s32 s28, $0x2;
	s2 =	sand.u32 $0x3FFFFFF8, s2;
	s13 =	sand.u32 $0x1800, s13;
	v1 =	vld.idx.msk [tilespmem:v0+s31+$0x50 ss:$0x1], $0xffff;
	[tilespmem:s21+$0x110 ss:$0x11] =	vst.msk $0xffff, v2  }
0x46: {  	s27 =	sadd.s32 s27, s19;
	s28 =	sadd.s32 s28, s19;
	v2 =	vld.idx.msk [tilespmem:v0+s31+$0x60 ss:$0x1], $0xffff;
	[tilespmem:s21+$0x330 ss:$0x11] =	vst.msk $0xffff, v4;
	s15 =	sshra.s32 s15, $0x2  }
0x47: {  	v54 =	vld.idx.msk [tilespmem:v0+s0+$0x0 ss:$0x1], $0xffff;
	s0 =	sshra.s32 s11, $0x2;
	[tilespmem:s21+$0x440 ss:$0x11] =	vst.msk $0xffff, v5;
	s31 =	sadd.s32 s15, s19;
	s15 =	sor.u32 $0x130, s20  }
0x48: {  	s30 =	sadd.s32 s30, s19;
	s0 =	sadd.s32 s0, s19;
	[tilespmem:s21+$0x770 ss:$0x11] =	vst.msk $0xffff, v3;
	v3 =	vld.idx.msk [tilespmem:v0+s5+$0x40 ss:$0x1], $0xffff;
	s11 =	smul.u32 $0x44, s15  }
0x49: {  	v56 =	vld.idx.msk [tilespmem:v0+s3+$0x50 ss:$0x1], $0xffff;
	[tilespmem:s23+$0x0 ss:$0x11] =	vst.msk $0xffff, v55;
	s14 =	sshll.u32 s14, $0x3;
	s8 =	sshll.u32 s15, $0x3;
	s15 =	sor.u32 $0x140, s20  }
0x4a: {  	[tilespmem:s21+$0x550 ss:$0x11] =	vst.msk $0xffff, v1;
	v1 =	vld.idx.msk [tilespmem:v0+s1+$0x20 ss:$0x1], $0xffff;
	s1 =	sand.u32 $0x1800, s8;
	s8 =	sshra.s32 s11, $0x2;
	s11 =	smul.u32 $0x44, s15  }
0x4b: {  	s14 =	sand.u32 $0x1800, s14;
	[tilespmem:s21+$0x660 ss:$0x11] =	vst.msk $0xffff, v2;
	v2 =	vld.idx.msk [tilespmem:v0+s4+$0x30 ss:$0x1], $0xffff;
	s4 =	sadd.s32 s8, s19;
	s8 =	sshll.u32 s15, $0x3  }
0x4c: {  	[tilespmem:s22+$0x0 ss:$0x11] =	vst.msk $0xffff, v54;
	s15 =	sor.u32 $0x150, s20;
	s5 =	sand.u32 $0x1800, s8;
	s21 =	sshra.s32 s11, $0x2  }
0x4d: {  	v57 =	vld.idx.msk [tilespmem:v0+s7+$0x60 ss:$0x1], $0xffff;
	s11 =	smul.u32 $0x44, s15;
	s15 =	sshll.u32 s15, $0x3;
	[tilespmem:s26+$0x0 ss:$0x11] =	vst.msk $0xffff, v3;
	s26 =	sor.u32 $0x180, s20  }
0x4e: {  	[tilespmem:s27+$0x0 ss:$0x11] =	vst.msk $0xffff, v56;
	v3 =	vld.idx.msk [tilespmem:v0+s14+$0x10 ss:$0x1], $0xffff;
	s14 =	sor.u32 $0x1F0, s20;
	s3 =	sadd.s32 s21, s19;
	s21 =	sor.u32 $0x160, s20  }
0x4f: {  	[tilespmem:s24+$0x0 ss:$0x11] =	vst.msk $0xffff, v1;
	v1 =	vld.idx.msk [tilespmem:v0+s6+$0x70 ss:$0x1], $0xffff;
	s7 =	sand.u32 $0x1800, s15;
	s27 =	smul.u32 $0x44, s26;
	s15 =	sshll.u32 s26, $0x3  }
0x50: {  	[tilespmem:s25+$0x0 ss:$0x11] =	vst.msk $0xffff, v2;
	v2 =	vld.idx.msk [tilespmem:v0+s2+$0x0 ss:$0x1], $0xffff;
	s26 =	sor.u32 $0x1A0, s20;
	s22 =	sshra.s32 s11, $0x2;
	s23 =	smul.u32 $0x44, s21  }
0x51: {  	s21 =	sshll.u32 s21, $0x3;
	s6 =	sadd.s32 s22, s19;
	s22 =	sor.u32 $0x170, s20  }
0x52: {  	s2 =	sand.u32 $0x1800, s21;
	s21 =	sor.u32 $0x190, s20;
	s23 =	sshra.s32 s23, $0x2  }
0x53: {  	v58 =	vld.idx.msk [tilespmem:v0+s13+$0x20 ss:$0x1], $0xffff;
	s24 =	smul.u32 $0x44, s22;
	s25 =	sshll.u32 s22, $0x3;
	s22 =	sand.u32 $0x3FFFFFF8, s15  }
0x54: {  	v59 =	vld.idx.msk [tilespmem:v0+s1+$0x30 ss:$0x1], $0xffff;
	s8 =	sadd.s32 s23, s19;
	s13 =	sand.u32 $0x1800, s25;
	[tilespmem:s29+$0x0 ss:$0x11] =	vst.msk $0xffff, v1;
	s23 =	sshra.s32 s27, $0x2  }
0x55: {  	v1 =	vld.idx.msk [tilespmem:v0+s5+$0x40 ss:$0x1], $0xffff;
	[tilespmem:s30+$0x0 ss:$0x11] =	vst.msk $0xffff, v2;
	s25 =	sshll.u32 s21, $0x3;
	s29 =	smul.u32 $0x44, s26;
	s30 =	sshll.u32 s26, $0x3  }
0x56: {  	v2 =	vld.idx.msk [tilespmem:v0+s7+$0x50 ss:$0x1], $0xffff;
	[tilespmem:s31+$0x0 ss:$0x11] =	vst.msk $0xffff, v3;
	s31 =	sor.u32 $0x1B0, s20;
	s11 =	sshra.s32 s24, $0x2;
	s24 =	smul.u32 $0x44, s21  }
0x57: {  	[tilespmem:s28+$0x0 ss:$0x11] =	vst.msk $0xffff, v57;
	v3 =	vld.idx.msk [tilespmem:v0+s2+$0x60 ss:$0x1], $0xffff;
	s7 =	sadd.s32 s23, s19;
	s27 =	sand.u32 $0x1C00, s25;
	s15 =	sand.u32 $0x1C00, s30  }
0x58: {  	[tilespmem:s0+$0x0 ss:$0x11] =	vst.msk $0xffff, v58;
	v61 =	vld.idx.msk [tilespmem:v0+s22+$0x0 ss:$0x1], $0xffff;
	s22 =	sshll.u32 s31, $0x3;
	s25 =	sor.u32 $0x1C0, s20;
	s26 =	smul.u32 $0x44, s31  }
0x59: {  	[tilespmem:s4+$0x0 ss:$0x11] =	vst.msk $0xffff, v59;
	v60 =	vld.idx.msk [tilespmem:v0+s13+$0x70 ss:$0x1], $0xffff;
	s31 =	sor.u32 $0x1E0, s20;
	s1 =	sadd.s32 s11, s19;
	s21 =	sshra.s32 s29, $0x2  }
0x5a: {  	s13 =	sshll.u32 s31, $0x3;
	s28 =	sshra.s32 s24, $0x2;
	s24 =	sand.u32 $0x1C00, s22;
	[tilespmem:s3+$0x0 ss:$0x11] =	vst.msk $0xffff, v1;
	v1 =	vld.idx.msk [tilespmem:v0+s27+$0x10 ss:$0x1], $0xffff  }
0x5b: {  	s0 =	sadd.s32 s28, s19;
	s28 =	sor.u32 $0x1D0, s20;
	[tilespmem:s6+$0x0 ss:$0x11] =	vst.msk $0xffff, v2;
	v2 =	vld.idx.msk [tilespmem:v0+s15+$0x20 ss:$0x1], $0xffff;
	s27 =	sshll.u32 s25, $0x3  }
0x5c: {  	s5 =	smul.u32 $0x44, s25;
	[tilespmem:s8+$0x0 ss:$0x11] =	vst.msk $0xffff, v3;
	v3 =	vld.idx.msk [tilespmem:v0+s24+$0x30 ss:$0x1], $0xffff;
	s30 =	sshll.u32 s28, $0x3;
	s29 =	sand.u32 $0x1C00, s27  }
0x5d: {  	s23 =	sadd.s32 s21, s19;
	s21 =	sshra.s32 s26, $0x2;
	[tilespmem:s7+$0x0 ss:$0x11] =	vst.msk $0xffff, v61;
	s6 =	sand.u32 $0x1C00, s30;
	v62 =	vld.idx.msk [tilespmem:v0+s29+$0x40 ss:$0x1], $0xffff  }
0x5e: {  	s26 =	smul.u32 $0x44, s14;
	s20 =	sshll.u32 s14, $0x3;
	s15 =	sand.u32 $0x1C00, s13;
	[tilespmem:s1+$0x0 ss:$0x11] =	vst.msk $0xffff, v60;
	v63 =	vld.idx.msk [tilespmem:v0+s6+$0x50 ss:$0x1], $0xffff  }
0x5f: {  	p1 =	por p0, p0;
	s22 =	smul.u32 $0x44, s28;
	s3 =	sand.u32 $0x1C00, s20;
	[tilespmem:s0+$0x0 ss:$0x11] =	vst.msk $0xffff, v1;
	v1 =	vld.idx.msk [tilespmem:v0+s15+$0x60 ss:$0x1], $0xffff  }
0x60: {  	s24 =	smul.u32 $0x44, s31;
	[tilespmem:s23+$0x0 ss:$0x11] =	vst.msk $0xffff, v2;
	v2 =	vld.idx.msk [tilespmem:v0+s3+$0x70 ss:$0x1], $0xffff;
	s0 =	sadd.s32 s21, s19;
	s23 =	sshra.s32 s5, $0x2  }
.Ltmp3:
0x61: {  	s1 =	sshra.s32 s22, $0x2;
	[tilespmem:s0+$0x0 ss:$0x11] =	vst.msk $0xffff, v3;
	s25 =	sadd.s32 s23, s19;
	(pc) =	sbr.rel @p1 .LBB1_4-.Ltmp3, $4  }
0x62: {  	s28 =	sshra.s32 s24, $0x2;
	s27 =	sadd.s32 s1, s19;
	[tilespmem:s25+$0x0 ss:$0x11] =	vst.msk $0xffff, v62  }
0x63: {  	s30 =	sshra.s32 s26, $0x2;
	s29 =	sadd.s32 s28, s19;
	[tilespmem:s27+$0x0 ss:$0x11] =	vst.msk $0xffff, v63  }
0x64: {  	s31 =	sadd.s32 s30, s19;
	[tilespmem:s29+$0x0 ss:$0x11] =	vst.msk $0xffff, v1  }
0x65: {  	p0 =	por $0x0, $0x0;
	s20 =	simm.s32 $0x200;
	[tilespmem:s31+$0x0 ss:$0x11] =	vst.msk $0xffff, v2  }
0x66: {  	s18 =	sadd.s32 $0x1, s18  }
0x67: {  	p0 =	sne.s32 s18, $0x10  }
.Ltmp4:
0x68: {  	_ = 	snop;
	(pc) =	sbr.rel @p0 .LBB1_3-.Ltmp4, $1  }
0x69: {  	_ =	sdelay $0x3  }
0x6a: {  	s0 =	rddreg [dreg:$0xa]  }
0x6b: {  	s4 =	rddreg [dreg:$0x8]  }
0x6c: {  	s26 =	rddreg [dreg:$0x9]  }
0x6d: {  	s3 =	rddreg [dreg:$0x4]  }
0x6e: {  	s7 =	rddreg [dreg:$0x2]  }
0x6f: {  	s8 =	rddreg [dreg:$0x3]  }
0x70: {  	s31 =	simm.s32 $0x80;
	s6 =	stileid.u32;
	s11 =	rddreg [dreg:$0x5]  }
0x71: {  	s13 =	rddreg [dreg:$0x6];
	s0 =	sshll.u32 s0, $0x7;
	s1 =	sshll.u32 s4, $0x3  }
0x72: {  	s27 =	sshrl.u32 s4, $0x3;
	s2 =	sand.u32 $0x7FFC00, s0;
	s1 =	sand.u32 $0x7FFC00, s1  }
0x73: {  	s28 =	sand.u32 $0x7, s4;
	s0 =	sand.u32 $0x380, s0;
	s1 =	sadd.s32 s1, s2  }
.Ltmp5:
0x74: {  	s0 =	sor.u32 s0, s1;
	s1 =	sshll.u32 s26, $0x14;
	(pc) =	sbr.rel .LBB1_7-.Ltmp5, $4  }
0x75: {  	s2 =	sand.u32 $0xF, s27;
	s0 =	sshrl.u32 s0, $0x3;
	s1 =	sadd.s32 s3, s1  }
0x76: {  	s29 =	sshll.u32 s28, $0x12;
	s0 =	sand.u32 $0xFFFF0, s0;
	s1 =	sadd.s32 s2, s1  }
0x77: {  	s14 =	rddreg [dreg:$0x7];
	s30 =	sor.u32 $0x10, s29;
	s0 =	sadd.s32 s0, s1  }
0x78: {  	[hbm4b:s0+s30] =	stream.strided.scatter [tilespmem:s16], [sflag:$0x2], $0x4000, s31, s30, $0x8;
	[tilespmem:$0x10800] =	vst v63  }
.LBB1_8:
0x79: {  	_ =	sfence.sel $0x180000  }
0x7a: {  	s0 =	simm.s32 $0x1;
	[bflag:$0x0] =	sbarrier.arrive $0xFFFF  }
0x7b: {  	s31 =	simm.s32 $0x2;
	[sflag:s0] =	ssyncpa.u1 $0x1  }
0x7c: {  	[sflag:s31] =	ssyncpa.u1 $0x1  }
0x7d: {  	_ =	strace $0x9000004A  }
0x7e: {  	[bflag:$0x2] =	sbarrier.arrive $0xFFFF  }
0x7f: {  	p0 =	sne.s32 s6, $0x0;
	s0 =	rddreg [dreg:$0x1]  }
0x80: {  	s0 =	sadd.s32 @!p0 $0x100000, s0  }
0x81: {  	[sflag:s0] =	ssyncadd.tile.s32 @!p0 $0x1;
	_ =	shalt  }
.Lfunc_end1:
_tile_overlayer_lowered:
.L_overlay_start_2:
0x82: {  	(tag) =	ssettag $0x2  }
0x83: {  	s0 =	rddreg [dreg:$0x0];
	s2 =	stileid.u32  }
0x84: {  	s1 =	rddreg [dreg:$0x1];
	p0 =	sne.s32 s2, $0x0  }
0x85: {  	s3 =	rddreg [dreg:$0x2];
	[bflag:$0x3] =	sbarrier.arrive $0xFFFF;
	s2 =	simm.s32 @!p0 $0x1C01  }
0x86: {  	[timem:s3], [sflag:s2] =	dma.local @!p0 [hbm:s0], s1  }
0x87: {  	s0 =	simm.s32 @!p0 $0x1  }
0x88: {  	_ =	swait.ge @!p0 [sflag:s0], s1  }
0x89: {  	s1 =	ssub.s32 @!p0 $0x0, s1;
	[sflag:s0] =	ssyncset.done @!p0 $0x0  }
0x8a: {  	[sflag:s0] =	ssyncadd.s32 @!p0 s1  }
0x8b: {  	[bflag:$0x3] =	sbarrier.arrive $0xFFFF  }
0x8c: {  	_ =	shalt  }

</sc_bundles>
